<compile_context>
chip_gen: v7x
topology: tpu7x:2x2x1
jax: 0.10.2.dev20260603
libtpu: 0.0.44.dev20260713+nightly
codegen_flags: <defaults>
</compile_context>

<pallas_src>
import functools

import jax
import jax.numpy as jnp
from jax import lax
from jax.experimental import pallas as pl
from jax.experimental.pallas import tpu as pltpu
from jax.experimental.pallas import tpu_sc as plsc

N = 100000
A = 3200000

NC = 2
NS = 16
NW = NC * NS
L = 16

T = A // NW
B = 800
NBLK = T // B
NJ = B // L
UNROLL = 2

_MAGIC = 0x5F3759DF

_ACOS = (1.5707288, -0.2121144, 0.0742610, -0.0187293)


def _rsqrt(x, iters=2):
    i = plsc.bitcast(x, jnp.int32)
    y = plsc.bitcast(jnp.int32(_MAGIC) - (i >> 1), jnp.float32)
    for _ in range(iters):
        y = y * (1.5 - 0.5 * x * y * y)
    return y


def _acos(x):
    t = jnp.abs(x)
    u = 1.0 - t
    s = u * _rsqrt(jnp.maximum(u, 1e-30))
    p = jnp.full((L,), _ACOS[3], dtype=jnp.float32)
    for c in _ACOS[2::-1]:
        p = p * t + c
    r = s * p
    return jnp.where(x < 0, jnp.float32(jnp.pi) - r, r)


def _sc_body(tab_hbm, a0_hbm, ac_hbm, a2_hbm, th_hbm, kk_hbm, out_hbm,
             tab_sh, idx_v, rows_v, thk_v, acc_v, semS, semG, semT):
    cid = lax.axis_index("c")
    sid = lax.axis_index("s")
    wid = sid * NC + cid

    @pl.when(sid == 0)
    def _():
        pltpu.sync_copy(tab_hbm, tab_sh)
    plsc.subcore_barrier()

    base = wid * T
    iota = lax.iota(jnp.int32, L)
    idx_hbms = (a0_hbm, ac_hbm, a2_hbm)

    def fire_S(b, par):
        off = base + b * B
        for e in range(3):
            pltpu.async_copy(idx_hbms[e].at[pl.ds(off, B)],
                             idx_v[par].at[pl.ds(e * B, B)], semS[par])

    def wait_S(par):
        for e in range(3):
            pltpu.make_async_copy(idx_hbms[e].at[pl.ds(0, B)],
                                  idx_v[par].at[pl.ds(e * B, B)],
                                  semS[par]).wait()

    def fire_G(b, par):
        off = base + b * B
        pltpu.async_copy(tab_sh.at[idx_v[par]], rows_v[par], semG[par])
        pltpu.async_copy(th_hbm.at[pl.ds(off, B)], thk_v[par][0], semT[par])
        pltpu.async_copy(kk_hbm.at[pl.ds(off, B)], thk_v[par][1], semT[par])

    def wait_G(par):
        pltpu.make_async_copy(tab_sh.at[idx_v[par]], rows_v[par],
                              semG[par]).wait()
        for w in range(2):
            pltpu.make_async_copy(th_hbm.at[pl.ds(0, B)], thk_v[par][w],
                                  semT[par]).wait()

    def compute(par, acc):
        rows = rows_v[par]
        th_ref, kk_ref = thk_v[par]
        cvec = [jnp.full((L,), c, jnp.int32) for c in range(3)]

        def one_chunk(rid, sl):
            p0 = [plsc.load_gather(rows, [rid, cvec[c]]) for c in range(3)]
            pc = [plsc.load_gather(rows, [rid + B, cvec[c]])
                  for c in range(3)]
            p2 = [plsc.load_gather(rows, [rid + 2 * B, cvec[c]])
                  for c in range(3)]
            v1x, v1y, v1z = (p0[0] - pc[0], p0[1] - pc[1], p0[2] - pc[2])
            v2x, v2y, v2z = (p2[0] - pc[0], p2[1] - pc[1], p2[2] - pc[2])
            dot = v1x * v2x + v1y * v2y + v1z * v2z
            n1 = v1x * v1x + v1y * v1y + v1z * v1z
            n2 = v2x * v2x + v2y * v2y + v2z * v2z
            inv = _rsqrt(jnp.maximum(n1 * n2, 1e-30))
            cos = jnp.clip(dot * inv, -1.0, 1.0)
            theta = _acos(cos)
            dth = theta - th_ref[sl]
            return dth * dth * kk_ref[sl] * 0.5

        def j_body(j, acc):
            for q in range(UNROLL):
                jj = j * UNROLL + q
                acc = acc + one_chunk(jj * L + iota, pl.ds(jj * L, L))
            return acc

        return lax.fori_loop(0, NJ // UNROLL, j_body, acc)

    fire_S(0, 0)
    fire_S(1, 1)
    wait_S(0)
    fire_G(0, 0)

    def pair_body(p, acc):
        b = 2 * p
        wait_S(1)
        fire_G(b + 1, 1)
        wait_G(0)

        @pl.when(b + 2 < NBLK)
        def _():
            fire_S(b + 2, 0)
        acc = compute(0, acc)

        @pl.when(b + 2 < NBLK)
        def _():
            wait_S(0)
            fire_G(b + 2, 0)
        wait_G(1)

        @pl.when(b + 3 < NBLK)
        def _():
            fire_S(b + 3, 1)
        acc = compute(1, acc)
        return acc

    acc = lax.fori_loop(0, NBLK // 2, pair_body, jnp.zeros((L,), jnp.float32))
    if NBLK % 2:
        wait_G(0)
        acc = compute(0, acc)
    acc_v[...] = acc
    pltpu.sync_copy(acc_v, out_hbm.at[wid])


@jax.jit
def _sc_call(tab, a0, ac, a2, theta0, k):
    mesh = plsc.VectorSubcoreMesh(core_axis_name="c", subcore_axis_name="s")
    f = functools.partial(
        pl.kernel,
        out_type=jax.ShapeDtypeStruct((NW, L), jnp.float32),
        mesh=mesh,
        scratch_types=(
            [pltpu.VMEM_SHARED((N, 8), jnp.float32)]
            + [[pltpu.VMEM((3 * B,), jnp.int32)] * 2]
            + [[pltpu.VMEM((3 * B, 8), jnp.float32)] * 2]
            + [[[pltpu.VMEM((B,), jnp.float32)] * 2] * 2]
            + [pltpu.VMEM((L,), jnp.float32)]
            + [[pltpu.SemaphoreType.DMA] * 2] * 3
        ),
        compiler_params=pltpu.CompilerParams(
            needs_layout_passes=False, use_tc_tiling_on_sc=False),
    )(_sc_body)
    return f(tab, a0, ac, a2, theta0, k)


def kernel(coords, angles, theta0, k):
    tab = jnp.concatenate([coords, jnp.zeros((N, 5), jnp.float32)], axis=1)
    a0 = angles[:, 0]
    ac = angles[:, 1]
    a2 = angles[:, 2]
    partials = _sc_call(tab, a0, ac, a2, theta0, k)
    return jnp.sum(partials)

# --- scband reference (transcript-rebuilt; emitter-appended) ---
"""Pipeline reference for scband-harmonic-angle-53919019434131 (READ-ONLY COPY).

The authoritative reference and input builder live on the scoring server;
editing this copy changes nothing except your own understanding.
"""

import jax, jax.numpy as jnp
import numpy as np

N = 100000
A = 3200000


def setup_inputs(seed: int = 0) -> dict:
    key = jax.random.key(seed)
    k1, k2, k3, k4, k5, k6 = jax.random.split(key, 6)
    coords = jax.random.normal(k1, (N, 3), dtype=jnp.float32)
    # Build angle triples (a0, center, a2) with all three indices distinct so
    # that difference vectors are never exactly zero (avoids 0/0 -> NaN).
    m = jax.random.randint(k2, (A,), 0, N, dtype=jnp.int32)
    r = jax.random.randint(k3, (A,), 0, N - 1, dtype=jnp.int32)
    s = jax.random.randint(k4, (A,), 0, N - 2, dtype=jnp.int32)
    a0 = (m + 1 + r) % N
    r2 = (r + 1 + s) % (N - 1)
    a2 = (m + 1 + r2) % N
    angles = jnp.stack([a0, m, a2], axis=1)
    theta0 = jax.random.uniform(k5, (A,), dtype=jnp.float32) * jnp.pi
    k = jax.random.uniform(k6, (A,), dtype=jnp.float32)
    return {"coords": coords, "angles": angles, "theta0": theta0, "k": k}


def reference(coords, angles, theta0, k):
    v1 = coords[angles[:, 0]] - coords[angles[:, 1]]
    v2 = coords[angles[:, 2]] - coords[angles[:, 1]]
    dot_product = jnp.sum(v1 * v2, axis=1)
    mag_v1 = jnp.linalg.norm(v1, axis=1)
    mag_v2 = jnp.linalg.norm(v2, axis=1)
    cos_theta = dot_product / (mag_v1 * mag_v2)
    cos_theta = jnp.clip(cos_theta, -1.0, 1.0)
    theta = jnp.arccos(cos_theta)
    ene = (theta - theta0) ** 2 * k / 2
    return jnp.sum(ene)

if __name__ == "__main__":
    import jax
    _d = setup_inputs()
    print(jax.jit(kernel)(*tuple(_d.values())))

</pallas_src>

<mosaic_0001>
#map = affine_map<(d0, d1) -> (0, 0)>
#map1 = affine_map<(d0, d1) -> (0)>
module attributes {stable_mosaic.version = 14 : i64} {
  func.func @_sc_body(%arg0: i32, %arg1: i32, %arg2: memref<100000x8xf32, #tpu.memory_space<hbm>>, %arg3: memref<3200000xi32, #tpu.memory_space<hbm>>, %arg4: memref<3200000xi32, #tpu.memory_space<hbm>>, %arg5: memref<3200000xi32, #tpu.memory_space<hbm>>, %arg6: memref<3200000xf32, #tpu.memory_space<hbm>>, %arg7: memref<3200000xf32, #tpu.memory_space<hbm>>, %arg8: memref<32x16xf32, #tpu.memory_space<hbm>>, %arg9: memref<100000x8xf32, #tpu.memory_space<vmem_shared>>, %arg10: memref<2400xi32, #tpu.memory_space<vmem>>, %arg11: memref<2400xi32, #tpu.memory_space<vmem>>, %arg12: memref<2400x8xf32, #tpu.memory_space<vmem>>, %arg13: memref<2400x8xf32, #tpu.memory_space<vmem>>, %arg14: memref<800xf32, #tpu.memory_space<vmem>>, %arg15: memref<800xf32, #tpu.memory_space<vmem>>, %arg16: memref<800xf32, #tpu.memory_space<vmem>>, %arg17: memref<800xf32, #tpu.memory_space<vmem>>, %arg18: memref<16xf32, #tpu.memory_space<vmem>>, %arg19: memref<!tpu.dma_semaphore, #tpu.memory_space<semaphore_mem>>, %arg20: memref<!tpu.dma_semaphore, #tpu.memory_space<semaphore_mem>>, %arg21: memref<!tpu.dma_semaphore, #tpu.memory_space<semaphore_mem>>, %arg22: memref<!tpu.dma_semaphore, #tpu.memory_space<semaphore_mem>>, %arg23: memref<!tpu.dma_semaphore, #tpu.memory_space<semaphore_mem>>, %arg24: memref<!tpu.dma_semaphore, #tpu.memory_space<semaphore_mem>>) attributes {dimension_semantics = [#tpu.dimension_semantics<core_parallel>, #tpu.dimension_semantics<subcore_parallel>], iteration_bounds = array<i64: 2, 16>, scalar_prefetch = 0 : i64, scratch_operands = 16 : i64, tpu.core_type = #tpu.core_type<sc_vector_subcore>, window_params = [{transform_indices = #map}, {transform_indices = #map1}, {transform_indices = #map1}, {transform_indices = #map1}, {transform_indices = #map1}, {transform_indices = #map1}, {transform_indices = #map}]} {
    %mul3A = arith.constant 2 : i32
    %mul3A_0 = arith.muli %arg1, %mul3A : i32
    %add3A = arith.addi %mul3A_0, %arg0 : i32
    %eq3A = arith.constant 0 : i32
    %eq3A_1 = arith.cmpi eq, %arg1, %eq3A : i32
    %convert_element_type3A = arith.extui %eq3A_1 : i1 to i32
    %cond3A = arith.constant 0 : i32
    %cond3A_2 = arith.cmpi ne, %convert_element_type3A, %cond3A : i32
    scf.if %cond3A_2 {
      "tpu.region"() ({
        %run_scoped3A = tpu.sem_alloc : memref<!tpu.dma_semaphore, #tpu.memory_space<semaphore_mem>>
        tpu.enqueue_dma source(%arg2 : memref<100000x8xf32, #tpu.memory_space<hbm>>) target(%arg9 : memref<100000x8xf32, #tpu.memory_space<vmem_shared>>) target_semaphore(%run_scoped3A : memref<!tpu.dma_semaphore, #tpu.memory_space<semaphore_mem>>)
        tpu.wait_dma2 semaphore(%run_scoped3A : memref<!tpu.dma_semaphore, #tpu.memory_space<semaphore_mem>>) src(%arg2 : memref<100000x8xf32, #tpu.memory_space<hbm>>) dst(%arg9 : memref<100000x8xf32, #tpu.memory_space<vmem_shared>>)
        tpu.yield
      }) : () -> ()
    } else {
    }
    %barrier3A = arith.constant 0 : index
    tpu.barrier barrier_id(%barrier3A)
    %mul3A_3 = arith.constant 100000 : i32
    %mul3A_4 = arith.muli %add3A, %mul3A_3 : i32
    %iota3A = tpu.iota {dimensions = array<i32: 0>} : vector<16xi32>
    %add3A_5 = arith.constant 0 : i32
    %add3A_6 = arith.addi %mul3A_4, %add3A_5 : i32
    %dma_start3A = arith.constant 0 : i32
    %dma_start3A_7 = tpu.memref_slice %arg10[%dma_start3A] : memref<2400xi32, #tpu.memory_space<vmem>> -> memref<800xi32, #tpu.memory_space<vmem>>
    %dma_start3A_8 = tpu.memref_slice %arg3[%add3A_6] : memref<3200000xi32, #tpu.memory_space<hbm>> -> memref<800xi32, #tpu.memory_space<hbm>>
    %dma_start3A_9 = arith.constant 0 : i32
    %dma_start3A_10 = tpu.memref_slice %arg10[%dma_start3A_9] : memref<2400xi32, #tpu.memory_space<vmem>> -> memref<800xi32, #tpu.memory_space<vmem>>
    %dma_start3A_11 = tpu.memref_slice %arg3[%add3A_6] : memref<3200000xi32, #tpu.memory_space<hbm>> -> memref<800xi32, #tpu.memory_space<hbm>>
    tpu.enqueue_dma source(%dma_start3A_11 : memref<800xi32, #tpu.memory_space<hbm>>) target(%dma_start3A_10 : memref<800xi32, #tpu.memory_space<vmem>>) target_semaphore(%arg19 : memref<!tpu.dma_semaphore, #tpu.memory_space<semaphore_mem>>)
    %dma_start3A_12 = arith.constant 800 : i32
    %dma_start3A_13 = tpu.memref_slice %arg10[%dma_start3A_12] : memref<2400xi32, #tpu.memory_space<vmem>> -> memref<800xi32, #tpu.memory_space<vmem>>
    %dma_start3A_14 = tpu.memref_slice %arg4[%add3A_6] : memref<3200000xi32, #tpu.memory_space<hbm>> -> memref<800xi32, #tpu.memory_space<hbm>>
    %dma_start3A_15 = arith.constant 800 : i32
    %dma_start3A_16 = tpu.memref_slice %arg10[%dma_start3A_15] : memref<2400xi32, #tpu.memory_space<vmem>> -> memref<800xi32, #tpu.memory_space<vmem>>
    %dma_start3A_17 = tpu.memref_slice %arg4[%add3A_6] : memref<3200000xi32, #tpu.memory_space<hbm>> -> memref<800xi32, #tpu.memory_space<hbm>>
    tpu.enqueue_dma source(%dma_start3A_17 : memref<800xi32, #tpu.memory_space<hbm>>) target(%dma_start3A_16 : memref<800xi32, #tpu.memory_space<vmem>>) target_semaphore(%arg19 : memref<!tpu.dma_semaphore, #tpu.memory_space<semaphore_mem>>)
    %dma_start3A_18 = arith.constant 1600 : i32
    %dma_start3A_19 = tpu.memref_slice %arg10[%dma_start3A_18] : memref<2400xi32, #tpu.memory_space<vmem>> -> memref<800xi32, #tpu.memory_space<vmem>>
    %dma_start3A_20 = tpu.memref_slice %arg5[%add3A_6] : memref<3200000xi32, #tpu.memory_space<hbm>> -> memref<800xi32, #tpu.memory_space<hbm>>
    %dma_start3A_21 = arith.constant 1600 : i32
    %dma_start3A_22 = tpu.memref_slice %arg10[%dma_start3A_21] : memref<2400xi32, #tpu.memory_space<vmem>> -> memref<800xi32, #tpu.memory_space<vmem>>
    %dma_start3A_23 = tpu.memref_slice %arg5[%add3A_6] : memref<3200000xi32, #tpu.memory_space<hbm>> -> memref<800xi32, #tpu.memory_space<hbm>>
    tpu.enqueue_dma source(%dma_start3A_23 : memref<800xi32, #tpu.memory_space<hbm>>) target(%dma_start3A_22 : memref<800xi32, #tpu.memory_space<vmem>>) target_semaphore(%arg19 : memref<!tpu.dma_semaphore, #tpu.memory_space<semaphore_mem>>)
    %add3A_24 = arith.constant 800 : i32
    %add3A_25 = arith.addi %mul3A_4, %add3A_24 : i32
    %dma_start3A_26 = arith.constant 0 : i32
    %dma_start3A_27 = tpu.memref_slice %arg11[%dma_start3A_26] : memref<2400xi32, #tpu.memory_space<vmem>> -> memref<800xi32, #tpu.memory_space<vmem>>
    %dma_start3A_28 = tpu.memref_slice %arg3[%add3A_25] : memref<3200000xi32, #tpu.memory_space<hbm>> -> memref<800xi32, #tpu.memory_space<hbm>>
    %dma_start3A_29 = arith.constant 0 : i32
    %dma_start3A_30 = tpu.memref_slice %arg11[%dma_start3A_29] : memref<2400xi32, #tpu.memory_space<vmem>> -> memref<800xi32, #tpu.memory_space<vmem>>
    %dma_start3A_31 = tpu.memref_slice %arg3[%add3A_25] : memref<3200000xi32, #tpu.memory_space<hbm>> -> memref<800xi32, #tpu.memory_space<hbm>>
    tpu.enqueue_dma source(%dma_start3A_31 : memref<800xi32, #tpu.memory_space<hbm>>) target(%dma_start3A_30 : memref<800xi32, #tpu.memory_space<vmem>>) target_semaphore(%arg20 : memref<!tpu.dma_semaphore, #tpu.memory_space<semaphore_mem>>)
    %dma_start3A_32 = arith.constant 800 : i32
    %dma_start3A_33 = tpu.memref_slice %arg11[%dma_start3A_32] : memref<2400xi32, #tpu.memory_space<vmem>> -> memref<800xi32, #tpu.memory_space<vmem>>
    %dma_start3A_34 = tpu.memref_slice %arg4[%add3A_25] : memref<3200000xi32, #tpu.memory_space<hbm>> -> memref<800xi32, #tpu.memory_space<hbm>>
    %dma_start3A_35 = arith.constant 800 : i32
    %dma_start3A_36 = tpu.memref_slice %arg11[%dma_start3A_35] : memref<2400xi32, #tpu.memory_space<vmem>> -> memref<800xi32, #tpu.memory_space<vmem>>
    %dma_start3A_37 = tpu.memref_slice %arg4[%add3A_25] : memref<3200000xi32, #tpu.memory_space<hbm>> -> memref<800xi32, #tpu.memory_space<hbm>>
    tpu.enqueue_dma source(%dma_start3A_37 : memref<800xi32, #tpu.memory_space<hbm>>) target(%dma_start3A_36 : memref<800xi32, #tpu.memory_space<vmem>>) target_semaphore(%arg20 : memref<!tpu.dma_semaphore, #tpu.memory_space<semaphore_mem>>)
    %dma_start3A_38 = arith.constant 1600 : i32
    %dma_start3A_39 = tpu.memref_slice %arg11[%dma_start3A_38] : memref<2400xi32, #tpu.memory_space<vmem>> -> memref<800xi32, #tpu.memory_space<vmem>>
    %dma_start3A_40 = tpu.memref_slice %arg5[%add3A_25] : memref<3200000xi32, #tpu.memory_space<hbm>> -> memref<800xi32, #tpu.memory_space<hbm>>
    %dma_start3A_41 = arith.constant 1600 : i32
    %dma_start3A_42 = tpu.memref_slice %arg11[%dma_start3A_41] : memref<2400xi32, #tpu.memory_space<vmem>> -> memref<800xi32, #tpu.memory_space<vmem>>
    %dma_start3A_43 = tpu.memref_slice %arg5[%add3A_25] : memref<3200000xi32, #tpu.memory_space<hbm>> -> memref<800xi32, #tpu.memory_space<hbm>>
    tpu.enqueue_dma source(%dma_start3A_43 : memref<800xi32, #tpu.memory_space<hbm>>) target(%dma_start3A_42 : memref<800xi32, #tpu.memory_space<vmem>>) target_semaphore(%arg20 : memref<!tpu.dma_semaphore, #tpu.memory_space<semaphore_mem>>)
    %dma_wait3A = arith.constant 0 : i32
    %dma_wait3A_44 = tpu.memref_slice %arg10[%dma_wait3A] : memref<2400xi32, #tpu.memory_space<vmem>> -> memref<800xi32, #tpu.memory_space<vmem>>
    %dma_wait3A_45 = arith.constant 0 : i32
    %dma_wait3A_46 = tpu.memref_slice %arg3[%dma_wait3A_45] : memref<3200000xi32, #tpu.memory_space<hbm>> -> memref<800xi32, #tpu.memory_space<hbm>>
    %dma_wait3A_47 = arith.constant 0 : i32
    %dma_wait3A_48 = tpu.memref_slice %arg10[%dma_wait3A_47] : memref<2400xi32, #tpu.memory_space<vmem>> -> memref<800xi32, #tpu.memory_space<vmem>>
    %dma_wait3A_49 = arith.constant 0 : i32
    %dma_wait3A_50 = tpu.memref_slice %arg3[%dma_wait3A_49] : memref<3200000xi32, #tpu.memory_space<hbm>> -> memref<800xi32, #tpu.memory_space<hbm>>
    tpu.wait_dma2 semaphore(%arg19 : memref<!tpu.dma_semaphore, #tpu.memory_space<semaphore_mem>>) src(%dma_wait3A_50 : memref<800xi32, #tpu.memory_space<hbm>>) dst(%dma_wait3A_48 : memref<800xi32, #tpu.memory_space<vmem>>)
    %dma_wait3A_51 = arith.constant 800 : i32
    %dma_wait3A_52 = tpu.memref_slice %arg10[%dma_wait3A_51] : memref<2400xi32, #tpu.memory_space<vmem>> -> memref<800xi32, #tpu.memory_space<vmem>>
    %dma_wait3A_53 = arith.constant 0 : i32
    %dma_wait3A_54 = tpu.memref_slice %arg4[%dma_wait3A_53] : memref<3200000xi32, #tpu.memory_space<hbm>> -> memref<800xi32, #tpu.memory_space<hbm>>
    %dma_wait3A_55 = arith.constant 800 : i32
    %dma_wait3A_56 = tpu.memref_slice %arg10[%dma_wait3A_55] : memref<2400xi32, #tpu.memory_space<vmem>> -> memref<800xi32, #tpu.memory_space<vmem>>
    %dma_wait3A_57 = arith.constant 0 : i32
    %dma_wait3A_58 = tpu.memref_slice %arg4[%dma_wait3A_57] : memref<3200000xi32, #tpu.memory_space<hbm>> -> memref<800xi32, #tpu.memory_space<hbm>>
    tpu.wait_dma2 semaphore(%arg19 : memref<!tpu.dma_semaphore, #tpu.memory_space<semaphore_mem>>) src(%dma_wait3A_58 : memref<800xi32, #tpu.memory_space<hbm>>) dst(%dma_wait3A_56 : memref<800xi32, #tpu.memory_space<vmem>>)
    %dma_wait3A_59 = arith.constant 1600 : i32
    %dma_wait3A_60 = tpu.memref_slice %arg10[%dma_wait3A_59] : memref<2400xi32, #tpu.memory_space<vmem>> -> memref<800xi32, #tpu.memory_space<vmem>>
    %dma_wait3A_61 = arith.constant 0 : i32
    %dma_wait3A_62 = tpu.memref_slice %arg5[%dma_wait3A_61] : memref<3200000xi32, #tpu.memory_space<hbm>> -> memref<800xi32, #tpu.memory_space<hbm>>
    %dma_wait3A_63 = arith.constant 1600 : i32
    %dma_wait3A_64 = tpu.memref_slice %arg10[%dma_wait3A_63] : memref<2400xi32, #tpu.memory_space<vmem>> -> memref<800xi32, #tpu.memory_space<vmem>>
    %dma_wait3A_65 = arith.constant 0 : i32
    %dma_wait3A_66 = tpu.memref_slice %arg5[%dma_wait3A_65] : memref<3200000xi32, #tpu.memory_space<hbm>> -> memref<800xi32, #tpu.memory_space<hbm>>
    tpu.wait_dma2 semaphore(%arg19 : memref<!tpu.dma_semaphore, #tpu.memory_space<semaphore_mem>>) src(%dma_wait3A_66 : memref<800xi32, #tpu.memory_space<hbm>>) dst(%dma_wait3A_64 : memref<800xi32, #tpu.memory_space<vmem>>)
    %add3A_67 = arith.constant 0 : i32
    %add3A_68 = arith.addi %mul3A_4, %add3A_67 : i32
    %dma_start3A_69 = arith.constant 0 : i32
    %dma_start3A_70 = arith.constant 0 : i32
    %dma_start3A_71 = tpu.memref_slice %arg9[%dma_start3A_69, %dma_start3A_70] : memref<100000x8xf32, #tpu.memory_space<vmem_shared>> -> memref<100000x8xf32, #tpu.memory_space<vmem_shared>>
    tpu.enqueue_indirect_dma source(%dma_start3A_71 : memref<100000x8xf32, #tpu.memory_space<vmem_shared>>) target(%arg12 : memref<2400x8xf32, #tpu.memory_space<vmem>>) offsets(%arg10 : memref<2400xi32, #tpu.memory_space<vmem>>) semaphore(%arg21 : memref<!tpu.dma_semaphore, #tpu.memory_space<semaphore_mem>>)
    %dma_start3A_72 = tpu.memref_slice %arg6[%add3A_68] : memref<3200000xf32, #tpu.memory_space<hbm>> -> memref<800xf32, #tpu.memory_space<hbm>>
    %dma_start3A_73 = tpu.memref_slice %arg6[%add3A_68] : memref<3200000xf32, #tpu.memory_space<hbm>> -> memref<800xf32, #tpu.memory_space<hbm>>
    tpu.enqueue_dma source(%dma_start3A_73 : memref<800xf32, #tpu.memory_space<hbm>>) target(%arg14 : memref<800xf32, #tpu.memory_space<vmem>>) target_semaphore(%arg23 : memref<!tpu.dma_semaphore, #tpu.memory_space<semaphore_mem>>)
    %dma_start3A_74 = tpu.memref_slice %arg7[%add3A_68] : memref<3200000xf32, #tpu.memory_space<hbm>> -> memref<800xf32, #tpu.memory_space<hbm>>
    %dma_start3A_75 = tpu.memref_slice %arg7[%add3A_68] : memref<3200000xf32, #tpu.memory_space<hbm>> -> memref<800xf32, #tpu.memory_space<hbm>>
    tpu.enqueue_dma source(%dma_start3A_75 : memref<800xf32, #tpu.memory_space<hbm>>) target(%arg15 : memref<800xf32, #tpu.memory_space<vmem>>) target_semaphore(%arg23 : memref<!tpu.dma_semaphore, #tpu.memory_space<semaphore_mem>>)
    %broadcast_in_dim3A = arith.constant 0.000000e+00 : f32
    %broadcast_in_dim3A_76 = vector.broadcast %broadcast_in_dim3A : f32 to vector<16xf32>
    %scan3A = arith.constant 0 : i32
    %scan3A_77 = arith.constant 62 : i32
    %scan3A_78 = arith.addi %scan3A, %scan3A_77 : i32
    %scan3A_79 = arith.constant 1 : i32
    %scan3A_80 = scf.for %scan3A_106 = %scan3A to %scan3A_78 step %scan3A_79 iter_args(%scan3A_107 = %broadcast_in_dim3A_76) -> (vector<16xf32>)  : i32 {
      %mul3A_108 = arith.constant 2 : i32
      %mul3A_109 = arith.muli %mul3A_108, %scan3A_106 : i32
      %dma_wait3A_110 = arith.constant 0 : i32
      %dma_wait3A_111 = tpu.memref_slice %arg11[%dma_wait3A_110] : memref<2400xi32, #tpu.memory_space<vmem>> -> memref<800xi32, #tpu.memory_space<vmem>>
      %dma_wait3A_112 = arith.constant 0 : i32
      %dma_wait3A_113 = tpu.memref_slice %arg3[%dma_wait3A_112] : memref<3200000xi32, #tpu.memory_space<hbm>> -> memref<800xi32, #tpu.memory_space<hbm>>
      %dma_wait3A_114 = arith.constant 0 : i32
      %dma_wait3A_115 = tpu.memref_slice %arg11[%dma_wait3A_114] : memref<2400xi32, #tpu.memory_space<vmem>> -> memref<800xi32, #tpu.memory_space<vmem>>
      %dma_wait3A_116 = arith.constant 0 : i32
      %dma_wait3A_117 = tpu.memref_slice %arg3[%dma_wait3A_116] : memref<3200000xi32, #tpu.memory_space<hbm>> -> memref<800xi32, #tpu.memory_space<hbm>>
      tpu.wait_dma2 semaphore(%arg20 : memref<!tpu.dma_semaphore, #tpu.memory_space<semaphore_mem>>) src(%dma_wait3A_117 : memref<800xi32, #tpu.memory_space<hbm>>) dst(%dma_wait3A_115 : memref<800xi32, #tpu.memory_space<vmem>>)
      %dma_wait3A_118 = arith.constant 800 : i32
      %dma_wait3A_119 = tpu.memref_slice %arg11[%dma_wait3A_118] : memref<2400xi32, #tpu.memory_space<vmem>> -> memref<800xi32, #tpu.memory_space<vmem>>
      %dma_wait3A_120 = arith.constant 0 : i32
      %dma_wait3A_121 = tpu.memref_slice %arg4[%dma_wait3A_120] : memref<3200000xi32, #tpu.memory_space<hbm>> -> memref<800xi32, #tpu.memory_space<hbm>>
      %dma_wait3A_122 = arith.constant 800 : i32
      %dma_wait3A_123 = tpu.memref_slice %arg11[%dma_wait3A_122] : memref<2400xi32, #tpu.memory_space<vmem>> -> memref<800xi32, #tpu.memory_space<vmem>>
      %dma_wait3A_124 = arith.constant 0 : i32
      %dma_wait3A_125 = tpu.memref_slice %arg4[%dma_wait3A_124] : memref<3200000xi32, #tpu.memory_space<hbm>> -> memref<800xi32, #tpu.memory_space<hbm>>
      tpu.wait_dma2 semaphore(%arg20 : memref<!tpu.dma_semaphore, #tpu.memory_space<semaphore_mem>>) src(%dma_wait3A_125 : memref<800xi32, #tpu.memory_space<hbm>>) dst(%dma_wait3A_123 : memref<800xi32, #tpu.memory_space<vmem>>)
      %dma_wait3A_126 = arith.constant 1600 : i32
      %dma_wait3A_127 = tpu.memref_slice %arg11[%dma_wait3A_126] : memref<2400xi32, #tpu.memory_space<vmem>> -> memref<800xi32, #tpu.memory_space<vmem>>
      %dma_wait3A_128 = arith.constant 0 : i32
      %dma_wait3A_129 = tpu.memref_slice %arg5[%dma_wait3A_128] : memref<3200000xi32, #tpu.memory_space<hbm>> -> memref<800xi32, #tpu.memory_space<hbm>>
      %dma_wait3A_130 = arith.constant 1600 : i32
      %dma_wait3A_131 = tpu.memref_slice %arg11[%dma_wait3A_130] : memref<2400xi32, #tpu.memory_space<vmem>> -> memref<800xi32, #tpu.memory_space<vmem>>
      %dma_wait3A_132 = arith.constant 0 : i32
      %dma_wait3A_133 = tpu.memref_slice %arg5[%dma_wait3A_132] : memref<3200000xi32, #tpu.memory_space<hbm>> -> memref<800xi32, #tpu.memory_space<hbm>>
      tpu.wait_dma2 semaphore(%arg20 : memref<!tpu.dma_semaphore, #tpu.memory_space<semaphore_mem>>) src(%dma_wait3A_133 : memref<800xi32, #tpu.memory_space<hbm>>) dst(%dma_wait3A_131 : memref<800xi32, #tpu.memory_space<vmem>>)
      %add3A_134 = arith.constant 1 : i32
      %add3A_135 = arith.addi %mul3A_109, %add3A_134 : i32
      %mul3A_136 = arith.constant 800 : i32
      %mul3A_137 = arith.muli %add3A_135, %mul3A_136 : i32
      %add3A_138 = arith.addi %mul3A_4, %mul3A_137 : i32
      %dma_start3A_139 = arith.constant 0 : i32
      %dma_start3A_140 = arith.constant 0 : i32
      %dma_start3A_141 = tpu.memref_slice %arg9[%dma_start3A_139, %dma_start3A_140] : memref<100000x8xf32, #tpu.memory_space<vmem_shared>> -> memref<100000x8xf32, #tpu.memory_space<vmem_shared>>
      tpu.enqueue_indirect_dma source(%dma_start3A_141 : memref<100000x8xf32, #tpu.memory_space<vmem_shared>>) target(%arg13 : memref<2400x8xf32, #tpu.memory_space<vmem>>) offsets(%arg11 : memref<2400xi32, #tpu.memory_space<vmem>>) semaphore(%arg22 : memref<!tpu.dma_semaphore, #tpu.memory_space<semaphore_mem>>)
      %dma_start3A_142 = tpu.memref_slice %arg6[%add3A_138] : memref<3200000xf32, #tpu.memory_space<hbm>> -> memref<800xf32, #tpu.memory_space<hbm>>
      %dma_start3A_143 = tpu.memref_slice %arg6[%add3A_138] : memref<3200000xf32, #tpu.memory_space<hbm>> -> memref<800xf32, #tpu.memory_space<hbm>>
      tpu.enqueue_dma source(%dma_start3A_143 : memref<800xf32, #tpu.memory_space<hbm>>) target(%arg16 : memref<800xf32, #tpu.memory_space<vmem>>) target_semaphore(%arg24 : memref<!tpu.dma_semaphore, #tpu.memory_space<semaphore_mem>>)
      %dma_start3A_144 = tpu.memref_slice %arg7[%add3A_138] : memref<3200000xf32, #tpu.memory_space<hbm>> -> memref<800xf32, #tpu.memory_space<hbm>>
      %dma_start3A_145 = tpu.memref_slice %arg7[%add3A_138] : memref<3200000xf32, #tpu.memory_space<hbm>> -> memref<800xf32, #tpu.memory_space<hbm>>
      tpu.enqueue_dma source(%dma_start3A_145 : memref<800xf32, #tpu.memory_space<hbm>>) target(%arg17 : memref<800xf32, #tpu.memory_space<vmem>>) target_semaphore(%arg24 : memref<!tpu.dma_semaphore, #tpu.memory_space<semaphore_mem>>)
      %dma_wait3A_146 = arith.constant 0 : i32
      %dma_wait3A_147 = arith.constant 0 : i32
      %dma_wait3A_148 = tpu.memref_slice %arg9[%dma_wait3A_146, %dma_wait3A_147] : memref<100000x8xf32, #tpu.memory_space<vmem_shared>> -> memref<100000x8xf32, #tpu.memory_space<vmem_shared>>
      tpu.wait_indirect_dma semaphore(%arg21 : memref<!tpu.dma_semaphore, #tpu.memory_space<semaphore_mem>>) src(%dma_wait3A_148 : memref<100000x8xf32, #tpu.memory_space<vmem_shared>>) dst(%arg12 : memref<2400x8xf32, #tpu.memory_space<vmem>>)
      %dma_wait3A_149 = arith.constant 0 : i32
      %dma_wait3A_150 = tpu.memref_slice %arg6[%dma_wait3A_149] : memref<3200000xf32, #tpu.memory_space<hbm>> -> memref<800xf32, #tpu.memory_space<hbm>>
      %dma_wait3A_151 = arith.constant 0 : i32
      %dma_wait3A_152 = tpu.memref_slice %arg6[%dma_wait3A_151] : memref<3200000xf32, #tpu.memory_space<hbm>> -> memref<800xf32, #tpu.memory_space<hbm>>
      tpu.wait_dma2 semaphore(%arg23 : memref<!tpu.dma_semaphore, #tpu.memory_space<semaphore_mem>>) src(%dma_wait3A_152 : memref<800xf32, #tpu.memory_space<hbm>>) dst(%arg14 : memref<800xf32, #tpu.memory_space<vmem>>)
      %dma_wait3A_153 = arith.constant 0 : i32
      %dma_wait3A_154 = tpu.memref_slice %arg6[%dma_wait3A_153] : memref<3200000xf32, #tpu.memory_space<hbm>> -> memref<800xf32, #tpu.memory_space<hbm>>
      %dma_wait3A_155 = arith.constant 0 : i32
      %dma_wait3A_156 = tpu.memref_slice %arg6[%dma_wait3A_155] : memref<3200000xf32, #tpu.memory_space<hbm>> -> memref<800xf32, #tpu.memory_space<hbm>>
      tpu.wait_dma2 semaphore(%arg23 : memref<!tpu.dma_semaphore, #tpu.memory_space<semaphore_mem>>) src(%dma_wait3A_156 : memref<800xf32, #tpu.memory_space<hbm>>) dst(%arg15 : memref<800xf32, #tpu.memory_space<vmem>>)
      %add3A_157 = arith.constant 2 : i32
      %add3A_158 = arith.addi %mul3A_109, %add3A_157 : i32
      %lt3A = arith.constant 125 : i32
      %lt3A_159 = arith.cmpi slt, %add3A_158, %lt3A : i32
      %convert_element_type3A_160 = arith.extui %lt3A_159 : i1 to i32
      %cond3A_161 = arith.constant 0 : i32
      %cond3A_162 = arith.cmpi ne, %convert_element_type3A_160, %cond3A_161 : i32
      scf.if %cond3A_162 {
        %add3A_212 = arith.constant 2 : i32
        %add3A_213 = arith.addi %mul3A_109, %add3A_212 : i32
        %mul3A_214 = arith.constant 800 : i32
        %mul3A_215 = arith.muli %add3A_213, %mul3A_214 : i32
        %add3A_216 = arith.addi %mul3A_4, %mul3A_215 : i32
        %dma_start3A_217 = arith.constant 0 : i32
        %dma_start3A_218 = tpu.memref_slice %arg10[%dma_start3A_217] : memref<2400xi32, #tpu.memory_space<vmem>> -> memref<800xi32, #tpu.memory_space<vmem>>
        %dma_start3A_219 = tpu.memref_slice %arg3[%add3A_216] : memref<3200000xi32, #tpu.memory_space<hbm>> -> memref<800xi32, #tpu.memory_space<hbm>>
        %dma_start3A_220 = arith.constant 0 : i32
        %dma_start3A_221 = tpu.memref_slice %arg10[%dma_start3A_220] : memref<2400xi32, #tpu.memory_space<vmem>> -> memref<800xi32, #tpu.memory_space<vmem>>
        %dma_start3A_222 = tpu.memref_slice %arg3[%add3A_216] : memref<3200000xi32, #tpu.memory_space<hbm>> -> memref<800xi32, #tpu.memory_space<hbm>>
        tpu.enqueue_dma source(%dma_start3A_222 : memref<800xi32, #tpu.memory_space<hbm>>) target(%dma_start3A_221 : memref<800xi32, #tpu.memory_space<vmem>>) target_semaphore(%arg19 : memref<!tpu.dma_semaphore, #tpu.memory_space<semaphore_mem>>)
        %dma_start3A_223 = arith.constant 800 : i32
        %dma_start3A_224 = tpu.memref_slice %arg10[%dma_start3A_223] : memref<2400xi32, #tpu.memory_space<vmem>> -> memref<800xi32, #tpu.memory_space<vmem>>
        %dma_start3A_225 = tpu.memref_slice %arg4[%add3A_216] : memref<3200000xi32, #tpu.memory_space<hbm>> -> memref<800xi32, #tpu.memory_space<hbm>>
        %dma_start3A_226 = arith.constant 800 : i32
        %dma_start3A_227 = tpu.memref_slice %arg10[%dma_start3A_226] : memref<2400xi32, #tpu.memory_space<vmem>> -> memref<800xi32, #tpu.memory_space<vmem>>
        %dma_start3A_228 = tpu.memref_slice %arg4[%add3A_216] : memref<3200000xi32, #tpu.memory_space<hbm>> -> memref<800xi32, #tpu.memory_space<hbm>>
        tpu.enqueue_dma source(%dma_start3A_228 : memref<800xi32, #tpu.memory_space<hbm>>) target(%dma_start3A_227 : memref<800xi32, #tpu.memory_space<vmem>>) target_semaphore(%arg19 : memref<!tpu.dma_semaphore, #tpu.memory_space<semaphore_mem>>)
        %dma_start3A_229 = arith.constant 1600 : i32
        %dma_start3A_230 = tpu.memref_slice %arg10[%dma_start3A_229] : memref<2400xi32, #tpu.memory_space<vmem>> -> memref<800xi32, #tpu.memory_space<vmem>>
        %dma_start3A_231 = tpu.memref_slice %arg5[%add3A_216] : memref<3200000xi32, #tpu.memory_space<hbm>> -> memref<800xi32, #tpu.memory_space<hbm>>
        %dma_start3A_232 = arith.constant 1600 : i32
        %dma_start3A_233 = tpu.memref_slice %arg10[%dma_start3A_232] : memref<2400xi32, #tpu.memory_space<vmem>> -> memref<800xi32, #tpu.memory_space<vmem>>
        %dma_start3A_234 = tpu.memref_slice %arg5[%add3A_216] : memref<3200000xi32, #tpu.memory_space<hbm>> -> memref<800xi32, #tpu.memory_space<hbm>>
        tpu.enqueue_dma source(%dma_start3A_234 : memref<800xi32, #tpu.memory_space<hbm>>) target(%dma_start3A_233 : memref<800xi32, #tpu.memory_space<vmem>>) target_semaphore(%arg19 : memref<!tpu.dma_semaphore, #tpu.memory_space<semaphore_mem>>)
      } else {
      }
      %broadcast_in_dim3A_163 = arith.constant 0 : i32
      %broadcast_in_dim3A_164 = vector.broadcast %broadcast_in_dim3A_163 : i32 to vector<16xi32>
      %broadcast_in_dim3A_165 = arith.constant 1 : i32
      %broadcast_in_dim3A_166 = vector.broadcast %broadcast_in_dim3A_165 : i32 to vector<16xi32>
      %broadcast_in_dim3A_167 = arith.constant 2 : i32
      %broadcast_in_dim3A_168 = vector.broadcast %broadcast_in_dim3A_167 : i32 to vector<16xi32>
      %scan3A_169 = arith.constant 0 : i32
      %scan3A_170 = arith.constant 25 : i32
      %scan3A_171 = arith.addi %scan3A_169, %scan3A_170 : i32
      %scan3A_172 = arith.constant 1 : i32
      %scan3A_173 = scf.for %scan3A_212 = %scan3A_169 to %scan3A_171 step %scan3A_172 iter_args(%scan3A_213 = %scan3A_107) -> (vector<16xf32>)  : i32 {
        %mul3A_214 = arith.constant 2 : i32
        %mul3A_215 = arith.muli %scan3A_212, %mul3A_214 : i32
        %add3A_216 = arith.constant 0 : i32
        %add3A_217 = arith.addi %mul3A_215, %add3A_216 : i32
        %mul3A_218 = arith.constant 16 : i32
        %mul3A_219 = arith.muli %add3A_217, %mul3A_218 : i32
        %add3A_220 = vector.broadcast %mul3A_219 : i32 to vector<16xi32>
        %add3A_221 = arith.addi %add3A_220, %iota3A : vector<16xi32>
        %mul3A_222 = arith.constant 16 : i32
        %mul3A_223 = arith.muli %add3A_217, %mul3A_222 : i32
        %gather3A = tpu.vector_load_idx %arg12[%add3A_221, %broadcast_in_dim3A_164] : memref<2400x8xf32, #tpu.memory_space<vmem>>[vector<16xi32>, vector<16xi32>], vector<16xf32>,
        %gather3A_224 = tpu.vector_load_idx %arg12[%add3A_221, %broadcast_in_dim3A_166] : memref<2400x8xf32, #tpu.memory_space<vmem>>[vector<16xi32>, vector<16xi32>], vector<16xf32>,
        %gather3A_225 = tpu.vector_load_idx %arg12[%add3A_221, %broadcast_in_dim3A_168] : memref<2400x8xf32, #tpu.memory_space<vmem>>[vector<16xi32>, vector<16xi32>], vector<16xf32>,
        %add3A_226 = arith.constant 800 : i32
        %add3A_227 = vector.broadcast %add3A_226 : i32 to vector<16xi32>
        %add3A_228 = arith.addi %add3A_221, %add3A_227 : vector<16xi32>
        %gather3A_229 = tpu.vector_load_idx %arg12[%add3A_228, %broadcast_in_dim3A_164] : memref<2400x8xf32, #tpu.memory_space<vmem>>[vector<16xi32>, vector<16xi32>], vector<16xf32>,
        %add3A_230 = arith.constant 800 : i32
        %add3A_231 = vector.broadcast %add3A_230 : i32 to vector<16xi32>
        %add3A_232 = arith.addi %add3A_221, %add3A_231 : vector<16xi32>
        %gather3A_233 = tpu.vector_load_idx %arg12[%add3A_232, %broadcast_in_dim3A_166] : memref<2400x8xf32, #tpu.memory_space<vmem>>[vector<16xi32>, vector<16xi32>], vector<16xf32>,
        %add3A_234 = arith.constant 800 : i32
        %add3A_235 = vector.broadcast %add3A_234 : i32 to vector<16xi32>
        %add3A_236 = arith.addi %add3A_221, %add3A_235 : vector<16xi32>
        %gather3A_237 = tpu.vector_load_idx %arg12[%add3A_236, %broadcast_in_dim3A_168] : memref<2400x8xf32, #tpu.memory_space<vmem>>[vector<16xi32>, vector<16xi32>], vector<16xf32>,
        %add3A_238 = arith.constant 1600 : i32
        %add3A_239 = vector.broadcast %add3A_238 : i32 to vector<16xi32>
        %add3A_240 = arith.addi %add3A_221, %add3A_239 : vector<16xi32>
        %gather3A_241 = tpu.vector_load_idx %arg12[%add3A_240, %broadcast_in_dim3A_164] : memref<2400x8xf32, #tpu.memory_space<vmem>>[vector<16xi32>, vector<16xi32>], vector<16xf32>,
        %add3A_242 = arith.constant 1600 : i32
        %add3A_243 = vector.broadcast %add3A_242 : i32 to vector<16xi32>
        %add3A_244 = arith.addi %add3A_221, %add3A_243 : vector<16xi32>
        %gather3A_245 = tpu.vector_load_idx %arg12[%add3A_244, %broadcast_in_dim3A_166] : memref<2400x8xf32, #tpu.memory_space<vmem>>[vector<16xi32>, vector<16xi32>], vector<16xf32>,
        %add3A_246 = arith.constant 1600 : i32
        %add3A_247 = vector.broadcast %add3A_246 : i32 to vector<16xi32>
        %add3A_248 = arith.addi %add3A_221, %add3A_247 : vector<16xi32>
        %gather3A_249 = tpu.vector_load_idx %arg12[%add3A_248, %broadcast_in_dim3A_168] : memref<2400x8xf32, #tpu.memory_space<vmem>>[vector<16xi32>, vector<16xi32>], vector<16xf32>,
        %sub3A = arith.subf %gather3A, %gather3A_229 : vector<16xf32>
        %sub3A_250 = arith.subf %gather3A_224, %gather3A_233 : vector<16xf32>
        %sub3A_251 = arith.subf %gather3A_225, %gather3A_237 : vector<16xf32>
        %sub3A_252 = arith.subf %gather3A_241, %gather3A_229 : vector<16xf32>
        %sub3A_253 = arith.subf %gather3A_245, %gather3A_233 : vector<16xf32>
        %sub3A_254 = arith.subf %gather3A_249, %gather3A_237 : vector<16xf32>
        %mul3A_255 = arith.mulf %sub3A, %sub3A_252 : vector<16xf32>
        %mul3A_256 = arith.mulf %sub3A_250, %sub3A_253 : vector<16xf32>
        %add3A_257 = arith.addf %mul3A_255, %mul3A_256 : vector<16xf32>
        %mul3A_258 = arith.mulf %sub3A_251, %sub3A_254 : vector<16xf32>
        %add3A_259 = arith.addf %add3A_257, %mul3A_258 : vector<16xf32>
        %mul3A_260 = arith.mulf %sub3A, %sub3A : vector<16xf32>
        %mul3A_261 = arith.mulf %sub3A_250, %sub3A_250 : vector<16xf32>
        %add3A_262 = arith.addf %mul3A_260, %mul3A_261 : vector<16xf32>
        %mul3A_263 = arith.mulf %sub3A_251, %sub3A_251 : vector<16xf32>
        %add3A_264 = arith.addf %add3A_262, %mul3A_263 : vector<16xf32>
        %mul3A_265 = arith.mulf %sub3A_252, %sub3A_252 : vector<16xf32>
        %mul3A_266 = arith.mulf %sub3A_253, %sub3A_253 : vector<16xf32>
        %add3A_267 = arith.addf %mul3A_265, %mul3A_266 : vector<16xf32>
        %mul3A_268 = arith.mulf %sub3A_254, %sub3A_254 : vector<16xf32>
        %add3A_269 = arith.addf %add3A_267, %mul3A_268 : vector<16xf32>
        %mul3A_270 = arith.mulf %add3A_264, %add3A_269 : vector<16xf32>
        %max3A = arith.constant 1.000000e-30 : f32
        %max3A_271 = vector.broadcast %max3A : f32 to vector<16xf32>
        %max3A_272 = arith.maximumf %mul3A_270, %max3A_271 : vector<16xf32>
        %bitcast3A = vector.bitcast %max3A_272 : vector<16xf32> to vector<16xi32>
        %shift_right_arithmetic3A = arith.constant 1 : i32
        %shift_right_arithmetic3A_273 = vector.broadcast %shift_right_arithmetic3A : i32 to vector<16xi32>
        %shift_right_arithmetic3A_274 = arith.shrsi %bitcast3A, %shift_right_arithmetic3A_273 : vector<16xi32>
        %sub3A_275 = arith.constant 1597463007 : i32
        %sub3A_276 = vector.broadcast %sub3A_275 : i32 to vector<16xi32>
        %sub3A_277 = arith.subi %sub3A_276, %shift_right_arithmetic3A_274 : vector<16xi32>
        %bitcast3A_278 = vector.bitcast %sub3A_277 : vector<16xi32> to vector<16xf32>
        %mul3A_279 = arith.constant 5.000000e-01 : f32
        %mul3A_280 = vector.broadcast %mul3A_279 : f32 to vector<16xf32>
        %mul3A_281 = arith.mulf %mul3A_280, %max3A_272 : vector<16xf32>
        %mul3A_282 = arith.mulf %mul3A_281, %bitcast3A_278 : vector<16xf32>
        %mul3A_283 = arith.mulf %mul3A_282, %bitcast3A_278 : vector<16xf32>
        %sub3A_284 = arith.constant 1.500000e+00 : f32
        %sub3A_285 = vector.broadcast %sub3A_284 : f32 to vector<16xf32>
        %sub3A_286 = arith.subf %sub3A_285, %mul3A_283 : vector<16xf32>
        %mul3A_287 = arith.mulf %bitcast3A_278, %sub3A_286 : vector<16xf32>
        %mul3A_288 = arith.constant 5.000000e-01 : f32
        %mul3A_289 = vector.broadcast %mul3A_288 : f32 to vector<16xf32>
        %mul3A_290 = arith.mulf %mul3A_289, %max3A_272 : vector<16xf32>
        %mul3A_291 = arith.mulf %mul3A_290, %mul3A_287 : vector<16xf32>
        %mul3A_292 = arith.mulf %mul3A_291, %mul3A_287 : vector<16xf32>
        %sub3A_293 = arith.constant 1.500000e+00 : f32
        %sub3A_294 = vector.broadcast %sub3A_293 : f32 to vector<16xf32>
        %sub3A_295 = arith.subf %sub3A_294, %mul3A_292 : vector<16xf32>
        %mul3A_296 = arith.mulf %mul3A_287, %sub3A_295 : vector<16xf32>
        %mul3A_297 = arith.mulf %add3A_259, %mul3A_296 : vector<16xf32>
        %jit3A = arith.constant -1.000000e+00 : f32
        %jit3A_298 = arith.constant 1.000000e+00 : f32
        %max3A_299 = vector.broadcast %jit3A : f32 to vector<16xf32>
        %max3A_300 = arith.maximumf %max3A_299, %mul3A_297 : vector<16xf32>
        %min3A = vector.broadcast %jit3A_298 : f32 to vector<16xf32>
        %min3A_301 = arith.minimumf %min3A, %max3A_300 : vector<16xf32>
        %abs3A = math.absf %min3A_301 : vector<16xf32>
        %sub3A_302 = arith.constant 1.000000e+00 : f32
        %sub3A_303 = vector.broadcast %sub3A_302 : f32 to vector<16xf32>
        %sub3A_304 = arith.subf %sub3A_303, %abs3A : vector<16xf32>
        %max3A_305 = arith.constant 1.000000e-30 : f32
        %max3A_306 = vector.broadcast %max3A_305 : f32 to vector<16xf32>
        %max3A_307 = arith.maximumf %sub3A_304, %max3A_306 : vector<16xf32>
        %bitcast3A_308 = vector.bitcast %max3A_307 : vector<16xf32> to vector<16xi32>
        %shift_right_arithmetic3A_309 = arith.constant 1 : i32
        %shift_right_arithmetic3A_310 = vector.broadcast %shift_right_arithmetic3A_309 : i32 to vector<16xi32>
        %shift_right_arithmetic3A_311 = arith.shrsi %bitcast3A_308, %shift_right_arithmetic3A_310 : vector<16xi32>
        %sub3A_312 = arith.constant 1597463007 : i32
        %sub3A_313 = vector.broadcast %sub3A_312 : i32 to vector<16xi32>
        %sub3A_314 = arith.subi %sub3A_313, %shift_right_arithmetic3A_311 : vector<16xi32>
        %bitcast3A_315 = vector.bitcast %sub3A_314 : vector<16xi32> to vector<16xf32>
        %mul3A_316 = arith.constant 5.000000e-01 : f32
        %mul3A_317 = vector.broadcast %mul3A_316 : f32 to vector<16xf32>
        %mul3A_318 = arith.mulf %mul3A_317, %max3A_307 : vector<16xf32>
        %mul3A_319 = arith.mulf %mul3A_318, %bitcast3A_315 : vector<16xf32>
        %mul3A_320 = arith.mulf %mul3A_319, %bitcast3A_315 : vector<16xf32>
        %sub3A_321 = arith.constant 1.500000e+00 : f32
        %sub3A_322 = vector.broadcast %sub3A_321 : f32 to vector<16xf32>
        %sub3A_323 = arith.subf %sub3A_322, %mul3A_320 : vector<16xf32>
        %mul3A_324 = arith.mulf %bitcast3A_315, %sub3A_323 : vector<16xf32>
        %mul3A_325 = arith.constant 5.000000e-01 : f32
        %mul3A_326 = vector.broadcast %mul3A_325 : f32 to vector<16xf32>
        %mul3A_327 = arith.mulf %mul3A_326, %max3A_307 : vector<16xf32>
        %mul3A_328 = arith.mulf %mul3A_327, %mul3A_324 : vector<16xf32>
        %mul3A_329 = arith.mulf %mul3A_328, %mul3A_324 : vector<16xf32>
        %sub3A_330 = arith.constant 1.500000e+00 : f32
        %sub3A_331 = vector.broadcast %sub3A_330 : f32 to vector<16xf32>
        %sub3A_332 = arith.subf %sub3A_331, %mul3A_329 : vector<16xf32>
        %mul3A_333 = arith.mulf %mul3A_324, %sub3A_332 : vector<16xf32>
        %mul3A_334 = arith.mulf %sub3A_304, %mul3A_333 : vector<16xf32>
        %broadcast_in_dim3A_335 = arith.constant -1.872930e-02 : f32
        %broadcast_in_dim3A_336 = vector.broadcast %broadcast_in_dim3A_335 : f32 to vector<16xf32>
        %mul3A_337 = arith.mulf %broadcast_in_dim3A_336, %abs3A : vector<16xf32>
        %add3A_338 = arith.constant 7.426100e-02 : f32
        %add3A_339 = vector.broadcast %add3A_338 : f32 to vector<16xf32>
        %add3A_340 = arith.addf %mul3A_337, %add3A_339 : vector<16xf32>
        %mul3A_341 = arith.mulf %add3A_340, %abs3A : vector<16xf32>
        %add3A_342 = arith.constant -0.212114394 : f32
        %add3A_343 = vector.broadcast %add3A_342 : f32 to vector<16xf32>
        %add3A_344 = arith.addf %mul3A_341, %add3A_343 : vector<16xf32>
        %mul3A_345 = arith.mulf %add3A_344, %abs3A : vector<16xf32>
        %add3A_346 = arith.constant 1.57072878 : f32
        %add3A_347 = vector.broadcast %add3A_346 : f32 to vector<16xf32>
        %add3A_348 = arith.addf %mul3A_345, %add3A_347 : vector<16xf32>
        %mul3A_349 = arith.mulf %mul3A_334, %add3A_348 : vector<16xf32>
        %lt3A_350 = arith.constant 0.000000e+00 : f32
        %lt3A_351 = vector.broadcast %lt3A_350 : f32 to vector<16xf32>
        %lt3A_352 = arith.cmpf olt, %min3A_301, %lt3A_351 : vector<16xf32>
        %sub3A_353 = arith.constant 3.14159274 : f32
        %sub3A_354 = vector.broadcast %sub3A_353 : f32 to vector<16xf32>
        %sub3A_355 = arith.subf %sub3A_354, %mul3A_349 : vector<16xf32>
        %select_n3A = arith.select %lt3A_352, %sub3A_355, %mul3A_349 : vector<16xi1>, vector<16xf32>
        %get3A = arith.index_cast %mul3A_223 : i32 to index
        %get3A_356 = tpu.vector_load %arg14[%get3A] {strides = array<i32>} : memref<800xf32, #tpu.memory_space<vmem>>, vector<16xf32>,
        %sub3A_357 = arith.subf %select_n3A, %get3A_356 : vector<16xf32>
        %mul3A_358 = arith.mulf %sub3A_357, %sub3A_357 : vector<16xf32>
        %get3A_359 = arith.index_cast %mul3A_223 : i32 to index
        %get3A_360 = tpu.vector_load %arg15[%get3A_359] {strides = array<i32>} : memref<800xf32, #tpu.memory_space<vmem>>, vector<16xf32>,
        %mul3A_361 = arith.mulf %mul3A_358, %get3A_360 : vector<16xf32>
        %mul3A_362 = arith.constant 5.000000e-01 : f32
        %mul3A_363 = vector.broadcast %mul3A_362 : f32 to vector<16xf32>
        %mul3A_364 = arith.mulf %mul3A_361, %mul3A_363 : vector<16xf32>
        %add3A_365 = arith.addf %scan3A_213, %mul3A_364 : vector<16xf32>
        %mul3A_366 = arith.constant 2 : i32
        %mul3A_367 = arith.muli %scan3A_212, %mul3A_366 : i32
        %add3A_368 = arith.constant 1 : i32
        %add3A_369 = arith.addi %mul3A_367, %add3A_368 : i32
        %mul3A_370 = arith.constant 16 : i32
        %mul3A_371 = arith.muli %add3A_369, %mul3A_370 : i32
        %add3A_372 = vector.broadcast %mul3A_371 : i32 to vector<16xi32>
        %add3A_373 = arith.addi %add3A_372, %iota3A : vector<16xi32>
        %mul3A_374 = arith.constant 16 : i32
        %mul3A_375 = arith.muli %add3A_369, %mul3A_374 : i32
        %gather3A_376 = tpu.vector_load_idx %arg12[%add3A_373, %broadcast_in_dim3A_164] : memref<2400x8xf32, #tpu.memory_space<vmem>>[vector<16xi32>, vector<16xi32>], vector<16xf32>,
        %gather3A_377 = tpu.vector_load_idx %arg12[%add3A_373, %broadcast_in_dim3A_166] : memref<2400x8xf32, #tpu.memory_space<vmem>>[vector<16xi32>, vector<16xi32>], vector<16xf32>,
        %gather3A_378 = tpu.vector_load_idx %arg12[%add3A_373, %broadcast_in_dim3A_168] : memref<2400x8xf32, #tpu.memory_space<vmem>>[vector<16xi32>, vector<16xi32>], vector<16xf32>,
        %add3A_379 = arith.constant 800 : i32
        %add3A_380 = vector.broadcast %add3A_379 : i32 to vector<16xi32>
        %add3A_381 = arith.addi %add3A_373, %add3A_380 : vector<16xi32>
        %gather3A_382 = tpu.vector_load_idx %arg12[%add3A_381, %broadcast_in_dim3A_164] : memref<2400x8xf32, #tpu.memory_space<vmem>>[vector<16xi32>, vector<16xi32>], vector<16xf32>,
        %add3A_383 = arith.constant 800 : i32
        %add3A_384 = vector.broadcast %add3A_383 : i32 to vector<16xi32>
        %add3A_385 = arith.addi %add3A_373, %add3A_384 : vector<16xi32>
        %gather3A_386 = tpu.vector_load_idx %arg12[%add3A_385, %broadcast_in_dim3A_166] : memref<2400x8xf32, #tpu.memory_space<vmem>>[vector<16xi32>, vector<16xi32>], vector<16xf32>,
        %add3A_387 = arith.constant 800 : i32
        %add3A_388 = vector.broadcast %add3A_387 : i32 to vector<16xi32>
        %add3A_389 = arith.addi %add3A_373, %add3A_388 : vector<16xi32>
        %gather3A_390 = tpu.vector_load_idx %arg12[%add3A_389, %broadcast_in_dim3A_168] : memref<2400x8xf32, #tpu.memory_space<vmem>>[vector<16xi32>, vector<16xi32>], vector<16xf32>,
        %add3A_391 = arith.constant 1600 : i32
        %add3A_392 = vector.broadcast %add3A_391 : i32 to vector<16xi32>
        %add3A_393 = arith.addi %add3A_373, %add3A_392 : vector<16xi32>
        %gather3A_394 = tpu.vector_load_idx %arg12[%add3A_393, %broadcast_in_dim3A_164] : memref<2400x8xf32, #tpu.memory_space<vmem>>[vector<16xi32>, vector<16xi32>], vector<16xf32>,
        %add3A_395 = arith.constant 1600 : i32
        %add3A_396 = vector.broadcast %add3A_395 : i32 to vector<16xi32>
        %add3A_397 = arith.addi %add3A_373, %add3A_396 : vector<16xi32>
        %gather3A_398 = tpu.vector_load_idx %arg12[%add3A_397, %broadcast_in_dim3A_166] : memref<2400x8xf32, #tpu.memory_space<vmem>>[vector<16xi32>, vector<16xi32>], vector<16xf32>,
        %add3A_399 = arith.constant 1600 : i32
        %add3A_400 = vector.broadcast %add3A_399 : i32 to vector<16xi32>
        %add3A_401 = arith.addi %add3A_373, %add3A_400 : vector<16xi32>
        %gather3A_402 = tpu.vector_load_idx %arg12[%add3A_401, %broadcast_in_dim3A_168] : memref<2400x8xf32, #tpu.memory_space<vmem>>[vector<16xi32>, vector<16xi32>], vector<16xf32>,
        %sub3A_403 = arith.subf %gather3A_376, %gather3A_382 : vector<16xf32>
        %sub3A_404 = arith.subf %gather3A_377, %gather3A_386 : vector<16xf32>
        %sub3A_405 = arith.subf %gather3A_378, %gather3A_390 : vector<16xf32>
        %sub3A_406 = arith.subf %gather3A_394, %gather3A_382 : vector<16xf32>
        %sub3A_407 = arith.subf %gather3A_398, %gather3A_386 : vector<16xf32>
        %sub3A_408 = arith.subf %gather3A_402, %gather3A_390 : vector<16xf32>
        %mul3A_409 = arith.mulf %sub3A_403, %sub3A_406 : vector<16xf32>
        %mul3A_410 = arith.mulf %sub3A_404, %sub3A_407 : vector<16xf32>
        %add3A_411 = arith.addf %mul3A_409, %mul3A_410 : vector<16xf32>
        %mul3A_412 = arith.mulf %sub3A_405, %sub3A_408 : vector<16xf32>
        %add3A_413 = arith.addf %add3A_411, %mul3A_412 : vector<16xf32>
        %mul3A_414 = arith.mulf %sub3A_403, %sub3A_403 : vector<16xf32>
        %mul3A_415 = arith.mulf %sub3A_404, %sub3A_404 : vector<16xf32>
        %add3A_416 = arith.addf %mul3A_414, %mul3A_415 : vector<16xf32>
        %mul3A_417 = arith.mulf %sub3A_405, %sub3A_405 : vector<16xf32>
        %add3A_418 = arith.addf %add3A_416, %mul3A_417 : vector<16xf32>
        %mul3A_419 = arith.mulf %sub3A_406, %sub3A_406 : vector<16xf32>
        %mul3A_420 = arith.mulf %sub3A_407, %sub3A_407 : vector<16xf32>
        %add3A_421 = arith.addf %mul3A_419, %mul3A_420 : vector<16xf32>
        %mul3A_422 = arith.mulf %sub3A_408, %sub3A_408 : vector<16xf32>
        %add3A_423 = arith.addf %add3A_421, %mul3A_422 : vector<16xf32>
        %mul3A_424 = arith.mulf %add3A_418, %add3A_423 : vector<16xf32>
        %max3A_425 = arith.constant 1.000000e-30 : f32
        %max3A_426 = vector.broadcast %max3A_425 : f32 to vector<16xf32>
        %max3A_427 = arith.maximumf %mul3A_424, %max3A_426 : vector<16xf32>
        %bitcast3A_428 = vector.bitcast %max3A_427 : vector<16xf32> to vector<16xi32>
        %shift_right_arithmetic3A_429 = arith.constant 1 : i32
        %shift_right_arithmetic3A_430 = vector.broadcast %shift_right_arithmetic3A_429 : i32 to vector<16xi32>
        %shift_right_arithmetic3A_431 = arith.shrsi %bitcast3A_428, %shift_right_arithmetic3A_430 : vector<16xi32>
        %sub3A_432 = arith.constant 1597463007 : i32
        %sub3A_433 = vector.broadcast %sub3A_432 : i32 to vector<16xi32>
        %sub3A_434 = arith.subi %sub3A_433, %shift_right_arithmetic3A_431 : vector<16xi32>
        %bitcast3A_435 = vector.bitcast %sub3A_434 : vector<16xi32> to vector<16xf32>
        %mul3A_436 = arith.constant 5.000000e-01 : f32
        %mul3A_437 = vector.broadcast %mul3A_436 : f32 to vector<16xf32>
        %mul3A_438 = arith.mulf %mul3A_437, %max3A_427 : vector<16xf32>
        %mul3A_439 = arith.mulf %mul3A_438, %bitcast3A_435 : vector<16xf32>
        %mul3A_440 = arith.mulf %mul3A_439, %bitcast3A_435 : vector<16xf32>
        %sub3A_441 = arith.constant 1.500000e+00 : f32
        %sub3A_442 = vector.broadcast %sub3A_441 : f32 to vector<16xf32>
        %sub3A_443 = arith.subf %sub3A_442, %mul3A_440 : vector<16xf32>
        %mul3A_444 = arith.mulf %bitcast3A_435, %sub3A_443 : vector<16xf32>
        %mul3A_445 = arith.constant 5.000000e-01 : f32
        %mul3A_446 = vector.broadcast %mul3A_445 : f32 to vector<16xf32>
        %mul3A_447 = arith.mulf %mul3A_446, %max3A_427 : vector<16xf32>
        %mul3A_448 = arith.mulf %mul3A_447, %mul3A_444 : vector<16xf32>
        %mul3A_449 = arith.mulf %mul3A_448, %mul3A_444 : vector<16xf32>
        %sub3A_450 = arith.constant 1.500000e+00 : f32
        %sub3A_451 = vector.broadcast %sub3A_450 : f32 to vector<16xf32>
        %sub3A_452 = arith.subf %sub3A_451, %mul3A_449 : vector<16xf32>
        %mul3A_453 = arith.mulf %mul3A_444, %sub3A_452 : vector<16xf32>
        %mul3A_454 = arith.mulf %add3A_413, %mul3A_453 : vector<16xf32>
        %jit3A_455 = arith.constant -1.000000e+00 : f32
        %jit3A_456 = arith.constant 1.000000e+00 : f32
        %max3A_457 = vector.broadcast %jit3A_455 : f32 to vector<16xf32>
        %max3A_458 = arith.maximumf %max3A_457, %mul3A_454 : vector<16xf32>
        %min3A_459 = vector.broadcast %jit3A_456 : f32 to vector<16xf32>
        %min3A_460 = arith.minimumf %min3A_459, %max3A_458 : vector<16xf32>
        %abs3A_461 = math.absf %min3A_460 : vector<16xf32>
        %sub3A_462 = arith.constant 1.000000e+00 : f32
        %sub3A_463 = vector.broadcast %sub3A_462 : f32 to vector<16xf32>
        %sub3A_464 = arith.subf %sub3A_463, %abs3A_461 : vector<16xf32>
        %max3A_465 = arith.constant 1.000000e-30 : f32
        %max3A_466 = vector.broadcast %max3A_465 : f32 to vector<16xf32>
        %max3A_467 = arith.maximumf %sub3A_464, %max3A_466 : vector<16xf32>
        %bitcast3A_468 = vector.bitcast %max3A_467 : vector<16xf32> to vector<16xi32>
        %shift_right_arithmetic3A_469 = arith.constant 1 : i32
        %shift_right_arithmetic3A_470 = vector.broadcast %shift_right_arithmetic3A_469 : i32 to vector<16xi32>
        %shift_right_arithmetic3A_471 = arith.shrsi %bitcast3A_468, %shift_right_arithmetic3A_470 : vector<16xi32>
        %sub3A_472 = arith.constant 1597463007 : i32
        %sub3A_473 = vector.broadcast %sub3A_472 : i32 to vector<16xi32>
        %sub3A_474 = arith.subi %sub3A_473, %shift_right_arithmetic3A_471 : vector<16xi32>
        %bitcast3A_475 = vector.bitcast %sub3A_474 : vector<16xi32> to vector<16xf32>
        %mul3A_476 = arith.constant 5.000000e-01 : f32
        %mul3A_477 = vector.broadcast %mul3A_476 : f32 to vector<16xf32>
        %mul3A_478 = arith.mulf %mul3A_477, %max3A_467 : vector<16xf32>
        %mul3A_479 = arith.mulf %mul3A_478, %bitcast3A_475 : vector<16xf32>
        %mul3A_480 = arith.mulf %mul3A_479, %bitcast3A_475 : vector<16xf32>
        %sub3A_481 = arith.constant 1.500000e+00 : f32
        %sub3A_482 = vector.broadcast %sub3A_481 : f32 to vector<16xf32>
        %sub3A_483 = arith.subf %sub3A_482, %mul3A_480 : vector<16xf32>
        %mul3A_484 = arith.mulf %bitcast3A_475, %sub3A_483 : vector<16xf32>
        %mul3A_485 = arith.constant 5.000000e-01 : f32
        %mul3A_486 = vector.broadcast %mul3A_485 : f32 to vector<16xf32>
        %mul3A_487 = arith.mulf %mul3A_486, %max3A_467 : vector<16xf32>
        %mul3A_488 = arith.mulf %mul3A_487, %mul3A_484 : vector<16xf32>
        %mul3A_489 = arith.mulf %mul3A_488, %mul3A_484 : vector<16xf32>
        %sub3A_490 = arith.constant 1.500000e+00 : f32
        %sub3A_491 = vector.broadcast %sub3A_490 : f32 to vector<16xf32>
        %sub3A_492 = arith.subf %sub3A_491, %mul3A_489 : vector<16xf32>
        %mul3A_493 = arith.mulf %mul3A_484, %sub3A_492 : vector<16xf32>
        %mul3A_494 = arith.mulf %sub3A_464, %mul3A_493 : vector<16xf32>
        %broadcast_in_dim3A_495 = arith.constant -1.872930e-02 : f32
        %broadcast_in_dim3A_496 = vector.broadcast %broadcast_in_dim3A_495 : f32 to vector<16xf32>
        %mul3A_497 = arith.mulf %broadcast_in_dim3A_496, %abs3A_461 : vector<16xf32>
        %add3A_498 = arith.constant 7.426100e-02 : f32
        %add3A_499 = vector.broadcast %add3A_498 : f32 to vector<16xf32>
        %add3A_500 = arith.addf %mul3A_497, %add3A_499 : vector<16xf32>
        %mul3A_501 = arith.mulf %add3A_500, %abs3A_461 : vector<16xf32>
        %add3A_502 = arith.constant -0.212114394 : f32
        %add3A_503 = vector.broadcast %add3A_502 : f32 to vector<16xf32>
        %add3A_504 = arith.addf %mul3A_501, %add3A_503 : vector<16xf32>
        %mul3A_505 = arith.mulf %add3A_504, %abs3A_461 : vector<16xf32>
        %add3A_506 = arith.constant 1.57072878 : f32
        %add3A_507 = vector.broadcast %add3A_506 : f32 to vector<16xf32>
        %add3A_508 = arith.addf %mul3A_505, %add3A_507 : vector<16xf32>
        %mul3A_509 = arith.mulf %mul3A_494, %add3A_508 : vector<16xf32>
        %lt3A_510 = arith.constant 0.000000e+00 : f32
        %lt3A_511 = vector.broadcast %lt3A_510 : f32 to vector<16xf32>
        %lt3A_512 = arith.cmpf olt, %min3A_460, %lt3A_511 : vector<16xf32>
        %sub3A_513 = arith.constant 3.14159274 : f32
        %sub3A_514 = vector.broadcast %sub3A_513 : f32 to vector<16xf32>
        %sub3A_515 = arith.subf %sub3A_514, %mul3A_509 : vector<16xf32>
        %select_n3A_516 = arith.select %lt3A_512, %sub3A_515, %mul3A_509 : vector<16xi1>, vector<16xf32>
        %get3A_517 = arith.index_cast %mul3A_375 : i32 to index
        %get3A_518 = tpu.vector_load %arg14[%get3A_517] {strides = array<i32>} : memref<800xf32, #tpu.memory_space<vmem>>, vector<16xf32>,
        %sub3A_519 = arith.subf %select_n3A_516, %get3A_518 : vector<16xf32>
        %mul3A_520 = arith.mulf %sub3A_519, %sub3A_519 : vector<16xf32>
        %get3A_521 = arith.index_cast %mul3A_375 : i32 to index
        %get3A_522 = tpu.vector_load %arg15[%get3A_521] {strides = array<i32>} : memref<800xf32, #tpu.memory_space<vmem>>, vector<16xf32>,
        %mul3A_523 = arith.mulf %mul3A_520, %get3A_522 : vector<16xf32>
        %mul3A_524 = arith.constant 5.000000e-01 : f32
        %mul3A_525 = vector.broadcast %mul3A_524 : f32 to vector<16xf32>
        %mul3A_526 = arith.mulf %mul3A_523, %mul3A_525 : vector<16xf32>
        %add3A_527 = arith.addf %add3A_365, %mul3A_526 : vector<16xf32>
        scf.yield %add3A_527 : vector<16xf32>
      }
      %scan3A_174 = arith.constant 25 : i32
      %add3A_175 = arith.constant 2 : i32
      %add3A_176 = arith.addi %mul3A_109, %add3A_175 : i32
      %lt3A_177 = arith.constant 125 : i32
      %lt3A_178 = arith.cmpi slt, %add3A_176, %lt3A_177 : i32
      %convert_element_type3A_179 = arith.extui %lt3A_178 : i1 to i32
      %cond3A_180 = arith.constant 0 : i32
      %cond3A_181 = arith.cmpi ne, %convert_element_type3A_179, %cond3A_180 : i32
      scf.if %cond3A_181 {
        %dma_wait3A_212 = arith.constant 0 : i32
        %dma_wait3A_213 = tpu.memref_slice %arg10[%dma_wait3A_212] : memref<2400xi32, #tpu.memory_space<vmem>> -> memref<800xi32, #tpu.memory_space<vmem>>
        %dma_wait3A_214 = arith.constant 0 : i32
        %dma_wait3A_215 = tpu.memref_slice %arg3[%dma_wait3A_214] : memref<3200000xi32, #tpu.memory_space<hbm>> -> memref<800xi32, #tpu.memory_space<hbm>>
        %dma_wait3A_216 = arith.constant 0 : i32
        %dma_wait3A_217 = tpu.memref_slice %arg10[%dma_wait3A_216] : memref<2400xi32, #tpu.memory_space<vmem>> -> memref<800xi32, #tpu.memory_space<vmem>>
        %dma_wait3A_218 = arith.constant 0 : i32
        %dma_wait3A_219 = tpu.memref_slice %arg3[%dma_wait3A_218] : memref<3200000xi32, #tpu.memory_space<hbm>> -> memref<800xi32, #tpu.memory_space<hbm>>
        tpu.wait_dma2 semaphore(%arg19 : memref<!tpu.dma_semaphore, #tpu.memory_space<semaphore_mem>>) src(%dma_wait3A_219 : memref<800xi32, #tpu.memory_space<hbm>>) dst(%dma_wait3A_217 : memref<800xi32, #tpu.memory_space<vmem>>)
        %dma_wait3A_220 = arith.constant 800 : i32
        %dma_wait3A_221 = tpu.memref_slice %arg10[%dma_wait3A_220] : memref<2400xi32, #tpu.memory_space<vmem>> -> memref<800xi32, #tpu.memory_space<vmem>>
        %dma_wait3A_222 = arith.constant 0 : i32
        %dma_wait3A_223 = tpu.memref_slice %arg4[%dma_wait3A_222] : memref<3200000xi32, #tpu.memory_space<hbm>> -> memref<800xi32, #tpu.memory_space<hbm>>
        %dma_wait3A_224 = arith.constant 800 : i32
        %dma_wait3A_225 = tpu.memref_slice %arg10[%dma_wait3A_224] : memref<2400xi32, #tpu.memory_space<vmem>> -> memref<800xi32, #tpu.memory_space<vmem>>
        %dma_wait3A_226 = arith.constant 0 : i32
        %dma_wait3A_227 = tpu.memref_slice %arg4[%dma_wait3A_226] : memref<3200000xi32, #tpu.memory_space<hbm>> -> memref<800xi32, #tpu.memory_space<hbm>>
        tpu.wait_dma2 semaphore(%arg19 : memref<!tpu.dma_semaphore, #tpu.memory_space<semaphore_mem>>) src(%dma_wait3A_227 : memref<800xi32, #tpu.memory_space<hbm>>) dst(%dma_wait3A_225 : memref<800xi32, #tpu.memory_space<vmem>>)
        %dma_wait3A_228 = arith.constant 1600 : i32
        %dma_wait3A_229 = tpu.memref_slice %arg10[%dma_wait3A_228] : memref<2400xi32, #tpu.memory_space<vmem>> -> memref<800xi32, #tpu.memory_space<vmem>>
        %dma_wait3A_230 = arith.constant 0 : i32
        %dma_wait3A_231 = tpu.memref_slice %arg5[%dma_wait3A_230] : memref<3200000xi32, #tpu.memory_space<hbm>> -> memref<800xi32, #tpu.memory_space<hbm>>
        %dma_wait3A_232 = arith.constant 1600 : i32
        %dma_wait3A_233 = tpu.memref_slice %arg10[%dma_wait3A_232] : memref<2400xi32, #tpu.memory_space<vmem>> -> memref<800xi32, #tpu.memory_space<vmem>>
        %dma_wait3A_234 = arith.constant 0 : i32
        %dma_wait3A_235 = tpu.memref_slice %arg5[%dma_wait3A_234] : memref<3200000xi32, #tpu.memory_space<hbm>> -> memref<800xi32, #tpu.memory_space<hbm>>
        tpu.wait_dma2 semaphore(%arg19 : memref<!tpu.dma_semaphore, #tpu.memory_space<semaphore_mem>>) src(%dma_wait3A_235 : memref<800xi32, #tpu.memory_space<hbm>>) dst(%dma_wait3A_233 : memref<800xi32, #tpu.memory_space<vmem>>)
        %add3A_236 = arith.constant 2 : i32
        %add3A_237 = arith.addi %mul3A_109, %add3A_236 : i32
        %mul3A_238 = arith.constant 800 : i32
        %mul3A_239 = arith.muli %add3A_237, %mul3A_238 : i32
        %add3A_240 = arith.addi %mul3A_4, %mul3A_239 : i32
        %dma_start3A_241 = arith.constant 0 : i32
        %dma_start3A_242 = arith.constant 0 : i32
        %dma_start3A_243 = tpu.memref_slice %arg9[%dma_start3A_241, %dma_start3A_242] : memref<100000x8xf32, #tpu.memory_space<vmem_shared>> -> memref<100000x8xf32, #tpu.memory_space<vmem_shared>>
        tpu.enqueue_indirect_dma source(%dma_start3A_243 : memref<100000x8xf32, #tpu.memory_space<vmem_shared>>) target(%arg12 : memref<2400x8xf32, #tpu.memory_space<vmem>>) offsets(%arg10 : memref<2400xi32, #tpu.memory_space<vmem>>) semaphore(%arg21 : memref<!tpu.dma_semaphore, #tpu.memory_space<semaphore_mem>>)
        %dma_start3A_244 = tpu.memref_slice %arg6[%add3A_240] : memref<3200000xf32, #tpu.memory_space<hbm>> -> memref<800xf32, #tpu.memory_space<hbm>>
        %dma_start3A_245 = tpu.memref_slice %arg6[%add3A_240] : memref<3200000xf32, #tpu.memory_space<hbm>> -> memref<800xf32, #tpu.memory_space<hbm>>
        tpu.enqueue_dma source(%dma_start3A_245 : memref<800xf32, #tpu.memory_space<hbm>>) target(%arg14 : memref<800xf32, #tpu.memory_space<vmem>>) target_semaphore(%arg23 : memref<!tpu.dma_semaphore, #tpu.memory_space<semaphore_mem>>)
        %dma_start3A_246 = tpu.memref_slice %arg7[%add3A_240] : memref<3200000xf32, #tpu.memory_space<hbm>> -> memref<800xf32, #tpu.memory_space<hbm>>
        %dma_start3A_247 = tpu.memref_slice %arg7[%add3A_240] : memref<3200000xf32, #tpu.memory_space<hbm>> -> memref<800xf32, #tpu.memory_space<hbm>>
        tpu.enqueue_dma source(%dma_start3A_247 : memref<800xf32, #tpu.memory_space<hbm>>) target(%arg15 : memref<800xf32, #tpu.memory_space<vmem>>) target_semaphore(%arg23 : memref<!tpu.dma_semaphore, #tpu.memory_space<semaphore_mem>>)
      } else {
      }
      %dma_wait3A_182 = arith.constant 0 : i32
      %dma_wait3A_183 = arith.constant 0 : i32
      %dma_wait3A_184 = tpu.memref_slice %arg9[%dma_wait3A_182, %dma_wait3A_183] : memref<100000x8xf32, #tpu.memory_space<vmem_shared>> -> memref<100000x8xf32, #tpu.memory_space<vmem_shared>>
      tpu.wait_indirect_dma semaphore(%arg22 : memref<!tpu.dma_semaphore, #tpu.memory_space<semaphore_mem>>) src(%dma_wait3A_184 : memref<100000x8xf32, #tpu.memory_space<vmem_shared>>) dst(%arg13 : memref<2400x8xf32, #tpu.memory_space<vmem>>)
      %dma_wait3A_185 = arith.constant 0 : i32
      %dma_wait3A_186 = tpu.memref_slice %arg6[%dma_wait3A_185] : memref<3200000xf32, #tpu.memory_space<hbm>> -> memref<800xf32, #tpu.memory_space<hbm>>
      %dma_wait3A_187 = arith.constant 0 : i32
      %dma_wait3A_188 = tpu.memref_slice %arg6[%dma_wait3A_187] : memref<3200000xf32, #tpu.memory_space<hbm>> -> memref<800xf32, #tpu.memory_space<hbm>>
      tpu.wait_dma2 semaphore(%arg24 : memref<!tpu.dma_semaphore, #tpu.memory_space<semaphore_mem>>) src(%dma_wait3A_188 : memref<800xf32, #tpu.memory_space<hbm>>) dst(%arg16 : memref<800xf32, #tpu.memory_space<vmem>>)
      %dma_wait3A_189 = arith.constant 0 : i32
      %dma_wait3A_190 = tpu.memref_slice %arg6[%dma_wait3A_189] : memref<3200000xf32, #tpu.memory_space<hbm>> -> memref<800xf32, #tpu.memory_space<hbm>>
      %dma_wait3A_191 = arith.constant 0 : i32
      %dma_wait3A_192 = tpu.memref_slice %arg6[%dma_wait3A_191] : memref<3200000xf32, #tpu.memory_space<hbm>> -> memref<800xf32, #tpu.memory_space<hbm>>
      tpu.wait_dma2 semaphore(%arg24 : memref<!tpu.dma_semaphore, #tpu.memory_space<semaphore_mem>>) src(%dma_wait3A_192 : memref<800xf32, #tpu.memory_space<hbm>>) dst(%arg17 : memref<800xf32, #tpu.memory_space<vmem>>)
      %add3A_193 = arith.constant 3 : i32
      %add3A_194 = arith.addi %mul3A_109, %add3A_193 : i32
      %lt3A_195 = arith.constant 125 : i32
      %lt3A_196 = arith.cmpi slt, %add3A_194, %lt3A_195 : i32
      %convert_element_type3A_197 = arith.extui %lt3A_196 : i1 to i32
      %cond3A_198 = arith.constant 0 : i32
      %cond3A_199 = arith.cmpi ne, %convert_element_type3A_197, %cond3A_198 : i32
      scf.if %cond3A_199 {
        %add3A_212 = arith.constant 3 : i32
        %add3A_213 = arith.addi %mul3A_109, %add3A_212 : i32
        %mul3A_214 = arith.constant 800 : i32
        %mul3A_215 = arith.muli %add3A_213, %mul3A_214 : i32
        %add3A_216 = arith.addi %mul3A_4, %mul3A_215 : i32
        %dma_start3A_217 = arith.constant 0 : i32
        %dma_start3A_218 = tpu.memref_slice %arg11[%dma_start3A_217] : memref<2400xi32, #tpu.memory_space<vmem>> -> memref<800xi32, #tpu.memory_space<vmem>>
        %dma_start3A_219 = tpu.memref_slice %arg3[%add3A_216] : memref<3200000xi32, #tpu.memory_space<hbm>> -> memref<800xi32, #tpu.memory_space<hbm>>
        %dma_start3A_220 = arith.constant 0 : i32
        %dma_start3A_221 = tpu.memref_slice %arg11[%dma_start3A_220] : memref<2400xi32, #tpu.memory_space<vmem>> -> memref<800xi32, #tpu.memory_space<vmem>>
        %dma_start3A_222 = tpu.memref_slice %arg3[%add3A_216] : memref<3200000xi32, #tpu.memory_space<hbm>> -> memref<800xi32, #tpu.memory_space<hbm>>
        tpu.enqueue_dma source(%dma_start3A_222 : memref<800xi32, #tpu.memory_space<hbm>>) target(%dma_start3A_221 : memref<800xi32, #tpu.memory_space<vmem>>) target_semaphore(%arg20 : memref<!tpu.dma_semaphore, #tpu.memory_space<semaphore_mem>>)
        %dma_start3A_223 = arith.constant 800 : i32
        %dma_start3A_224 = tpu.memref_slice %arg11[%dma_start3A_223] : memref<2400xi32, #tpu.memory_space<vmem>> -> memref<800xi32, #tpu.memory_space<vmem>>
        %dma_start3A_225 = tpu.memref_slice %arg4[%add3A_216] : memref<3200000xi32, #tpu.memory_space<hbm>> -> memref<800xi32, #tpu.memory_space<hbm>>
        %dma_start3A_226 = arith.constant 800 : i32
        %dma_start3A_227 = tpu.memref_slice %arg11[%dma_start3A_226] : memref<2400xi32, #tpu.memory_space<vmem>> -> memref<800xi32, #tpu.memory_space<vmem>>
        %dma_start3A_228 = tpu.memref_slice %arg4[%add3A_216] : memref<3200000xi32, #tpu.memory_space<hbm>> -> memref<800xi32, #tpu.memory_space<hbm>>
        tpu.enqueue_dma source(%dma_start3A_228 : memref<800xi32, #tpu.memory_space<hbm>>) target(%dma_start3A_227 : memref<800xi32, #tpu.memory_space<vmem>>) target_semaphore(%arg20 : memref<!tpu.dma_semaphore, #tpu.memory_space<semaphore_mem>>)
        %dma_start3A_229 = arith.constant 1600 : i32
        %dma_start3A_230 = tpu.memref_slice %arg11[%dma_start3A_229] : memref<2400xi32, #tpu.memory_space<vmem>> -> memref<800xi32, #tpu.memory_space<vmem>>
        %dma_start3A_231 = tpu.memref_slice %arg5[%add3A_216] : memref<3200000xi32, #tpu.memory_space<hbm>> -> memref<800xi32, #tpu.memory_space<hbm>>
        %dma_start3A_232 = arith.constant 1600 : i32
        %dma_start3A_233 = tpu.memref_slice %arg11[%dma_start3A_232] : memref<2400xi32, #tpu.memory_space<vmem>> -> memref<800xi32, #tpu.memory_space<vmem>>
        %dma_start3A_234 = tpu.memref_slice %arg5[%add3A_216] : memref<3200000xi32, #tpu.memory_space<hbm>> -> memref<800xi32, #tpu.memory_space<hbm>>
        tpu.enqueue_dma source(%dma_start3A_234 : memref<800xi32, #tpu.memory_space<hbm>>) target(%dma_start3A_233 : memref<800xi32, #tpu.memory_space<vmem>>) target_semaphore(%arg20 : memref<!tpu.dma_semaphore, #tpu.memory_space<semaphore_mem>>)
      } else {
      }
      %broadcast_in_dim3A_200 = arith.constant 0 : i32
      %broadcast_in_dim3A_201 = vector.broadcast %broadcast_in_dim3A_200 : i32 to vector<16xi32>
      %broadcast_in_dim3A_202 = arith.constant 1 : i32
      %broadcast_in_dim3A_203 = vector.broadcast %broadcast_in_dim3A_202 : i32 to vector<16xi32>
      %broadcast_in_dim3A_204 = arith.constant 2 : i32
      %broadcast_in_dim3A_205 = vector.broadcast %broadcast_in_dim3A_204 : i32 to vector<16xi32>
      %scan3A_206 = arith.constant 0 : i32
      %scan3A_207 = arith.constant 25 : i32
      %scan3A_208 = arith.addi %scan3A_206, %scan3A_207 : i32
      %scan3A_209 = arith.constant 1 : i32
      %scan3A_210 = scf.for %scan3A_212 = %scan3A_206 to %scan3A_208 step %scan3A_209 iter_args(%scan3A_213 = %scan3A_173) -> (vector<16xf32>)  : i32 {
        %mul3A_214 = arith.constant 2 : i32
        %mul3A_215 = arith.muli %scan3A_212, %mul3A_214 : i32
        %add3A_216 = arith.constant 0 : i32
        %add3A_217 = arith.addi %mul3A_215, %add3A_216 : i32
        %mul3A_218 = arith.constant 16 : i32
        %mul3A_219 = arith.muli %add3A_217, %mul3A_218 : i32
        %add3A_220 = vector.broadcast %mul3A_219 : i32 to vector<16xi32>
        %add3A_221 = arith.addi %add3A_220, %iota3A : vector<16xi32>
        %mul3A_222 = arith.constant 16 : i32
        %mul3A_223 = arith.muli %add3A_217, %mul3A_222 : i32
        %gather3A = tpu.vector_load_idx %arg13[%add3A_221, %broadcast_in_dim3A_201] : memref<2400x8xf32, #tpu.memory_space<vmem>>[vector<16xi32>, vector<16xi32>], vector<16xf32>,
        %gather3A_224 = tpu.vector_load_idx %arg13[%add3A_221, %broadcast_in_dim3A_203] : memref<2400x8xf32, #tpu.memory_space<vmem>>[vector<16xi32>, vector<16xi32>], vector<16xf32>,
        %gather3A_225 = tpu.vector_load_idx %arg13[%add3A_221, %broadcast_in_dim3A_205] : memref<2400x8xf32, #tpu.memory_space<vmem>>[vector<16xi32>, vector<16xi32>], vector<16xf32>,
        %add3A_226 = arith.constant 800 : i32
        %add3A_227 = vector.broadcast %add3A_226 : i32 to vector<16xi32>
        %add3A_228 = arith.addi %add3A_221, %add3A_227 : vector<16xi32>
        %gather3A_229 = tpu.vector_load_idx %arg13[%add3A_228, %broadcast_in_dim3A_201] : memref<2400x8xf32, #tpu.memory_space<vmem>>[vector<16xi32>, vector<16xi32>], vector<16xf32>,
        %add3A_230 = arith.constant 800 : i32
        %add3A_231 = vector.broadcast %add3A_230 : i32 to vector<16xi32>
        %add3A_232 = arith.addi %add3A_221, %add3A_231 : vector<16xi32>
        %gather3A_233 = tpu.vector_load_idx %arg13[%add3A_232, %broadcast_in_dim3A_203] : memref<2400x8xf32, #tpu.memory_space<vmem>>[vector<16xi32>, vector<16xi32>], vector<16xf32>,
        %add3A_234 = arith.constant 800 : i32
        %add3A_235 = vector.broadcast %add3A_234 : i32 to vector<16xi32>
        %add3A_236 = arith.addi %add3A_221, %add3A_235 : vector<16xi32>
        %gather3A_237 = tpu.vector_load_idx %arg13[%add3A_236, %broadcast_in_dim3A_205] : memref<2400x8xf32, #tpu.memory_space<vmem>>[vector<16xi32>, vector<16xi32>], vector<16xf32>,
        %add3A_238 = arith.constant 1600 : i32
        %add3A_239 = vector.broadcast %add3A_238 : i32 to vector<16xi32>
        %add3A_240 = arith.addi %add3A_221, %add3A_239 : vector<16xi32>
        %gather3A_241 = tpu.vector_load_idx %arg13[%add3A_240, %broadcast_in_dim3A_201] : memref<2400x8xf32, #tpu.memory_space<vmem>>[vector<16xi32>, vector<16xi32>], vector<16xf32>,
        %add3A_242 = arith.constant 1600 : i32
        %add3A_243 = vector.broadcast %add3A_242 : i32 to vector<16xi32>
        %add3A_244 = arith.addi %add3A_221, %add3A_243 : vector<16xi32>
        %gather3A_245 = tpu.vector_load_idx %arg13[%add3A_244, %broadcast_in_dim3A_203] : memref<2400x8xf32, #tpu.memory_space<vmem>>[vector<16xi32>, vector<16xi32>], vector<16xf32>,
        %add3A_246 = arith.constant 1600 : i32
        %add3A_247 = vector.broadcast %add3A_246 : i32 to vector<16xi32>
        %add3A_248 = arith.addi %add3A_221, %add3A_247 : vector<16xi32>
        %gather3A_249 = tpu.vector_load_idx %arg13[%add3A_248, %broadcast_in_dim3A_205] : memref<2400x8xf32, #tpu.memory_space<vmem>>[vector<16xi32>, vector<16xi32>], vector<16xf32>,
        %sub3A = arith.subf %gather3A, %gather3A_229 : vector<16xf32>
        %sub3A_250 = arith.subf %gather3A_224, %gather3A_233 : vector<16xf32>
        %sub3A_251 = arith.subf %gather3A_225, %gather3A_237 : vector<16xf32>
        %sub3A_252 = arith.subf %gather3A_241, %gather3A_229 : vector<16xf32>
        %sub3A_253 = arith.subf %gather3A_245, %gather3A_233 : vector<16xf32>
        %sub3A_254 = arith.subf %gather3A_249, %gather3A_237 : vector<16xf32>
        %mul3A_255 = arith.mulf %sub3A, %sub3A_252 : vector<16xf32>
        %mul3A_256 = arith.mulf %sub3A_250, %sub3A_253 : vector<16xf32>
        %add3A_257 = arith.addf %mul3A_255, %mul3A_256 : vector<16xf32>
        %mul3A_258 = arith.mulf %sub3A_251, %sub3A_254 : vector<16xf32>
        %add3A_259 = arith.addf %add3A_257, %mul3A_258 : vector<16xf32>
        %mul3A_260 = arith.mulf %sub3A, %sub3A : vector<16xf32>
        %mul3A_261 = arith.mulf %sub3A_250, %sub3A_250 : vector<16xf32>
        %add3A_262 = arith.addf %mul3A_260, %mul3A_261 : vector<16xf32>
        %mul3A_263 = arith.mulf %sub3A_251, %sub3A_251 : vector<16xf32>
        %add3A_264 = arith.addf %add3A_262, %mul3A_263 : vector<16xf32>
        %mul3A_265 = arith.mulf %sub3A_252, %sub3A_252 : vector<16xf32>
        %mul3A_266 = arith.mulf %sub3A_253, %sub3A_253 : vector<16xf32>
        %add3A_267 = arith.addf %mul3A_265, %mul3A_266 : vector<16xf32>
        %mul3A_268 = arith.mulf %sub3A_254, %sub3A_254 : vector<16xf32>
        %add3A_269 = arith.addf %add3A_267, %mul3A_268 : vector<16xf32>
        %mul3A_270 = arith.mulf %add3A_264, %add3A_269 : vector<16xf32>
        %max3A = arith.constant 1.000000e-30 : f32
        %max3A_271 = vector.broadcast %max3A : f32 to vector<16xf32>
        %max3A_272 = arith.maximumf %mul3A_270, %max3A_271 : vector<16xf32>
        %bitcast3A = vector.bitcast %max3A_272 : vector<16xf32> to vector<16xi32>
        %shift_right_arithmetic3A = arith.constant 1 : i32
        %shift_right_arithmetic3A_273 = vector.broadcast %shift_right_arithmetic3A : i32 to vector<16xi32>
        %shift_right_arithmetic3A_274 = arith.shrsi %bitcast3A, %shift_right_arithmetic3A_273 : vector<16xi32>
        %sub3A_275 = arith.constant 1597463007 : i32
        %sub3A_276 = vector.broadcast %sub3A_275 : i32 to vector<16xi32>
        %sub3A_277 = arith.subi %sub3A_276, %shift_right_arithmetic3A_274 : vector<16xi32>
        %bitcast3A_278 = vector.bitcast %sub3A_277 : vector<16xi32> to vector<16xf32>
        %mul3A_279 = arith.constant 5.000000e-01 : f32
        %mul3A_280 = vector.broadcast %mul3A_279 : f32 to vector<16xf32>
        %mul3A_281 = arith.mulf %mul3A_280, %max3A_272 : vector<16xf32>
        %mul3A_282 = arith.mulf %mul3A_281, %bitcast3A_278 : vector<16xf32>
        %mul3A_283 = arith.mulf %mul3A_282, %bitcast3A_278 : vector<16xf32>
        %sub3A_284 = arith.constant 1.500000e+00 : f32
        %sub3A_285 = vector.broadcast %sub3A_284 : f32 to vector<16xf32>
        %sub3A_286 = arith.subf %sub3A_285, %mul3A_283 : vector<16xf32>
        %mul3A_287 = arith.mulf %bitcast3A_278, %sub3A_286 : vector<16xf32>
        %mul3A_288 = arith.constant 5.000000e-01 : f32
        %mul3A_289 = vector.broadcast %mul3A_288 : f32 to vector<16xf32>
        %mul3A_290 = arith.mulf %mul3A_289, %max3A_272 : vector<16xf32>
        %mul3A_291 = arith.mulf %mul3A_290, %mul3A_287 : vector<16xf32>
        %mul3A_292 = arith.mulf %mul3A_291, %mul3A_287 : vector<16xf32>
        %sub3A_293 = arith.constant 1.500000e+00 : f32
        %sub3A_294 = vector.broadcast %sub3A_293 : f32 to vector<16xf32>
        %sub3A_295 = arith.subf %sub3A_294, %mul3A_292 : vector<16xf32>
        %mul3A_296 = arith.mulf %mul3A_287, %sub3A_295 : vector<16xf32>
        %mul3A_297 = arith.mulf %add3A_259, %mul3A_296 : vector<16xf32>
        %jit3A = arith.constant -1.000000e+00 : f32
        %jit3A_298 = arith.constant 1.000000e+00 : f32
        %max3A_299 = vector.broadcast %jit3A : f32 to vector<16xf32>
        %max3A_300 = arith.maximumf %max3A_299, %mul3A_297 : vector<16xf32>
        %min3A = vector.broadcast %jit3A_298 : f32 to vector<16xf32>
        %min3A_301 = arith.minimumf %min3A, %max3A_300 : vector<16xf32>
        %abs3A = math.absf %min3A_301 : vector<16xf32>
        %sub3A_302 = arith.constant 1.000000e+00 : f32
        %sub3A_303 = vector.broadcast %sub3A_302 : f32 to vector<16xf32>
        %sub3A_304 = arith.subf %sub3A_303, %abs3A : vector<16xf32>
        %max3A_305 = arith.constant 1.000000e-30 : f32
        %max3A_306 = vector.broadcast %max3A_305 : f32 to vector<16xf32>
        %max3A_307 = arith.maximumf %sub3A_304, %max3A_306 : vector<16xf32>
        %bitcast3A_308 = vector.bitcast %max3A_307 : vector<16xf32> to vector<16xi32>
        %shift_right_arithmetic3A_309 = arith.constant 1 : i32
        %shift_right_arithmetic3A_310 = vector.broadcast %shift_right_arithmetic3A_309 : i32 to vector<16xi32>
        %shift_right_arithmetic3A_311 = arith.shrsi %bitcast3A_308, %shift_right_arithmetic3A_310 : vector<16xi32>
        %sub3A_312 = arith.constant 1597463007 : i32
        %sub3A_313 = vector.broadcast %sub3A_312 : i32 to vector<16xi32>
        %sub3A_314 = arith.subi %sub3A_313, %shift_right_arithmetic3A_311 : vector<16xi32>
        %bitcast3A_315 = vector.bitcast %sub3A_314 : vector<16xi32> to vector<16xf32>
        %mul3A_316 = arith.constant 5.000000e-01 : f32
        %mul3A_317 = vector.broadcast %mul3A_316 : f32 to vector<16xf32>
        %mul3A_318 = arith.mulf %mul3A_317, %max3A_307 : vector<16xf32>
        %mul3A_319 = arith.mulf %mul3A_318, %bitcast3A_315 : vector<16xf32>
        %mul3A_320 = arith.mulf %mul3A_319, %bitcast3A_315 : vector<16xf32>
        %sub3A_321 = arith.constant 1.500000e+00 : f32
        %sub3A_322 = vector.broadcast %sub3A_321 : f32 to vector<16xf32>
        %sub3A_323 = arith.subf %sub3A_322, %mul3A_320 : vector<16xf32>
        %mul3A_324 = arith.mulf %bitcast3A_315, %sub3A_323 : vector<16xf32>
        %mul3A_325 = arith.constant 5.000000e-01 : f32
        %mul3A_326 = vector.broadcast %mul3A_325 : f32 to vector<16xf32>
        %mul3A_327 = arith.mulf %mul3A_326, %max3A_307 : vector<16xf32>
        %mul3A_328 = arith.mulf %mul3A_327, %mul3A_324 : vector<16xf32>
        %mul3A_329 = arith.mulf %mul3A_328, %mul3A_324 : vector<16xf32>
        %sub3A_330 = arith.constant 1.500000e+00 : f32
        %sub3A_331 = vector.broadcast %sub3A_330 : f32 to vector<16xf32>
        %sub3A_332 = arith.subf %sub3A_331, %mul3A_329 : vector<16xf32>
        %mul3A_333 = arith.mulf %mul3A_324, %sub3A_332 : vector<16xf32>
        %mul3A_334 = arith.mulf %sub3A_304, %mul3A_333 : vector<16xf32>
        %broadcast_in_dim3A_335 = arith.constant -1.872930e-02 : f32
        %broadcast_in_dim3A_336 = vector.broadcast %broadcast_in_dim3A_335 : f32 to vector<16xf32>
        %mul3A_337 = arith.mulf %broadcast_in_dim3A_336, %abs3A : vector<16xf32>
        %add3A_338 = arith.constant 7.426100e-02 : f32
        %add3A_339 = vector.broadcast %add3A_338 : f32 to vector<16xf32>
        %add3A_340 = arith.addf %mul3A_337, %add3A_339 : vector<16xf32>
        %mul3A_341 = arith.mulf %add3A_340, %abs3A : vector<16xf32>
        %add3A_342 = arith.constant -0.212114394 : f32
        %add3A_343 = vector.broadcast %add3A_342 : f32 to vector<16xf32>
        %add3A_344 = arith.addf %mul3A_341, %add3A_343 : vector<16xf32>
        %mul3A_345 = arith.mulf %add3A_344, %abs3A : vector<16xf32>
        %add3A_346 = arith.constant 1.57072878 : f32
        %add3A_347 = vector.broadcast %add3A_346 : f32 to vector<16xf32>
        %add3A_348 = arith.addf %mul3A_345, %add3A_347 : vector<16xf32>
        %mul3A_349 = arith.mulf %mul3A_334, %add3A_348 : vector<16xf32>
        %lt3A_350 = arith.constant 0.000000e+00 : f32
        %lt3A_351 = vector.broadcast %lt3A_350 : f32 to vector<16xf32>
        %lt3A_352 = arith.cmpf olt, %min3A_301, %lt3A_351 : vector<16xf32>
        %sub3A_353 = arith.constant 3.14159274 : f32
        %sub3A_354 = vector.broadcast %sub3A_353 : f32 to vector<16xf32>
        %sub3A_355 = arith.subf %sub3A_354, %mul3A_349 : vector<16xf32>
        %select_n3A = arith.select %lt3A_352, %sub3A_355, %mul3A_349 : vector<16xi1>, vector<16xf32>
        %get3A = arith.index_cast %mul3A_223 : i32 to index
        %get3A_356 = tpu.vector_load %arg16[%get3A] {strides = array<i32>} : memref<800xf32, #tpu.memory_space<vmem>>, vector<16xf32>,
        %sub3A_357 = arith.subf %select_n3A, %get3A_356 : vector<16xf32>
        %mul3A_358 = arith.mulf %sub3A_357, %sub3A_357 : vector<16xf32>
        %get3A_359 = arith.index_cast %mul3A_223 : i32 to index
        %get3A_360 = tpu.vector_load %arg17[%get3A_359] {strides = array<i32>} : memref<800xf32, #tpu.memory_space<vmem>>, vector<16xf32>,
        %mul3A_361 = arith.mulf %mul3A_358, %get3A_360 : vector<16xf32>
        %mul3A_362 = arith.constant 5.000000e-01 : f32
        %mul3A_363 = vector.broadcast %mul3A_362 : f32 to vector<16xf32>
        %mul3A_364 = arith.mulf %mul3A_361, %mul3A_363 : vector<16xf32>
        %add3A_365 = arith.addf %scan3A_213, %mul3A_364 : vector<16xf32>
        %mul3A_366 = arith.constant 2 : i32
        %mul3A_367 = arith.muli %scan3A_212, %mul3A_366 : i32
        %add3A_368 = arith.constant 1 : i32
        %add3A_369 = arith.addi %mul3A_367, %add3A_368 : i32
        %mul3A_370 = arith.constant 16 : i32
        %mul3A_371 = arith.muli %add3A_369, %mul3A_370 : i32
        %add3A_372 = vector.broadcast %mul3A_371 : i32 to vector<16xi32>
        %add3A_373 = arith.addi %add3A_372, %iota3A : vector<16xi32>
        %mul3A_374 = arith.constant 16 : i32
        %mul3A_375 = arith.muli %add3A_369, %mul3A_374 : i32
        %gather3A_376 = tpu.vector_load_idx %arg13[%add3A_373, %broadcast_in_dim3A_201] : memref<2400x8xf32, #tpu.memory_space<vmem>>[vector<16xi32>, vector<16xi32>], vector<16xf32>,
        %gather3A_377 = tpu.vector_load_idx %arg13[%add3A_373, %broadcast_in_dim3A_203] : memref<2400x8xf32, #tpu.memory_space<vmem>>[vector<16xi32>, vector<16xi32>], vector<16xf32>,
        %gather3A_378 = tpu.vector_load_idx %arg13[%add3A_373, %broadcast_in_dim3A_205] : memref<2400x8xf32, #tpu.memory_space<vmem>>[vector<16xi32>, vector<16xi32>], vector<16xf32>,
        %add3A_379 = arith.constant 800 : i32
        %add3A_380 = vector.broadcast %add3A_379 : i32 to vector<16xi32>
        %add3A_381 = arith.addi %add3A_373, %add3A_380 : vector<16xi32>
        %gather3A_382 = tpu.vector_load_idx %arg13[%add3A_381, %broadcast_in_dim3A_201] : memref<2400x8xf32, #tpu.memory_space<vmem>>[vector<16xi32>, vector<16xi32>], vector<16xf32>,
        %add3A_383 = arith.constant 800 : i32
        %add3A_384 = vector.broadcast %add3A_383 : i32 to vector<16xi32>
        %add3A_385 = arith.addi %add3A_373, %add3A_384 : vector<16xi32>
        %gather3A_386 = tpu.vector_load_idx %arg13[%add3A_385, %broadcast_in_dim3A_203] : memref<2400x8xf32, #tpu.memory_space<vmem>>[vector<16xi32>, vector<16xi32>], vector<16xf32>,
        %add3A_387 = arith.constant 800 : i32
        %add3A_388 = vector.broadcast %add3A_387 : i32 to vector<16xi32>
        %add3A_389 = arith.addi %add3A_373, %add3A_388 : vector<16xi32>
        %gather3A_390 = tpu.vector_load_idx %arg13[%add3A_389, %broadcast_in_dim3A_205] : memref<2400x8xf32, #tpu.memory_space<vmem>>[vector<16xi32>, vector<16xi32>], vector<16xf32>,
        %add3A_391 = arith.constant 1600 : i32
        %add3A_392 = vector.broadcast %add3A_391 : i32 to vector<16xi32>
        %add3A_393 = arith.addi %add3A_373, %add3A_392 : vector<16xi32>
        %gather3A_394 = tpu.vector_load_idx %arg13[%add3A_393, %broadcast_in_dim3A_201] : memref<2400x8xf32, #tpu.memory_space<vmem>>[vector<16xi32>, vector<16xi32>], vector<16xf32>,
        %add3A_395 = arith.constant 1600 : i32
        %add3A_396 = vector.broadcast %add3A_395 : i32 to vector<16xi32>
        %add3A_397 = arith.addi %add3A_373, %add3A_396 : vector<16xi32>
        %gather3A_398 = tpu.vector_load_idx %arg13[%add3A_397, %broadcast_in_dim3A_203] : memref<2400x8xf32, #tpu.memory_space<vmem>>[vector<16xi32>, vector<16xi32>], vector<16xf32>,
        %add3A_399 = arith.constant 1600 : i32
        %add3A_400 = vector.broadcast %add3A_399 : i32 to vector<16xi32>
        %add3A_401 = arith.addi %add3A_373, %add3A_400 : vector<16xi32>
        %gather3A_402 = tpu.vector_load_idx %arg13[%add3A_401, %broadcast_in_dim3A_205] : memref<2400x8xf32, #tpu.memory_space<vmem>>[vector<16xi32>, vector<16xi32>], vector<16xf32>,
        %sub3A_403 = arith.subf %gather3A_376, %gather3A_382 : vector<16xf32>
        %sub3A_404 = arith.subf %gather3A_377, %gather3A_386 : vector<16xf32>
        %sub3A_405 = arith.subf %gather3A_378, %gather3A_390 : vector<16xf32>
        %sub3A_406 = arith.subf %gather3A_394, %gather3A_382 : vector<16xf32>
        %sub3A_407 = arith.subf %gather3A_398, %gather3A_386 : vector<16xf32>
        %sub3A_408 = arith.subf %gather3A_402, %gather3A_390 : vector<16xf32>
        %mul3A_409 = arith.mulf %sub3A_403, %sub3A_406 : vector<16xf32>
        %mul3A_410 = arith.mulf %sub3A_404, %sub3A_407 : vector<16xf32>
        %add3A_411 = arith.addf %mul3A_409, %mul3A_410 : vector<16xf32>
        %mul3A_412 = arith.mulf %sub3A_405, %sub3A_408 : vector<16xf32>
        %add3A_413 = arith.addf %add3A_411, %mul3A_412 : vector<16xf32>
        %mul3A_414 = arith.mulf %sub3A_403, %sub3A_403 : vector<16xf32>
        %mul3A_415 = arith.mulf %sub3A_404, %sub3A_404 : vector<16xf32>
        %add3A_416 = arith.addf %mul3A_414, %mul3A_415 : vector<16xf32>
        %mul3A_417 = arith.mulf %sub3A_405, %sub3A_405 : vector<16xf32>
        %add3A_418 = arith.addf %add3A_416, %mul3A_417 : vector<16xf32>
        %mul3A_419 = arith.mulf %sub3A_406, %sub3A_406 : vector<16xf32>
        %mul3A_420 = arith.mulf %sub3A_407, %sub3A_407 : vector<16xf32>
        %add3A_421 = arith.addf %mul3A_419, %mul3A_420 : vector<16xf32>
        %mul3A_422 = arith.mulf %sub3A_408, %sub3A_408 : vector<16xf32>
        %add3A_423 = arith.addf %add3A_421, %mul3A_422 : vector<16xf32>
        %mul3A_424 = arith.mulf %add3A_418, %add3A_423 : vector<16xf32>
        %max3A_425 = arith.constant 1.000000e-30 : f32
        %max3A_426 = vector.broadcast %max3A_425 : f32 to vector<16xf32>
        %max3A_427 = arith.maximumf %mul3A_424, %max3A_426 : vector<16xf32>
        %bitcast3A_428 = vector.bitcast %max3A_427 : vector<16xf32> to vector<16xi32>
        %shift_right_arithmetic3A_429 = arith.constant 1 : i32
        %shift_right_arithmetic3A_430 = vector.broadcast %shift_right_arithmetic3A_429 : i32 to vector<16xi32>
        %shift_right_arithmetic3A_431 = arith.shrsi %bitcast3A_428, %shift_right_arithmetic3A_430 : vector<16xi32>
        %sub3A_432 = arith.constant 1597463007 : i32
        %sub3A_433 = vector.broadcast %sub3A_432 : i32 to vector<16xi32>
        %sub3A_434 = arith.subi %sub3A_433, %shift_right_arithmetic3A_431 : vector<16xi32>
        %bitcast3A_435 = vector.bitcast %sub3A_434 : vector<16xi32> to vector<16xf32>
        %mul3A_436 = arith.constant 5.000000e-01 : f32
        %mul3A_437 = vector.broadcast %mul3A_436 : f32 to vector<16xf32>
        %mul3A_438 = arith.mulf %mul3A_437, %max3A_427 : vector<16xf32>
        %mul3A_439 = arith.mulf %mul3A_438, %bitcast3A_435 : vector<16xf32>
        %mul3A_440 = arith.mulf %mul3A_439, %bitcast3A_435 : vector<16xf32>
        %sub3A_441 = arith.constant 1.500000e+00 : f32
        %sub3A_442 = vector.broadcast %sub3A_441 : f32 to vector<16xf32>
        %sub3A_443 = arith.subf %sub3A_442, %mul3A_440 : vector<16xf32>
        %mul3A_444 = arith.mulf %bitcast3A_435, %sub3A_443 : vector<16xf32>
        %mul3A_445 = arith.constant 5.000000e-01 : f32
        %mul3A_446 = vector.broadcast %mul3A_445 : f32 to vector<16xf32>
        %mul3A_447 = arith.mulf %mul3A_446, %max3A_427 : vector<16xf32>
        %mul3A_448 = arith.mulf %mul3A_447, %mul3A_444 : vector<16xf32>
        %mul3A_449 = arith.mulf %mul3A_448, %mul3A_444 : vector<16xf32>
        %sub3A_450 = arith.constant 1.500000e+00 : f32
        %sub3A_451 = vector.broadcast %sub3A_450 : f32 to vector<16xf32>
        %sub3A_452 = arith.subf %sub3A_451, %mul3A_449 : vector<16xf32>
        %mul3A_453 = arith.mulf %mul3A_444, %sub3A_452 : vector<16xf32>
        %mul3A_454 = arith.mulf %add3A_413, %mul3A_453 : vector<16xf32>
        %jit3A_455 = arith.constant -1.000000e+00 : f32
        %jit3A_456 = arith.constant 1.000000e+00 : f32
        %max3A_457 = vector.broadcast %jit3A_455 : f32 to vector<16xf32>
        %max3A_458 = arith.maximumf %max3A_457, %mul3A_454 : vector<16xf32>
        %min3A_459 = vector.broadcast %jit3A_456 : f32 to vector<16xf32>
        %min3A_460 = arith.minimumf %min3A_459, %max3A_458 : vector<16xf32>
        %abs3A_461 = math.absf %min3A_460 : vector<16xf32>
        %sub3A_462 = arith.constant 1.000000e+00 : f32
        %sub3A_463 = vector.broadcast %sub3A_462 : f32 to vector<16xf32>
        %sub3A_464 = arith.subf %sub3A_463, %abs3A_461 : vector<16xf32>
        %max3A_465 = arith.constant 1.000000e-30 : f32
        %max3A_466 = vector.broadcast %max3A_465 : f32 to vector<16xf32>
        %max3A_467 = arith.maximumf %sub3A_464, %max3A_466 : vector<16xf32>
        %bitcast3A_468 = vector.bitcast %max3A_467 : vector<16xf32> to vector<16xi32>
        %shift_right_arithmetic3A_469 = arith.constant 1 : i32
        %shift_right_arithmetic3A_470 = vector.broadcast %shift_right_arithmetic3A_469 : i32 to vector<16xi32>
        %shift_right_arithmetic3A_471 = arith.shrsi %bitcast3A_468, %shift_right_arithmetic3A_470 : vector<16xi32>
        %sub3A_472 = arith.constant 1597463007 : i32
        %sub3A_473 = vector.broadcast %sub3A_472 : i32 to vector<16xi32>
        %sub3A_474 = arith.subi %sub3A_473, %shift_right_arithmetic3A_471 : vector<16xi32>
        %bitcast3A_475 = vector.bitcast %sub3A_474 : vector<16xi32> to vector<16xf32>
        %mul3A_476 = arith.constant 5.000000e-01 : f32
        %mul3A_477 = vector.broadcast %mul3A_476 : f32 to vector<16xf32>
        %mul3A_478 = arith.mulf %mul3A_477, %max3A_467 : vector<16xf32>
        %mul3A_479 = arith.mulf %mul3A_478, %bitcast3A_475 : vector<16xf32>
        %mul3A_480 = arith.mulf %mul3A_479, %bitcast3A_475 : vector<16xf32>
        %sub3A_481 = arith.constant 1.500000e+00 : f32
        %sub3A_482 = vector.broadcast %sub3A_481 : f32 to vector<16xf32>
        %sub3A_483 = arith.subf %sub3A_482, %mul3A_480 : vector<16xf32>
        %mul3A_484 = arith.mulf %bitcast3A_475, %sub3A_483 : vector<16xf32>
        %mul3A_485 = arith.constant 5.000000e-01 : f32
        %mul3A_486 = vector.broadcast %mul3A_485 : f32 to vector<16xf32>
        %mul3A_487 = arith.mulf %mul3A_486, %max3A_467 : vector<16xf32>
        %mul3A_488 = arith.mulf %mul3A_487, %mul3A_484 : vector<16xf32>
        %mul3A_489 = arith.mulf %mul3A_488, %mul3A_484 : vector<16xf32>
        %sub3A_490 = arith.constant 1.500000e+00 : f32
        %sub3A_491 = vector.broadcast %sub3A_490 : f32 to vector<16xf32>
        %sub3A_492 = arith.subf %sub3A_491, %mul3A_489 : vector<16xf32>
        %mul3A_493 = arith.mulf %mul3A_484, %sub3A_492 : vector<16xf32>
        %mul3A_494 = arith.mulf %sub3A_464, %mul3A_493 : vector<16xf32>
        %broadcast_in_dim3A_495 = arith.constant -1.872930e-02 : f32
        %broadcast_in_dim3A_496 = vector.broadcast %broadcast_in_dim3A_495 : f32 to vector<16xf32>
        %mul3A_497 = arith.mulf %broadcast_in_dim3A_496, %abs3A_461 : vector<16xf32>
        %add3A_498 = arith.constant 7.426100e-02 : f32
        %add3A_499 = vector.broadcast %add3A_498 : f32 to vector<16xf32>
        %add3A_500 = arith.addf %mul3A_497, %add3A_499 : vector<16xf32>
        %mul3A_501 = arith.mulf %add3A_500, %abs3A_461 : vector<16xf32>
        %add3A_502 = arith.constant -0.212114394 : f32
        %add3A_503 = vector.broadcast %add3A_502 : f32 to vector<16xf32>
        %add3A_504 = arith.addf %mul3A_501, %add3A_503 : vector<16xf32>
        %mul3A_505 = arith.mulf %add3A_504, %abs3A_461 : vector<16xf32>
        %add3A_506 = arith.constant 1.57072878 : f32
        %add3A_507 = vector.broadcast %add3A_506 : f32 to vector<16xf32>
        %add3A_508 = arith.addf %mul3A_505, %add3A_507 : vector<16xf32>
        %mul3A_509 = arith.mulf %mul3A_494, %add3A_508 : vector<16xf32>
        %lt3A_510 = arith.constant 0.000000e+00 : f32
        %lt3A_511 = vector.broadcast %lt3A_510 : f32 to vector<16xf32>
        %lt3A_512 = arith.cmpf olt, %min3A_460, %lt3A_511 : vector<16xf32>
        %sub3A_513 = arith.constant 3.14159274 : f32
        %sub3A_514 = vector.broadcast %sub3A_513 : f32 to vector<16xf32>
        %sub3A_515 = arith.subf %sub3A_514, %mul3A_509 : vector<16xf32>
        %select_n3A_516 = arith.select %lt3A_512, %sub3A_515, %mul3A_509 : vector<16xi1>, vector<16xf32>
        %get3A_517 = arith.index_cast %mul3A_375 : i32 to index
        %get3A_518 = tpu.vector_load %arg16[%get3A_517] {strides = array<i32>} : memref<800xf32, #tpu.memory_space<vmem>>, vector<16xf32>,
        %sub3A_519 = arith.subf %select_n3A_516, %get3A_518 : vector<16xf32>
        %mul3A_520 = arith.mulf %sub3A_519, %sub3A_519 : vector<16xf32>
        %get3A_521 = arith.index_cast %mul3A_375 : i32 to index
        %get3A_522 = tpu.vector_load %arg17[%get3A_521] {strides = array<i32>} : memref<800xf32, #tpu.memory_space<vmem>>, vector<16xf32>,
        %mul3A_523 = arith.mulf %mul3A_520, %get3A_522 : vector<16xf32>
        %mul3A_524 = arith.constant 5.000000e-01 : f32
        %mul3A_525 = vector.broadcast %mul3A_524 : f32 to vector<16xf32>
        %mul3A_526 = arith.mulf %mul3A_523, %mul3A_525 : vector<16xf32>
        %add3A_527 = arith.addf %add3A_365, %mul3A_526 : vector<16xf32>
        scf.yield %add3A_527 : vector<16xf32>
      }
      %scan3A_211 = arith.constant 25 : i32
      scf.yield %scan3A_210 : vector<16xf32>
    }
    %scan3A_81 = arith.constant 62 : i32
    %dma_wait3A_82 = arith.constant 0 : i32
    %dma_wait3A_83 = arith.constant 0 : i32
    %dma_wait3A_84 = tpu.memref_slice %arg9[%dma_wait3A_82, %dma_wait3A_83] : memref<100000x8xf32, #tpu.memory_space<vmem_shared>> -> memref<100000x8xf32, #tpu.memory_space<vmem_shared>>
    tpu.wait_indirect_dma semaphore(%arg21 : memref<!tpu.dma_semaphore, #tpu.memory_space<semaphore_mem>>) src(%dma_wait3A_84 : memref<100000x8xf32, #tpu.memory_space<vmem_shared>>) dst(%arg12 : memref<2400x8xf32, #tpu.memory_space<vmem>>)
    %dma_wait3A_85 = arith.constant 0 : i32
    %dma_wait3A_86 = tpu.memref_slice %arg6[%dma_wait3A_85] : memref<3200000xf32, #tpu.memory_space<hbm>> -> memref<800xf32, #tpu.memory_space<hbm>>
    %dma_wait3A_87 = arith.constant 0 : i32
    %dma_wait3A_88 = tpu.memref_slice %arg6[%dma_wait3A_87] : memref<3200000xf32, #tpu.memory_space<hbm>> -> memref<800xf32, #tpu.memory_space<hbm>>
    tpu.wait_dma2 semaphore(%arg23 : memref<!tpu.dma_semaphore, #tpu.memory_space<semaphore_mem>>) src(%dma_wait3A_88 : memref<800xf32, #tpu.memory_space<hbm>>) dst(%arg14 : memref<800xf32, #tpu.memory_space<vmem>>)
    %dma_wait3A_89 = arith.constant 0 : i32
    %dma_wait3A_90 = tpu.memref_slice %arg6[%dma_wait3A_89] : memref<3200000xf32, #tpu.memory_space<hbm>> -> memref<800xf32, #tpu.memory_space<hbm>>
    %dma_wait3A_91 = arith.constant 0 : i32
    %dma_wait3A_92 = tpu.memref_slice %arg6[%dma_wait3A_91] : memref<3200000xf32, #tpu.memory_space<hbm>> -> memref<800xf32, #tpu.memory_space<hbm>>
    tpu.wait_dma2 semaphore(%arg23 : memref<!tpu.dma_semaphore, #tpu.memory_space<semaphore_mem>>) src(%dma_wait3A_92 : memref<800xf32, #tpu.memory_space<hbm>>) dst(%arg15 : memref<800xf32, #tpu.memory_space<vmem>>)
    %broadcast_in_dim3A_93 = arith.constant 0 : i32
    %broadcast_in_dim3A_94 = vector.broadcast %broadcast_in_dim3A_93 : i32 to vector<16xi32>
    %broadcast_in_dim3A_95 = arith.constant 1 : i32
    %broadcast_in_dim3A_96 = vector.broadcast %broadcast_in_dim3A_95 : i32 to vector<16xi32>
    %broadcast_in_dim3A_97 = arith.constant 2 : i32
    %broadcast_in_dim3A_98 = vector.broadcast %broadcast_in_dim3A_97 : i32 to vector<16xi32>
    %scan3A_99 = arith.constant 0 : i32
    %scan3A_100 = arith.constant 25 : i32
    %scan3A_101 = arith.addi %scan3A_99, %scan3A_100 : i32
    %scan3A_102 = arith.constant 1 : i32
    %scan3A_103 = scf.for %scan3A_106 = %scan3A_99 to %scan3A_101 step %scan3A_102 iter_args(%scan3A_107 = %scan3A_80) -> (vector<16xf32>)  : i32 {
      %mul3A_108 = arith.constant 2 : i32
      %mul3A_109 = arith.muli %scan3A_106, %mul3A_108 : i32
      %add3A_110 = arith.constant 0 : i32
      %add3A_111 = arith.addi %mul3A_109, %add3A_110 : i32
      %mul3A_112 = arith.constant 16 : i32
      %mul3A_113 = arith.muli %add3A_111, %mul3A_112 : i32
      %add3A_114 = vector.broadcast %mul3A_113 : i32 to vector<16xi32>
      %add3A_115 = arith.addi %add3A_114, %iota3A : vector<16xi32>
      %mul3A_116 = arith.constant 16 : i32
      %mul3A_117 = arith.muli %add3A_111, %mul3A_116 : i32
      %gather3A = tpu.vector_load_idx %arg12[%add3A_115, %broadcast_in_dim3A_94] : memref<2400x8xf32, #tpu.memory_space<vmem>>[vector<16xi32>, vector<16xi32>], vector<16xf32>,
      %gather3A_118 = tpu.vector_load_idx %arg12[%add3A_115, %broadcast_in_dim3A_96] : memref<2400x8xf32, #tpu.memory_space<vmem>>[vector<16xi32>, vector<16xi32>], vector<16xf32>,
      %gather3A_119 = tpu.vector_load_idx %arg12[%add3A_115, %broadcast_in_dim3A_98] : memref<2400x8xf32, #tpu.memory_space<vmem>>[vector<16xi32>, vector<16xi32>], vector<16xf32>,
      %add3A_120 = arith.constant 800 : i32
      %add3A_121 = vector.broadcast %add3A_120 : i32 to vector<16xi32>
      %add3A_122 = arith.addi %add3A_115, %add3A_121 : vector<16xi32>
      %gather3A_123 = tpu.vector_load_idx %arg12[%add3A_122, %broadcast_in_dim3A_94] : memref<2400x8xf32, #tpu.memory_space<vmem>>[vector<16xi32>, vector<16xi32>], vector<16xf32>,
      %add3A_124 = arith.constant 800 : i32
      %add3A_125 = vector.broadcast %add3A_124 : i32 to vector<16xi32>
      %add3A_126 = arith.addi %add3A_115, %add3A_125 : vector<16xi32>
      %gather3A_127 = tpu.vector_load_idx %arg12[%add3A_126, %broadcast_in_dim3A_96] : memref<2400x8xf32, #tpu.memory_space<vmem>>[vector<16xi32>, vector<16xi32>], vector<16xf32>,
      %add3A_128 = arith.constant 800 : i32
      %add3A_129 = vector.broadcast %add3A_128 : i32 to vector<16xi32>
      %add3A_130 = arith.addi %add3A_115, %add3A_129 : vector<16xi32>
      %gather3A_131 = tpu.vector_load_idx %arg12[%add3A_130, %broadcast_in_dim3A_98] : memref<2400x8xf32, #tpu.memory_space<vmem>>[vector<16xi32>, vector<16xi32>], vector<16xf32>,
      %add3A_132 = arith.constant 1600 : i32
      %add3A_133 = vector.broadcast %add3A_132 : i32 to vector<16xi32>
      %add3A_134 = arith.addi %add3A_115, %add3A_133 : vector<16xi32>
      %gather3A_135 = tpu.vector_load_idx %arg12[%add3A_134, %broadcast_in_dim3A_94] : memref<2400x8xf32, #tpu.memory_space<vmem>>[vector<16xi32>, vector<16xi32>], vector<16xf32>,
      %add3A_136 = arith.constant 1600 : i32
      %add3A_137 = vector.broadcast %add3A_136 : i32 to vector<16xi32>
      %add3A_138 = arith.addi %add3A_115, %add3A_137 : vector<16xi32>
      %gather3A_139 = tpu.vector_load_idx %arg12[%add3A_138, %broadcast_in_dim3A_96] : memref<2400x8xf32, #tpu.memory_space<vmem>>[vector<16xi32>, vector<16xi32>], vector<16xf32>,
      %add3A_140 = arith.constant 1600 : i32
      %add3A_141 = vector.broadcast %add3A_140 : i32 to vector<16xi32>
      %add3A_142 = arith.addi %add3A_115, %add3A_141 : vector<16xi32>
      %gather3A_143 = tpu.vector_load_idx %arg12[%add3A_142, %broadcast_in_dim3A_98] : memref<2400x8xf32, #tpu.memory_space<vmem>>[vector<16xi32>, vector<16xi32>], vector<16xf32>,
      %sub3A = arith.subf %gather3A, %gather3A_123 : vector<16xf32>
      %sub3A_144 = arith.subf %gather3A_118, %gather3A_127 : vector<16xf32>
      %sub3A_145 = arith.subf %gather3A_119, %gather3A_131 : vector<16xf32>
      %sub3A_146 = arith.subf %gather3A_135, %gather3A_123 : vector<16xf32>
      %sub3A_147 = arith.subf %gather3A_139, %gather3A_127 : vector<16xf32>
      %sub3A_148 = arith.subf %gather3A_143, %gather3A_131 : vector<16xf32>
      %mul3A_149 = arith.mulf %sub3A, %sub3A_146 : vector<16xf32>
      %mul3A_150 = arith.mulf %sub3A_144, %sub3A_147 : vector<16xf32>
      %add3A_151 = arith.addf %mul3A_149, %mul3A_150 : vector<16xf32>
      %mul3A_152 = arith.mulf %sub3A_145, %sub3A_148 : vector<16xf32>
      %add3A_153 = arith.addf %add3A_151, %mul3A_152 : vector<16xf32>
      %mul3A_154 = arith.mulf %sub3A, %sub3A : vector<16xf32>
      %mul3A_155 = arith.mulf %sub3A_144, %sub3A_144 : vector<16xf32>
      %add3A_156 = arith.addf %mul3A_154, %mul3A_155 : vector<16xf32>
      %mul3A_157 = arith.mulf %sub3A_145, %sub3A_145 : vector<16xf32>
      %add3A_158 = arith.addf %add3A_156, %mul3A_157 : vector<16xf32>
      %mul3A_159 = arith.mulf %sub3A_146, %sub3A_146 : vector<16xf32>
      %mul3A_160 = arith.mulf %sub3A_147, %sub3A_147 : vector<16xf32>
      %add3A_161 = arith.addf %mul3A_159, %mul3A_160 : vector<16xf32>
      %mul3A_162 = arith.mulf %sub3A_148, %sub3A_148 : vector<16xf32>
      %add3A_163 = arith.addf %add3A_161, %mul3A_162 : vector<16xf32>
      %mul3A_164 = arith.mulf %add3A_158, %add3A_163 : vector<16xf32>
      %max3A = arith.constant 1.000000e-30 : f32
      %max3A_165 = vector.broadcast %max3A : f32 to vector<16xf32>
      %max3A_166 = arith.maximumf %mul3A_164, %max3A_165 : vector<16xf32>
      %bitcast3A = vector.bitcast %max3A_166 : vector<16xf32> to vector<16xi32>
      %shift_right_arithmetic3A = arith.constant 1 : i32
      %shift_right_arithmetic3A_167 = vector.broadcast %shift_right_arithmetic3A : i32 to vector<16xi32>
      %shift_right_arithmetic3A_168 = arith.shrsi %bitcast3A, %shift_right_arithmetic3A_167 : vector<16xi32>
      %sub3A_169 = arith.constant 1597463007 : i32
      %sub3A_170 = vector.broadcast %sub3A_169 : i32 to vector<16xi32>
      %sub3A_171 = arith.subi %sub3A_170, %shift_right_arithmetic3A_168 : vector<16xi32>
      %bitcast3A_172 = vector.bitcast %sub3A_171 : vector<16xi32> to vector<16xf32>
      %mul3A_173 = arith.constant 5.000000e-01 : f32
      %mul3A_174 = vector.broadcast %mul3A_173 : f32 to vector<16xf32>
      %mul3A_175 = arith.mulf %mul3A_174, %max3A_166 : vector<16xf32>
      %mul3A_176 = arith.mulf %mul3A_175, %bitcast3A_172 : vector<16xf32>
      %mul3A_177 = arith.mulf %mul3A_176, %bitcast3A_172 : vector<16xf32>
      %sub3A_178 = arith.constant 1.500000e+00 : f32
      %sub3A_179 = vector.broadcast %sub3A_178 : f32 to vector<16xf32>
      %sub3A_180 = arith.subf %sub3A_179, %mul3A_177 : vector<16xf32>
      %mul3A_181 = arith.mulf %bitcast3A_172, %sub3A_180 : vector<16xf32>
      %mul3A_182 = arith.constant 5.000000e-01 : f32
      %mul3A_183 = vector.broadcast %mul3A_182 : f32 to vector<16xf32>
      %mul3A_184 = arith.mulf %mul3A_183, %max3A_166 : vector<16xf32>
      %mul3A_185 = arith.mulf %mul3A_184, %mul3A_181 : vector<16xf32>
      %mul3A_186 = arith.mulf %mul3A_185, %mul3A_181 : vector<16xf32>
      %sub3A_187 = arith.constant 1.500000e+00 : f32
      %sub3A_188 = vector.broadcast %sub3A_187 : f32 to vector<16xf32>
      %sub3A_189 = arith.subf %sub3A_188, %mul3A_186 : vector<16xf32>
      %mul3A_190 = arith.mulf %mul3A_181, %sub3A_189 : vector<16xf32>
      %mul3A_191 = arith.mulf %add3A_153, %mul3A_190 : vector<16xf32>
      %jit3A = arith.constant -1.000000e+00 : f32
      %jit3A_192 = arith.constant 1.000000e+00 : f32
      %max3A_193 = vector.broadcast %jit3A : f32 to vector<16xf32>
      %max3A_194 = arith.maximumf %max3A_193, %mul3A_191 : vector<16xf32>
      %min3A = vector.broadcast %jit3A_192 : f32 to vector<16xf32>
      %min3A_195 = arith.minimumf %min3A, %max3A_194 : vector<16xf32>
      %abs3A = math.absf %min3A_195 : vector<16xf32>
      %sub3A_196 = arith.constant 1.000000e+00 : f32
      %sub3A_197 = vector.broadcast %sub3A_196 : f32 to vector<16xf32>
      %sub3A_198 = arith.subf %sub3A_197, %abs3A : vector<16xf32>
      %max3A_199 = arith.constant 1.000000e-30 : f32
      %max3A_200 = vector.broadcast %max3A_199 : f32 to vector<16xf32>
      %max3A_201 = arith.maximumf %sub3A_198, %max3A_200 : vector<16xf32>
      %bitcast3A_202 = vector.bitcast %max3A_201 : vector<16xf32> to vector<16xi32>
      %shift_right_arithmetic3A_203 = arith.constant 1 : i32
      %shift_right_arithmetic3A_204 = vector.broadcast %shift_right_arithmetic3A_203 : i32 to vector<16xi32>
      %shift_right_arithmetic3A_205 = arith.shrsi %bitcast3A_202, %shift_right_arithmetic3A_204 : vector<16xi32>
      %sub3A_206 = arith.constant 1597463007 : i32
      %sub3A_207 = vector.broadcast %sub3A_206 : i32 to vector<16xi32>
      %sub3A_208 = arith.subi %sub3A_207, %shift_right_arithmetic3A_205 : vector<16xi32>
      %bitcast3A_209 = vector.bitcast %sub3A_208 : vector<16xi32> to vector<16xf32>
      %mul3A_210 = arith.constant 5.000000e-01 : f32
      %mul3A_211 = vector.broadcast %mul3A_210 : f32 to vector<16xf32>
      %mul3A_212 = arith.mulf %mul3A_211, %max3A_201 : vector<16xf32>
      %mul3A_213 = arith.mulf %mul3A_212, %bitcast3A_209 : vector<16xf32>
      %mul3A_214 = arith.mulf %mul3A_213, %bitcast3A_209 : vector<16xf32>
      %sub3A_215 = arith.constant 1.500000e+00 : f32
      %sub3A_216 = vector.broadcast %sub3A_215 : f32 to vector<16xf32>
      %sub3A_217 = arith.subf %sub3A_216, %mul3A_214 : vector<16xf32>
      %mul3A_218 = arith.mulf %bitcast3A_209, %sub3A_217 : vector<16xf32>
      %mul3A_219 = arith.constant 5.000000e-01 : f32
      %mul3A_220 = vector.broadcast %mul3A_219 : f32 to vector<16xf32>
      %mul3A_221 = arith.mulf %mul3A_220, %max3A_201 : vector<16xf32>
      %mul3A_222 = arith.mulf %mul3A_221, %mul3A_218 : vector<16xf32>
      %mul3A_223 = arith.mulf %mul3A_222, %mul3A_218 : vector<16xf32>
      %sub3A_224 = arith.constant 1.500000e+00 : f32
      %sub3A_225 = vector.broadcast %sub3A_224 : f32 to vector<16xf32>
      %sub3A_226 = arith.subf %sub3A_225, %mul3A_223 : vector<16xf32>
      %mul3A_227 = arith.mulf %mul3A_218, %sub3A_226 : vector<16xf32>
      %mul3A_228 = arith.mulf %sub3A_198, %mul3A_227 : vector<16xf32>
      %broadcast_in_dim3A_229 = arith.constant -1.872930e-02 : f32
      %broadcast_in_dim3A_230 = vector.broadcast %broadcast_in_dim3A_229 : f32 to vector<16xf32>
      %mul3A_231 = arith.mulf %broadcast_in_dim3A_230, %abs3A : vector<16xf32>
      %add3A_232 = arith.constant 7.426100e-02 : f32
      %add3A_233 = vector.broadcast %add3A_232 : f32 to vector<16xf32>
      %add3A_234 = arith.addf %mul3A_231, %add3A_233 : vector<16xf32>
      %mul3A_235 = arith.mulf %add3A_234, %abs3A : vector<16xf32>
      %add3A_236 = arith.constant -0.212114394 : f32
      %add3A_237 = vector.broadcast %add3A_236 : f32 to vector<16xf32>
      %add3A_238 = arith.addf %mul3A_235, %add3A_237 : vector<16xf32>
      %mul3A_239 = arith.mulf %add3A_238, %abs3A : vector<16xf32>
      %add3A_240 = arith.constant 1.57072878 : f32
      %add3A_241 = vector.broadcast %add3A_240 : f32 to vector<16xf32>
      %add3A_242 = arith.addf %mul3A_239, %add3A_241 : vector<16xf32>
      %mul3A_243 = arith.mulf %mul3A_228, %add3A_242 : vector<16xf32>
      %lt3A = arith.constant 0.000000e+00 : f32
      %lt3A_244 = vector.broadcast %lt3A : f32 to vector<16xf32>
      %lt3A_245 = arith.cmpf olt, %min3A_195, %lt3A_244 : vector<16xf32>
      %sub3A_246 = arith.constant 3.14159274 : f32
      %sub3A_247 = vector.broadcast %sub3A_246 : f32 to vector<16xf32>
      %sub3A_248 = arith.subf %sub3A_247, %mul3A_243 : vector<16xf32>
      %select_n3A = arith.select %lt3A_245, %sub3A_248, %mul3A_243 : vector<16xi1>, vector<16xf32>
      %get3A = arith.index_cast %mul3A_117 : i32 to index
      %get3A_249 = tpu.vector_load %arg14[%get3A] {strides = array<i32>} : memref<800xf32, #tpu.memory_space<vmem>>, vector<16xf32>,
      %sub3A_250 = arith.subf %select_n3A, %get3A_249 : vector<16xf32>
      %mul3A_251 = arith.mulf %sub3A_250, %sub3A_250 : vector<16xf32>
      %get3A_252 = arith.index_cast %mul3A_117 : i32 to index
      %get3A_253 = tpu.vector_load %arg15[%get3A_252] {strides = array<i32>} : memref<800xf32, #tpu.memory_space<vmem>>, vector<16xf32>,
      %mul3A_254 = arith.mulf %mul3A_251, %get3A_253 : vector<16xf32>
      %mul3A_255 = arith.constant 5.000000e-01 : f32
      %mul3A_256 = vector.broadcast %mul3A_255 : f32 to vector<16xf32>
      %mul3A_257 = arith.mulf %mul3A_254, %mul3A_256 : vector<16xf32>
      %add3A_258 = arith.addf %scan3A_107, %mul3A_257 : vector<16xf32>
      %mul3A_259 = arith.constant 2 : i32
      %mul3A_260 = arith.muli %scan3A_106, %mul3A_259 : i32
      %add3A_261 = arith.constant 1 : i32
      %add3A_262 = arith.addi %mul3A_260, %add3A_261 : i32
      %mul3A_263 = arith.constant 16 : i32
      %mul3A_264 = arith.muli %add3A_262, %mul3A_263 : i32
      %add3A_265 = vector.broadcast %mul3A_264 : i32 to vector<16xi32>
      %add3A_266 = arith.addi %add3A_265, %iota3A : vector<16xi32>
      %mul3A_267 = arith.constant 16 : i32
      %mul3A_268 = arith.muli %add3A_262, %mul3A_267 : i32
      %gather3A_269 = tpu.vector_load_idx %arg12[%add3A_266, %broadcast_in_dim3A_94] : memref<2400x8xf32, #tpu.memory_space<vmem>>[vector<16xi32>, vector<16xi32>], vector<16xf32>,
      %gather3A_270 = tpu.vector_load_idx %arg12[%add3A_266, %broadcast_in_dim3A_96] : memref<2400x8xf32, #tpu.memory_space<vmem>>[vector<16xi32>, vector<16xi32>], vector<16xf32>,
      %gather3A_271 = tpu.vector_load_idx %arg12[%add3A_266, %broadcast_in_dim3A_98] : memref<2400x8xf32, #tpu.memory_space<vmem>>[vector<16xi32>, vector<16xi32>], vector<16xf32>,
      %add3A_272 = arith.constant 800 : i32
      %add3A_273 = vector.broadcast %add3A_272 : i32 to vector<16xi32>
      %add3A_274 = arith.addi %add3A_266, %add3A_273 : vector<16xi32>
      %gather3A_275 = tpu.vector_load_idx %arg12[%add3A_274, %broadcast_in_dim3A_94] : memref<2400x8xf32, #tpu.memory_space<vmem>>[vector<16xi32>, vector<16xi32>], vector<16xf32>,
      %add3A_276 = arith.constant 800 : i32
      %add3A_277 = vector.broadcast %add3A_276 : i32 to vector<16xi32>
      %add3A_278 = arith.addi %add3A_266, %add3A_277 : vector<16xi32>
      %gather3A_279 = tpu.vector_load_idx %arg12[%add3A_278, %broadcast_in_dim3A_96] : memref<2400x8xf32, #tpu.memory_space<vmem>>[vector<16xi32>, vector<16xi32>], vector<16xf32>,
      %add3A_280 = arith.constant 800 : i32
      %add3A_281 = vector.broadcast %add3A_280 : i32 to vector<16xi32>
      %add3A_282 = arith.addi %add3A_266, %add3A_281 : vector<16xi32>
      %gather3A_283 = tpu.vector_load_idx %arg12[%add3A_282, %broadcast_in_dim3A_98] : memref<2400x8xf32, #tpu.memory_space<vmem>>[vector<16xi32>, vector<16xi32>], vector<16xf32>,
      %add3A_284 = arith.constant 1600 : i32
      %add3A_285 = vector.broadcast %add3A_284 : i32 to vector<16xi32>
      %add3A_286 = arith.addi %add3A_266, %add3A_285 : vector<16xi32>
      %gather3A_287 = tpu.vector_load_idx %arg12[%add3A_286, %broadcast_in_dim3A_94] : memref<2400x8xf32, #tpu.memory_space<vmem>>[vector<16xi32>, vector<16xi32>], vector<16xf32>,
      %add3A_288 = arith.constant 1600 : i32
      %add3A_289 = vector.broadcast %add3A_288 : i32 to vector<16xi32>
      %add3A_290 = arith.addi %add3A_266, %add3A_289 : vector<16xi32>
      %gather3A_291 = tpu.vector_load_idx %arg12[%add3A_290, %broadcast_in_dim3A_96] : memref<2400x8xf32, #tpu.memory_space<vmem>>[vector<16xi32>, vector<16xi32>], vector<16xf32>,
      %add3A_292 = arith.constant 1600 : i32
      %add3A_293 = vector.broadcast %add3A_292 : i32 to vector<16xi32>
      %add3A_294 = arith.addi %add3A_266, %add3A_293 : vector<16xi32>
      %gather3A_295 = tpu.vector_load_idx %arg12[%add3A_294, %broadcast_in_dim3A_98] : memref<2400x8xf32, #tpu.memory_space<vmem>>[vector<16xi32>, vector<16xi32>], vector<16xf32>,
      %sub3A_296 = arith.subf %gather3A_269, %gather3A_275 : vector<16xf32>
      %sub3A_297 = arith.subf %gather3A_270, %gather3A_279 : vector<16xf32>
      %sub3A_298 = arith.subf %gather3A_271, %gather3A_283 : vector<16xf32>
      %sub3A_299 = arith.subf %gather3A_287, %gather3A_275 : vector<16xf32>
      %sub3A_300 = arith.subf %gather3A_291, %gather3A_279 : vector<16xf32>
      %sub3A_301 = arith.subf %gather3A_295, %gather3A_283 : vector<16xf32>
      %mul3A_302 = arith.mulf %sub3A_296, %sub3A_299 : vector<16xf32>
      %mul3A_303 = arith.mulf %sub3A_297, %sub3A_300 : vector<16xf32>
      %add3A_304 = arith.addf %mul3A_302, %mul3A_303 : vector<16xf32>
      %mul3A_305 = arith.mulf %sub3A_298, %sub3A_301 : vector<16xf32>
      %add3A_306 = arith.addf %add3A_304, %mul3A_305 : vector<16xf32>
      %mul3A_307 = arith.mulf %sub3A_296, %sub3A_296 : vector<16xf32>
      %mul3A_308 = arith.mulf %sub3A_297, %sub3A_297 : vector<16xf32>
      %add3A_309 = arith.addf %mul3A_307, %mul3A_308 : vector<16xf32>
      %mul3A_310 = arith.mulf %sub3A_298, %sub3A_298 : vector<16xf32>
      %add3A_311 = arith.addf %add3A_309, %mul3A_310 : vector<16xf32>
      %mul3A_312 = arith.mulf %sub3A_299, %sub3A_299 : vector<16xf32>
      %mul3A_313 = arith.mulf %sub3A_300, %sub3A_300 : vector<16xf32>
      %add3A_314 = arith.addf %mul3A_312, %mul3A_313 : vector<16xf32>
      %mul3A_315 = arith.mulf %sub3A_301, %sub3A_301 : vector<16xf32>
      %add3A_316 = arith.addf %add3A_314, %mul3A_315 : vector<16xf32>
      %mul3A_317 = arith.mulf %add3A_311, %add3A_316 : vector<16xf32>
      %max3A_318 = arith.constant 1.000000e-30 : f32
      %max3A_319 = vector.broadcast %max3A_318 : f32 to vector<16xf32>
      %max3A_320 = arith.maximumf %mul3A_317, %max3A_319 : vector<16xf32>
      %bitcast3A_321 = vector.bitcast %max3A_320 : vector<16xf32> to vector<16xi32>
      %shift_right_arithmetic3A_322 = arith.constant 1 : i32
      %shift_right_arithmetic3A_323 = vector.broadcast %shift_right_arithmetic3A_322 : i32 to vector<16xi32>
      %shift_right_arithmetic3A_324 = arith.shrsi %bitcast3A_321, %shift_right_arithmetic3A_323 : vector<16xi32>
      %sub3A_325 = arith.constant 1597463007 : i32
      %sub3A_326 = vector.broadcast %sub3A_325 : i32 to vector<16xi32>
      %sub3A_327 = arith.subi %sub3A_326, %shift_right_arithmetic3A_324 : vector<16xi32>
      %bitcast3A_328 = vector.bitcast %sub3A_327 : vector<16xi32> to vector<16xf32>
      %mul3A_329 = arith.constant 5.000000e-01 : f32
      %mul3A_330 = vector.broadcast %mul3A_329 : f32 to vector<16xf32>
      %mul3A_331 = arith.mulf %mul3A_330, %max3A_320 : vector<16xf32>
      %mul3A_332 = arith.mulf %mul3A_331, %bitcast3A_328 : vector<16xf32>
      %mul3A_333 = arith.mulf %mul3A_332, %bitcast3A_328 : vector<16xf32>
      %sub3A_334 = arith.constant 1.500000e+00 : f32
      %sub3A_335 = vector.broadcast %sub3A_334 : f32 to vector<16xf32>
      %sub3A_336 = arith.subf %sub3A_335, %mul3A_333 : vector<16xf32>
      %mul3A_337 = arith.mulf %bitcast3A_328, %sub3A_336 : vector<16xf32>
      %mul3A_338 = arith.constant 5.000000e-01 : f32
      %mul3A_339 = vector.broadcast %mul3A_338 : f32 to vector<16xf32>
      %mul3A_340 = arith.mulf %mul3A_339, %max3A_320 : vector<16xf32>
      %mul3A_341 = arith.mulf %mul3A_340, %mul3A_337 : vector<16xf32>
      %mul3A_342 = arith.mulf %mul3A_341, %mul3A_337 : vector<16xf32>
      %sub3A_343 = arith.constant 1.500000e+00 : f32
      %sub3A_344 = vector.broadcast %sub3A_343 : f32 to vector<16xf32>
      %sub3A_345 = arith.subf %sub3A_344, %mul3A_342 : vector<16xf32>
      %mul3A_346 = arith.mulf %mul3A_337, %sub3A_345 : vector<16xf32>
      %mul3A_347 = arith.mulf %add3A_306, %mul3A_346 : vector<16xf32>
      %jit3A_348 = arith.constant -1.000000e+00 : f32
      %jit3A_349 = arith.constant 1.000000e+00 : f32
      %max3A_350 = vector.broadcast %jit3A_348 : f32 to vector<16xf32>
      %max3A_351 = arith.maximumf %max3A_350, %mul3A_347 : vector<16xf32>
      %min3A_352 = vector.broadcast %jit3A_349 : f32 to vector<16xf32>
      %min3A_353 = arith.minimumf %min3A_352, %max3A_351 : vector<16xf32>
      %abs3A_354 = math.absf %min3A_353 : vector<16xf32>
      %sub3A_355 = arith.constant 1.000000e+00 : f32
      %sub3A_356 = vector.broadcast %sub3A_355 : f32 to vector<16xf32>
      %sub3A_357 = arith.subf %sub3A_356, %abs3A_354 : vector<16xf32>
      %max3A_358 = arith.constant 1.000000e-30 : f32
      %max3A_359 = vector.broadcast %max3A_358 : f32 to vector<16xf32>
      %max3A_360 = arith.maximumf %sub3A_357, %max3A_359 : vector<16xf32>
      %bitcast3A_361 = vector.bitcast %max3A_360 : vector<16xf32> to vector<16xi32>
      %shift_right_arithmetic3A_362 = arith.constant 1 : i32
      %shift_right_arithmetic3A_363 = vector.broadcast %shift_right_arithmetic3A_362 : i32 to vector<16xi32>
      %shift_right_arithmetic3A_364 = arith.shrsi %bitcast3A_361, %shift_right_arithmetic3A_363 : vector<16xi32>
      %sub3A_365 = arith.constant 1597463007 : i32
      %sub3A_366 = vector.broadcast %sub3A_365 : i32 to vector<16xi32>
      %sub3A_367 = arith.subi %sub3A_366, %shift_right_arithmetic3A_364 : vector<16xi32>
      %bitcast3A_368 = vector.bitcast %sub3A_367 : vector<16xi32> to vector<16xf32>
      %mul3A_369 = arith.constant 5.000000e-01 : f32
      %mul3A_370 = vector.broadcast %mul3A_369 : f32 to vector<16xf32>
      %mul3A_371 = arith.mulf %mul3A_370, %max3A_360 : vector<16xf32>
      %mul3A_372 = arith.mulf %mul3A_371, %bitcast3A_368 : vector<16xf32>
      %mul3A_373 = arith.mulf %mul3A_372, %bitcast3A_368 : vector<16xf32>
      %sub3A_374 = arith.constant 1.500000e+00 : f32
      %sub3A_375 = vector.broadcast %sub3A_374 : f32 to vector<16xf32>
      %sub3A_376 = arith.subf %sub3A_375, %mul3A_373 : vector<16xf32>
      %mul3A_377 = arith.mulf %bitcast3A_368, %sub3A_376 : vector<16xf32>
      %mul3A_378 = arith.constant 5.000000e-01 : f32
      %mul3A_379 = vector.broadcast %mul3A_378 : f32 to vector<16xf32>
      %mul3A_380 = arith.mulf %mul3A_379, %max3A_360 : vector<16xf32>
      %mul3A_381 = arith.mulf %mul3A_380, %mul3A_377 : vector<16xf32>
      %mul3A_382 = arith.mulf %mul3A_381, %mul3A_377 : vector<16xf32>
      %sub3A_383 = arith.constant 1.500000e+00 : f32
      %sub3A_384 = vector.broadcast %sub3A_383 : f32 to vector<16xf32>
      %sub3A_385 = arith.subf %sub3A_384, %mul3A_382 : vector<16xf32>
      %mul3A_386 = arith.mulf %mul3A_377, %sub3A_385 : vector<16xf32>
      %mul3A_387 = arith.mulf %sub3A_357, %mul3A_386 : vector<16xf32>
      %broadcast_in_dim3A_388 = arith.constant -1.872930e-02 : f32
      %broadcast_in_dim3A_389 = vector.broadcast %broadcast_in_dim3A_388 : f32 to vector<16xf32>
      %mul3A_390 = arith.mulf %broadcast_in_dim3A_389, %abs3A_354 : vector<16xf32>
      %add3A_391 = arith.constant 7.426100e-02 : f32
      %add3A_392 = vector.broadcast %add3A_391 : f32 to vector<16xf32>
      %add3A_393 = arith.addf %mul3A_390, %add3A_392 : vector<16xf32>
      %mul3A_394 = arith.mulf %add3A_393, %abs3A_354 : vector<16xf32>
      %add3A_395 = arith.constant -0.212114394 : f32
      %add3A_396 = vector.broadcast %add3A_395 : f32 to vector<16xf32>
      %add3A_397 = arith.addf %mul3A_394, %add3A_396 : vector<16xf32>
      %mul3A_398 = arith.mulf %add3A_397, %abs3A_354 : vector<16xf32>
      %add3A_399 = arith.constant 1.57072878 : f32
      %add3A_400 = vector.broadcast %add3A_399 : f32 to vector<16xf32>
      %add3A_401 = arith.addf %mul3A_398, %add3A_400 : vector<16xf32>
      %mul3A_402 = arith.mulf %mul3A_387, %add3A_401 : vector<16xf32>
      %lt3A_403 = arith.constant 0.000000e+00 : f32
      %lt3A_404 = vector.broadcast %lt3A_403 : f32 to vector<16xf32>
      %lt3A_405 = arith.cmpf olt, %min3A_353, %lt3A_404 : vector<16xf32>
      %sub3A_406 = arith.constant 3.14159274 : f32
      %sub3A_407 = vector.broadcast %sub3A_406 : f32 to vector<16xf32>
      %sub3A_408 = arith.subf %sub3A_407, %mul3A_402 : vector<16xf32>
      %select_n3A_409 = arith.select %lt3A_405, %sub3A_408, %mul3A_402 : vector<16xi1>, vector<16xf32>
      %get3A_410 = arith.index_cast %mul3A_268 : i32 to index
      %get3A_411 = tpu.vector_load %arg14[%get3A_410] {strides = array<i32>} : memref<800xf32, #tpu.memory_space<vmem>>, vector<16xf32>,
      %sub3A_412 = arith.subf %select_n3A_409, %get3A_411 : vector<16xf32>
      %mul3A_413 = arith.mulf %sub3A_412, %sub3A_412 : vector<16xf32>
      %get3A_414 = arith.index_cast %mul3A_268 : i32 to index
      %get3A_415 = tpu.vector_load %arg15[%get3A_414] {strides = array<i32>} : memref<800xf32, #tpu.memory_space<vmem>>, vector<16xf32>,
      %mul3A_416 = arith.mulf %mul3A_413, %get3A_415 : vector<16xf32>
      %mul3A_417 = arith.constant 5.000000e-01 : f32
      %mul3A_418 = vector.broadcast %mul3A_417 : f32 to vector<16xf32>
      %mul3A_419 = arith.mulf %mul3A_416, %mul3A_418 : vector<16xf32>
      %add3A_420 = arith.addf %add3A_258, %mul3A_419 : vector<16xf32>
      scf.yield %add3A_420 : vector<16xf32>
    }
    %scan3A_104 = arith.constant 25 : i32
    %swap3A = arith.constant 0 : index
    %swap3A_105 = tpu.vector_load %arg18[%swap3A] {strides = array<i32>} : memref<16xf32, #tpu.memory_space<vmem>>, vector<16xf32>,
    tpu.vector_store %arg18[%swap3A], %scan3A_103 {strides = array<i32>} : memref<16xf32, #tpu.memory_space<vmem>>, vector<16xf32>,
    "tpu.region"() ({
      %run_scoped3A = tpu.sem_alloc : memref<!tpu.dma_semaphore, #tpu.memory_space<semaphore_mem>>
      %dma_start3A_106 = arith.constant 0 : i32
      %dma_start3A_107 = tpu.memref_slice %arg8[%add3A, %dma_start3A_106] : memref<32x16xf32, #tpu.memory_space<hbm>> -> memref<1x16xf32, #tpu.memory_space<hbm>>
      %dma_start3A_108 = tpu.memref_squeeze %dma_start3A_107 : memref<1x16xf32, #tpu.memory_space<hbm>> -> memref<16xf32, #tpu.memory_space<hbm>>
      %dma_start3A_109 = arith.constant 0 : i32
      %dma_start3A_110 = tpu.memref_slice %arg8[%add3A, %dma_start3A_109] : memref<32x16xf32, #tpu.memory_space<hbm>> -> memref<1x16xf32, #tpu.memory_space<hbm>>
      %dma_start3A_111 = tpu.memref_squeeze %dma_start3A_110 : memref<1x16xf32, #tpu.memory_space<hbm>> -> memref<16xf32, #tpu.memory_space<hbm>>
      tpu.enqueue_dma source(%arg18 : memref<16xf32, #tpu.memory_space<vmem>>) target(%dma_start3A_111 : memref<16xf32, #tpu.memory_space<hbm>>) target_semaphore(%run_scoped3A : memref<!tpu.dma_semaphore, #tpu.memory_space<semaphore_mem>>)
      %dma_wait3A_112 = arith.constant 0 : i32
      %dma_wait3A_113 = tpu.memref_slice %arg8[%add3A, %dma_wait3A_112] : memref<32x16xf32, #tpu.memory_space<hbm>> -> memref<1x16xf32, #tpu.memory_space<hbm>>
      %dma_wait3A_114 = tpu.memref_squeeze %dma_wait3A_113 : memref<1x16xf32, #tpu.memory_space<hbm>> -> memref<16xf32, #tpu.memory_space<hbm>>
      %dma_wait3A_115 = arith.constant 0 : i32
      %dma_wait3A_116 = tpu.memref_slice %arg8[%add3A, %dma_wait3A_115] : memref<32x16xf32, #tpu.memory_space<hbm>> -> memref<1x16xf32, #tpu.memory_space<hbm>>
      %dma_wait3A_117 = tpu.memref_squeeze %dma_wait3A_116 : memref<1x16xf32, #tpu.memory_space<hbm>> -> memref<16xf32, #tpu.memory_space<hbm>>
      tpu.wait_dma2 semaphore(%run_scoped3A : memref<!tpu.dma_semaphore, #tpu.memory_space<semaphore_mem>>) src(%arg18 : memref<16xf32, #tpu.memory_space<vmem>>) dst(%dma_wait3A_117 : memref<16xf32, #tpu.memory_space<hbm>>)
      tpu.yield
    }) : () -> ()
    return
  }
}

</mosaic_0001>

<sc_bundles>
// kernel: _sc_call.3.cloned.1.call-start
scs
__scs_entry_jumppad:
0x0: {  	(pc) =	sbr.rel $0x88, $3  }
0x1: {  	(tag) =	ssettag $0x0;
	lr =	simm.s32 $0x1  }
0x2: {  	[smem:$0x3F9B] =	sst lr;
	_ =	strace $0xD0000000  }
0x3: {  	_ = 	snop  }
0x4: {  	_ = 	snop  }
0x5: {  	_ = 	snop  }
0x6: {  	_ = 	snop  }
0x7: {  	_ = 	snop  }
__scs_overlays_trampoline_lowered:
0x8: {  	[smem:$0x3FAA] =	sst s0  }
0x9: {  	[smem:$0x3FAB] =	sst s1  }
0xa: {  	[smem:$0x3FAC] =	sst s2  }
0xb: {  	[smem:$0x3FAD] =	sst s3  }
0xc: {  	[smem:$0x3FAE] =	sst s4  }
0xd: {  	[smem:$0x3FAF] =	sst s5  }
0xe: {  	[smem:$0x3FB0] =	sst s6  }
0xf: {  	[smem:$0x3FB1] =	sst s7  }
0x10: {  	[smem:$0x3FB2] =	sst s8  }
0x11: {  	[smem:$0x3FB3] =	sst s9;
	s0 =	simm.s32 @!p0 $0x0  }
0x12: {  	s1 =	sld [smem:$0x3F99];
	s0 =	simm.s32 @p0 $0x1  }
0x13: {  	[smem:$0x3FB4] =	sst s0;
	s0 =	simm.s32 @!p1 $0x0  }
0x14: {  	s2 =	sld [smem:$0x3F98];
	s0 =	simm.s32 @p1 $0x1  }
0x15: {  	[smem:$0x3FB5] =	sst s0;
	s0 =	simm.s32 @!p2 $0x0  }
0x16: {  	s3 =	sld [smem:$0x3FDB];
	s0 =	simm.s32 @p2 $0x1  }
0x17: {  	s4 =	simm.s32 $0x1BF5;
	[smem:$0x3FB7] =	sst s0  }
0x18: {  	s0 =	sld [smem:$0x3F9A];
	_ =	swait.ge [sflag:s4], $0x0  }
0x19: {  	s7 =	sld [smem:$0x3F9B]  }
0x1a: {  	s8 =	sadd.s32 $0xFFFFE003, lr  }
0x1b: {  	s9 =	sadd.s32 $0xFFFFFEF7, lr;
	s5 =	simm.s32 $0xFFFFFFFF;
	p2 =	slt.u32 s8, $0xFFFFF086  }
0x1c: {  	p1 =	slt.u32 s9, $0xF7A;
	s5 =	simm.s32 @!p2 $0x0  }
0x1d: {  	s5 =	simm.s32 @p1 $0x1;
	p0 =	seq.s32 s7, s2  }
0x1e: {  	s7 =	smul.u32 @!p0 $0xF7A, s2;
	p2 =	seq.s32 @!p0 s5, $0x0  }
0x1f: {  	s9 =	smul.u32 $0xF7A, s1;
	s8 =	simm.s32 @!p0 $0x1BF5;
	p2 =	por !p2, p0  }
0x20: {  	[sflag:s8] =	ssyncset.s32 @!p0 $0xFFFFF086;
	s6 =	sadd.s32 @!p0 s3, s7;
	s7 =	simm.s32 @!p0 $0x108  }
0x21: {  	s3 =	sadd.s32 s3, s9;
	s6 =	sadd.s32 @!p0 $0x88, s6;
	s7 =	simm.s32 @p2 $0x1082  }
0x22: {  	[simem:s7], [sflag:s8] =	dma.local @!p0 [hbm:s6], $0xF7A  }
0x23: {  	s9 =	sor.u32 $0xD0000000, s2;
	s6 =	simm.s32 $0x108;
	_ =	swait.ge @!p0 [sflag:s8], $0x0  }
0x24: {  	s3 =	sadd.s32 $0x88, s3;
	s6 =	simm.s32 @!p1 $0x1082;
	[sflag:s4] =	ssyncset.s32 $0xFFFFF086  }
0x25: {  	[simem:s6], [sflag:s4] =	dma.local [hbm:s3], $0xF7A  }
0x26: {  	[smem:$0x3F9B] =	sst s1;
	(tag) =	ssettag s2;
	_ =	strace s9  }
0x27: {  	s1 =	sld [smem:$0x3FAB]  }
0x28: {  	s2 =	sld [smem:$0x3FAC]  }
0x29: {  	s4 =	sld [smem:$0x3FAE]  }
0x2a: {  	p0 =	seq.s32 s5, $0x0;
	s5 =	sld [smem:$0x3FAF]  }
0x2b: {  	s6 =	sld [smem:$0x3FB0]  }
0x2c: {  	s7 =	sld [smem:$0x3FB1]  }
0x2d: {  	s3 =	simm.s32 $0x108;
	s8 =	sld [smem:$0x3FB2]  }
0x2e: {  	s3 =	simm.s32 @!p0 $0x1082;
	s9 =	sld [smem:$0x3FB3]  }
0x2f: {  	lr =	sadd.s32 s0, s3;
	s0 =	sld [smem:$0x3FAA]  }
0x30: {  	s3 =	sld [smem:$0x3FAD]  }
0x31: {  	[smem:$0x3FB6] =	sst s10  }
0x32: {  	s10 =	sld [smem:$0x3FB4];
	_ =	sdelay $0x3  }
0x33: {  	p0 =	seq.s32 s10, $0x1;
	s10 =	sld [smem:$0x3FB6];
	_ =	sdelay $0x3  }
0x34: {  	[smem:$0x3FB6] =	sst s10  }
0x35: {  	s10 =	sld [smem:$0x3FB5];
	_ =	sdelay $0x3  }
0x36: {  	p1 =	seq.s32 s10, $0x1;
	s10 =	sld [smem:$0x3FB6];
	_ =	sdelay $0x3  }
0x37: {  	[smem:$0x3FB6] =	sst s10  }
0x38: {  	s10 =	sld [smem:$0x3FB7]  }
0x39: {  	_ = 	snop;
	(pc) =	sbr.ind lr, $3  }
0x3a: {  	_ = 	snop  }
0x3b: {  	_ = 	snop  }
0x3c: {  	p2 =	seq.s32 s10, $0x1;
	s10 =	sld [smem:$0x3FB6]  }
0x3d: {  	_ =	shalt  }
0x3e: {  	_ =	shalt  }
0x3f: {  	_ =	shalt  }
0x40: {  	_ =	shalt  }
0x41: {  	_ =	shalt  }
0x42: {  	_ =	shalt  }
0x43: {  	_ =	shalt  }
0x44: {  	_ =	shalt  }
0x45: {  	_ =	shalt  }
0x46: {  	_ =	shalt  }
0x47: {  	_ =	shalt  }
0x48: {  	_ =	shalt  }
0x49: {  	_ =	shalt  }
0x4a: {  	_ =	shalt  }
0x4b: {  	_ =	shalt  }
0x4c: {  	_ =	shalt  }
0x4d: {  	_ =	shalt  }
0x4e: {  	_ =	shalt  }
0x4f: {  	_ =	shalt  }
0x50: {  	_ =	shalt  }
0x51: {  	_ =	shalt  }
0x52: {  	_ =	shalt  }
0x53: {  	_ =	shalt  }
0x54: {  	_ =	shalt  }
0x55: {  	_ =	shalt  }
0x56: {  	_ =	shalt  }
0x57: {  	_ =	shalt  }
0x58: {  	_ =	shalt  }
0x59: {  	_ =	shalt  }
0x5a: {  	_ =	shalt  }
0x5b: {  	_ =	shalt  }
0x5c: {  	_ =	shalt  }
0x5d: {  	_ =	shalt  }
0x5e: {  	_ =	shalt  }
0x5f: {  	_ =	shalt  }
0x60: {  	_ =	shalt  }
0x61: {  	_ =	shalt  }
0x62: {  	_ =	shalt  }
0x63: {  	_ =	shalt  }
0x64: {  	_ =	shalt  }
0x65: {  	_ =	shalt  }
0x66: {  	_ =	shalt  }
0x67: {  	_ =	shalt  }
0x68: {  	_ =	shalt  }
0x69: {  	_ =	shalt  }
0x6a: {  	_ =	shalt  }
0x6b: {  	_ =	shalt  }
0x6c: {  	_ =	shalt  }
0x6d: {  	_ =	shalt  }
0x6e: {  	_ =	shalt  }
0x6f: {  	_ =	shalt  }
0x70: {  	_ =	shalt  }
0x71: {  	_ =	shalt  }
0x72: {  	_ =	shalt  }
0x73: {  	_ =	shalt  }
0x74: {  	_ =	shalt  }
0x75: {  	_ =	shalt  }
0x76: {  	_ =	shalt  }
0x77: {  	_ =	shalt  }
0x78: {  	_ =	shalt  }
0x79: {  	_ =	shalt  }
0x7a: {  	_ =	shalt  }
0x7b: {  	_ =	shalt  }
0x7c: {  	_ =	shalt  }
0x7d: {  	_ =	shalt  }
0x7e: {  	_ =	shalt  }
0x7f: {  	_ =	shalt  }
0x80: {  	_ =	shalt  }
0x81: {  	_ =	shalt  }
0x82: {  	_ =	shalt  }
0x83: {  	_ =	shalt  }
0x84: {  	_ =	shalt  }
0x85: {  	_ =	shalt  }
0x86: {  	_ =	shalt  }
0x87: {  	_ =	shalt  }
.Lfunc_end0:
.L_simem_size_0:
called_computation_lowered:
.L_overlay_start_0:
0x88: {  	s2 =	sld [smem:$0x3FD9]  }
0x89: {  	s3 =	sld [smem:$0x3FFE];
	_ =	sdelay $0x1  }
0x8a: {  	s1 =	srdreg.scid  }
0x8b: {  	s0 =	sand.u32 $0x1, s1  }
0x8c: {  	s17 =	sshll.u32 s0, $0xA;
	s2 =	sadd.s32 s3, s2  }
0x8d: {  	s2 =	sadd.s32 s2, s17  }
0x8e: {  	[smem:$0x3FC2] =	sst s2  }
0x8f: {  	_ = 	snop  }
0x90: {  	s2 =	sld [smem:$0x3FC8]  }
0x91: {  	s18 =	sld [smem:$0x3FC7]  }
0x92: {  	s4 =	sld [smem:$0x3FC6]  }
0x93: {  	s5 =	sld [smem:$0x3FC5]  }
0x94: {  	s6 =	sld [smem:$0x3FC4]  }
0x95: {  	s7 =	sld [smem:$0x3FD0];
	(tm) =	ssettm $0x1  }
0x96: {  	s8 =	sld [smem:$0x3FFB];
	_ =	sdelay $0x3  }
0x97: {  	_ =	strace s8  }
0x98: {  	s8 =	sld [smem:$0x3FFC];
	_ =	sdelay $0x3  }
0x99: {  	_ =	strace s8  }
0x9a: {  	s8 =	sld [smem:$0x3FFD];
	_ =	sdelay $0x3  }
0x9b: {  	_ =	strace s8  }
0x9c: {  	_ =	strace $0x8FFFFFFF  }
0x9d: {  	s19 =	sld [smem:$0x3FDB];
	_ =	sdelay $0x1  }
0x9e: {  	s9 =	simm.s32 $_scs_section_size  }
0x9f: {  	s10 =	simm.s32 $_size__tile_overlayer_lowered;
	s11 =	simm.s32 $_tile_overlayer_lowered  }
0xa0: {  	s22 =	simm.s32 $0x1BFF;
	s21 =	sshll.u32 s11, $0x1;
	s8 =	sadd.s32 s9, s19  }
0xa1: {  	s12 =	simm.s32 $0x0;
	s20 =	sshll.u32 s10, $0x1;
	s10 =	sadd.s32 s21, s8  }
0xa2: {  	[timem:s12], [sflag:s22] =	dma.local [hbm:s10], s20  }
0xa3: {  	_ =	swait.ge [sflag:s22], s20  }
0xa4: {  	s9 =	ssub.s32 $0x0, s20;
	[sflag:s22] =	ssyncset.done $0x0  }
0xa5: {  	[sflag:s22] =	ssyncadd.s32 s9;
	_ =	sdelay $0x1  }
0xa6: {  	s23 =	simm.s32 $0x1B8B  }
0xa7: {  	_ =	swait.ge [sflag:s23], $0x1  }
0xa8: {  	[sflag:s23] =	ssyncset.done $0x0  }
0xa9: {  	s25 =	simm.s32 $0x1B8E;
	s24 =	sld [smem:$0x3FFE];
	[sflag:s23] =	ssyncadd.s32 $0xFFFFFFFF  }
0xaa: {  	s26 =	simm.s32 $execute0_lowered;
	[smem:$0x3FD2] =	sst s25  }
0xab: {  	s10 =	sshll.u32 s26, $0x1;
	_ =	strace $0x80000046;
	[dreg:$0x1] =	wrdreg $0xFFFFFFFF  }
0xac: {  	s28 =	simm.s32 $_size_execute0_lowered;
	s8 =	sadd.s32 s8, s10;
	[dreg:$0x0] =	wrdreg $0x0  }
0xad: {  	s10 =	sshll.u32 s28, $0x1;
	[dreg:$0x2] =	wrdreg s8  }
0xae: {  	[dreg:$0x3] =	wrdreg s10  }
0xaf: {  	[dreg:$0x4] =	wrdreg $0xC0  }
0xb0: {  	_ =	task [dreg:s12], $0x5FFFF  }
0xb1: {  	[dreg:$0x1] =	wrdreg $0xFFFFFFFF  }
0xb2: {  	[dreg:$0x0] =	wrdreg $0x60  }
0xb3: {  	[dreg:$0x2] =	wrdreg s24  }
0xb4: {  	[dreg:$0x3] =	wrdreg s2  }
0xb5: {  	[dreg:$0x4] =	wrdreg s18  }
0xb6: {  	[dreg:$0x5] =	wrdreg s4  }
0xb7: {  	[dreg:$0x6] =	wrdreg s5  }
0xb8: {  	[dreg:$0x7] =	wrdreg s6  }
0xb9: {  	[dreg:$0x8] =	wrdreg s7  }
0xba: {  	[dreg:$0x9] =	wrdreg $0x0  }
0xbb: {  	[dreg:$0xa] =	wrdreg $0x9  }
0xbc: {  	_ =	task.clear_ibuf [dreg:s12], $0xBFFFF;
	_ =	strace $0x90000046  }
0xbd: {  	s29 =	simm.s32 $0x9;
	_ =	strace $0x80000048  }
0xbe: {  	_ =	swait.ge [sflag:s29], $0x1  }
0xbf: {  	[sflag:s29] =	ssyncadd.s32 $0xFFFFFFFF  }
0xc0: {  	_ =	strace $0x90000048  }
0xc1: {  	_ =	sfence  }
0xc2: {  	s30 =	sld [smem:$0x0];
	_ =	sdelay $0x2  }
0xc3: {  	s31 =	sshll.u32 s1, $0xD;
	s1 =	sshrl.u32 s1, $0x2  }
0xc4: {  	s3 =	sand.u32 $0x4000, s31;
	s1 =	sadd.s32 s1, s30  }
0xc5: {  	s0 =	sor.u32 s3, s0;
	s1 =	sshll.u32 s1, $0x11  }
0xc6: {  	s0 =	sor.u32 s1, s0  }
0xc7: {  	s0 =	sadd.s32 $0x8F2B, s0  }
0xc8: {  	[sflag:s0] =	ssyncadd.remote.s32 $0x1  }
0xc9: {  	_ =	sfence.sel $0xFFFF  }
0xca: {  	[dreg:$0x0] =	wrdreg $0xFFFFFFFF;
	(pc) =	sbr.abs _section_cstart, $3  }
0xcb: {  	[dreg:$0x1] =	wrdreg $0xFFFFFFFF  }
0xcc: {  	_ =	task.clear_ibuf [dreg:s12], $0x2FFFF;
	_ =	strace $0x9FFFFFFF  }
0xcd: {  	(tm) =	ssettm $0x7FFFFFFF  }
tec
execute0_lowered:
.L_overlay_start_1:
0x0: {  	(tag) =	ssettag $0x1  }
0x1: {  	s5 =	rddreg [dreg:$0x0]  }
0x2: {  	s0 =	rddreg [dreg:$0x1]  }
0x3: {  	s1 =	rddreg [dreg:$0x2]  }
0x4: {  	s2 =	rddreg [dreg:$0x3]  }
0x5: {  	s3 =	rddreg [dreg:$0x4]  }
0x6: {  	s4 =	rddreg [dreg:$0x5]  }
0x7: {  	s8 =	rddreg [dreg:$0x6];
	s7 =	srdreg.scid  }
0x8: {  	s10 =	stileid.u32;
	s6 =	rddreg [dreg:$0x7];
	s30 =	simm.s32 $0x1  }
0x9: {  	s31 =	simm.s32 $0x960;
	s16 =	simm.s32 $0x6;
	s17 =	simm.s32 $0x0  }
0xa: {  	s9 =	sand.u32 $0x1, s7;
	s11 =	sshll.u32 s10, $0x1;
	s7 =	simm.s32 $0x0  }
0xb: {  	s5 =	sadd.s32 $0x186E00, s5;
	p0 =	sne.s32 s10, $0x0;
	s11 =	sor.u32 s9, s11  }
0xc: {  	[smem:$0x7FF] =	sst s7;
	s21 =	ssub.s32 $0x2, s9;
	s12 =	smul.u32 $0x186A0, s11  }
0xd: {  	_ =	strace $0x80000047;
	s13 =	sshrl.u32 s21, $0x1;
	s11 =	sshll.u32 s11, $0x1  }
0xe: {  	[dreg:$0x9] =	wrdreg s5;
	s5 =	ssub.s32 s21, s13;
	s8 =	sadd.s32 s8, s11  }
0xf: {  	s14 =	sshrl.u32 s12, $0x3;
	[dreg:$0x12] =	wrdreg s8;
	s5 =	smax.u32 s5, $0x1  }
0x10: {  	s10 =	simm.s32 $0x12110;
	s22 =	sadd.s32 s0, s14;
	[dreg:$0x13] =	wrdreg s5  }
0x11: {  	s9 =	sadd.s32 $0x320, s12;
	s15 =	sadd.s32 s1, s14;
	[dreg:$0xa] =	wrdreg s22  }
0x12: {  	s18 =	sadd.s32 $0x640, s12;
	s24 =	sadd.s32 s2, s14;
	[dreg:$0xb] =	wrdreg s15  }
0x13: {  	s19 =	sadd.s32 $0x960, s12;
	s28 =	sadd.s32 s3, s14;
	[dreg:$0xc] =	wrdreg s24  }
0x14: {  	s8 =	simm.s32 $0x2;
	s29 =	sadd.s32 s4, s14;
	[dreg:$0x10] =	wrdreg s28  }
0x15: {  	s23 =	sshrl.u32 s9, $0x3;
	s5 =	sshrl.u32 @!p0 s6, $0x3;
	[dreg:$0x11] =	wrdreg s29  }
0x16: {  	v0 =	vlaneseq.u32;
	s14 =	simm.s32 $0x5;
	s25 =	sadd.s32 s0, s23;
	[dreg:$0x14] =	wrdreg s5  }
0x17: {  	v0 =	vmul.u32 $0x8, v0;
	s26 =	sadd.s32 s1, s23;
	s13 =	sadd.s32 s2, s23;
	[dreg:$0xd] =	wrdreg s25  }
0x18: {  	s23 =	simm.s32 $0xC350;
	s5 =	simm.s32 $0xD610;
	[dreg:$0xe] =	wrdreg s26  }
0x19: {  	v1 =	vor.u32 $0x3200, v0;
	v2 =	vor.u32 $0x1900, v0;
	s15 =	simm.s32 $0x4;
	[dreg:$0xf] =	wrdreg s13;
	s13 =	simm.s32 $0x3  }
.LBB2_1:
0x1a: {  	[dreg:$0x15] =	wrdreg s17  }
0x1b: {  	s12 =	rddreg [dreg:$0x9]  }
0x1c: {  	s11 =	simm.s32 @!p0 $0x1C07;
	s17 =	rddreg [dreg:$0x14]  }
0x1d: {  	[spmem:s17], [sflag:s11] =	dma.local @!p0 [hbm:s12], $0x186A0  }
0x1e: {  	s11 =	simm.s32 @!p0 $0x7  }
0x1f: {  	_ =	swait.ge @!p0 [sflag:s11], $0x186A0  }
0x20: {  	[sflag:s11] =	ssyncset.done @!p0 $0x0  }
0x21: {  	[sflag:s11] =	ssyncadd.s32 @!p0 $0xFFFE7960  }
0x22: {  	[bflag:$0x0] =	sbarrier.arrive $0xFFFF  }
0x23: {  	s24 =	rddreg [dreg:$0xa]  }
0x24: {  	[tilespmem:s23], [sflag:$0x1] =	stream.linear.gather [hbm4b:s24+s7], $0x320, $0x38;
	[tilespmem:$0x178A0] =	vst v63  }
0x25: {  	s26 =	simm.s32 $0xC670;
	s25 =	rddreg [dreg:$0xb]  }
0x26: {  	[tilespmem:s26], [sflag:$0x1] =	stream.linear.gather [hbm4b:s25+s7], $0x320, $0x38;
	[tilespmem:$0x178A0] =	vst v63  }
0x27: {  	s29 =	simm.s32 $0xC990;
	s28 =	rddreg [dreg:$0xc]  }
0x28: {  	[tilespmem:s29], [sflag:$0x1] =	stream.linear.gather [hbm4b:s28+s7], $0x320, $0x38;
	[tilespmem:$0x178A0] =	vst v63  }
0x29: {  	s17 =	simm.s32 $0xCCB0;
	s12 =	rddreg [dreg:$0xd]  }
0x2a: {  	[tilespmem:s17], [sflag:$0x2] =	stream.linear.gather [hbm4b:s12+s7], $0x320, $0x38;
	[tilespmem:$0x178A0] =	vst v63  }
0x2b: {  	s21 =	simm.s32 $0xCFD0;
	s20 =	rddreg [dreg:$0xe]  }
0x2c: {  	[tilespmem:s21], [sflag:$0x2] =	stream.linear.gather [hbm4b:s20+s7], $0x320, $0x38;
	[tilespmem:$0x178A0] =	vst v63  }
0x2d: {  	s22 =	rddreg [dreg:$0xf];
	s24 =	simm.s32 $0xD2F0  }
0x2e: {  	[tilespmem:s24], [sflag:$0x2] =	stream.linear.gather [hbm4b:s22+s7], $0x320, $0x38;
	[tilespmem:$0x178A0] =	vst v63  }
0x2f: {  	_ =	swait.ge [sflag:s30], $0x320  }
0x30: {  	[sflag:s30] =	ssyncset.done $0x0  }
0x31: {  	[sflag:s30] =	ssyncadd.s32 $0xFFFFFCE0  }
0x32: {  	_ =	swait.ge [sflag:s30], $0x320  }
0x33: {  	[sflag:s30] =	ssyncset.done $0x0  }
0x34: {  	[sflag:s30] =	ssyncadd.s32 $0xFFFFFCE0  }
0x35: {  	_ =	swait.ge [sflag:s30], $0x320  }
0x36: {  	[sflag:s30] =	ssyncset.done $0x0  }
0x37: {  	[sflag:s30] =	ssyncadd.s32 $0xFFFFFCE0  }
0x38: {  	[tilespmem:s5], [sflag:$0x3] =	stream.indirect.gather [spmem:s6], $0x8, s23, s31, $0xb8;
	[tilespmem:$0x178A0] =	vst v63  }
0x39: {  	s26 =	simm.s32 $0x16C10;
	s25 =	rddreg [dreg:$0x10]  }
0x3a: {  	[tilespmem:s26], [sflag:$0x5] =	stream.linear.gather [hbm4b:s25+s7], $0x320, $0x38;
	[tilespmem:$0x178A0] =	vst v63  }
0x3b: {  	s29 =	simm.s32 $0x16F30;
	s21 =	simm.s32 $0x0;
	s28 =	rddreg [dreg:$0x11]  }
0x3c: {  	v3 =	vimm.f32 $0.0e+00;
	[tilespmem:s29], [sflag:$0x5] =	stream.linear.gather [hbm4b:s28+s7], $0x320, $0x38;
	[tilespmem:$0x178A0] =	vst v63  }
.LBB2_2:
0x3d: {  	_ =	swait.ge [sflag:s8], $0x320  }
0x3e: {  	[sflag:s8] =	ssyncset.done $0x0  }
0x3f: {  	[sflag:s8] =	ssyncadd.s32 $0xFFFFFCE0  }
0x40: {  	_ =	swait.ge [sflag:s8], $0x320  }
0x41: {  	[sflag:s8] =	ssyncset.done $0x0  }
0x42: {  	[sflag:s8] =	ssyncadd.s32 $0xFFFFFCE0  }
0x43: {  	s22 =	smul.u32 $0x640, s21;
	_ =	swait.ge [sflag:s8], $0x320  }
0x44: {  	[sflag:s8] =	ssyncset.done $0x0  }
0x45: {  	s11 =	simm.s32 $0xCCB0;
	s28 =	sadd.s32 s22, s9;
	[sflag:s8] =	ssyncadd.s32 $0xFFFFFCE0  }
0x46: {  	[tilespmem:s10], [sflag:$0x4] =	stream.indirect.gather [spmem:s6], $0x8, s11, s31, $0xb8;
	[tilespmem:$0x178A0] =	vst v63  }
0x47: {  	s11 =	sshrl.u32 s28, $0x3  }
0x48: {  	s17 =	simm.s32 $0x17250;
	s12 =	sadd.s32 s3, s11  }
0x49: {  	[tilespmem:s17], [sflag:$0x6] =	stream.linear.gather [hbm4b:s12+s7], $0x320, $0x38;
	[tilespmem:$0x178A0] =	vst v63  }
0x4a: {  	s29 =	simm.s32 $0x17570;
	s11 =	sadd.s32 s4, s11  }
0x4b: {  	[tilespmem:s29], [sflag:$0x6] =	stream.linear.gather [hbm4b:s11+s7], $0x320, $0x38;
	[tilespmem:$0x178A0] =	vst v63  }
0x4c: {  	_ =	swait.ge [sflag:s13], $0x4B00  }
0x4d: {  	[sflag:s13] =	ssyncset.done $0x0  }
0x4e: {  	[sflag:s13] =	ssyncadd.s32 $0xFFFFB500  }
0x4f: {  	_ =	swait.ge [sflag:s14], $0x320  }
0x50: {  	[sflag:s14] =	ssyncset.done $0x0  }
0x51: {  	s17 =	simm.s32 $0x0;
	[sflag:s14] =	ssyncadd.s32 $0xFFFFFCE0  }
0x52: {  	s20 =	sadd.s32 s22, s18;
	v4 =	vmov s17;
	_ =	swait.ge [sflag:s14], $0x320  }
0x53: {  	s17 =	sshrl.u32 s20, $0x3;
	v4 =	vshll.u32 v4, $0x3;
	[sflag:s14] =	ssyncset.done $0x0  }
0x54: {  	s24 =	sadd.s32 s0, s17;
	v5 =	vor.u32 v0, v4;
	[sflag:s14] =	ssyncadd.s32 $0xFFFFFCE0  }
0x55: {  	v6 =	vor.u32 $0x1, v5;
	[tilespmem:s23], [sflag:$0x1] =	stream.linear.gather [hbm4b:s24+s7], $0x320, $0x38;
	[tilespmem:$0x178A0] =	vst v63  }
0x56: {  	s26 =	simm.s32 $0xC670;
	s25 =	sadd.s32 s1, s17  }
0x57: {  	v7 =	vadd.s32 v2, v4;
	[tilespmem:s26], [sflag:$0x1] =	stream.linear.gather [hbm4b:s25+s7], $0x320, $0x38;
	[tilespmem:$0x178A0] =	vst v63  }
0x58: {  	s28 =	sadd.s32 s2, s17;
	s29 =	simm.s32 $0xC990;
	v8 =	vor.u32 $0x2, v7  }
0x59: {  	v9 =	vor.u32 $0x1, v7;
	[tilespmem:s29], [sflag:$0x1] =	stream.linear.gather [hbm4b:s28+s7], $0x320, $0x38;
	[tilespmem:$0x178A0] =	vst v63  }
0x5a: {  	v10 =	vor.u32 $0x2, v5;
	v6 =	vld.idx.msk [tilespmem:v6+s5+$0x0], $0xffff  }
0x5b: {  	s12 =	simm.s32 $0x10;
	v4 =	vadd.s32 v1, v4;
	v5 =	vld.idx.msk [tilespmem:v5+s5+$0x0], $0xffff  }
0x5c: {  	v12 =	vmov s12;
	v11 =	vor.u32 $0x2, v4;
	v7 =	vld.idx.msk [tilespmem:v7+s5+$0x0], $0xffff  }
0x5d: {  	v12 =	vshll.u32 v12, $0x3;
	v13 =	vor.u32 $0x1, v4;
	v8 =	vld.idx.msk [tilespmem:v8+s5+$0x0], $0xffff  }
0x5e: {  	v14 =	vadd.s32 v2, v12;
	v9 =	vld.idx.msk [tilespmem:v9+s5+$0x0], $0xffff  }
0x5f: {  	v15 =	vadd.s32 v1, v12;
	v10 =	vld.idx.msk [tilespmem:v10+s5+$0x0], $0xffff  }
0x60: {  	v12 =	vor.u32 v0, v12;
	v4 =	vld.idx.msk [tilespmem:v4+s5+$0x0], $0xffff  }
0x61: {  	v16 =	vor.u32 $0x1, v15;
	v11 =	vld.idx.msk [tilespmem:v11+s5+$0x0], $0xffff  }
0x62: {  	v18 =	vor.u32 $0x1, v12;
	v13 =	vld.idx.msk [tilespmem:v13+s5+$0x0], $0xffff  }
0x63: {  	v20 =	vor.u32 $0x1, v14;
	v19 =	vld.idx.msk [tilespmem:v14+s5+$0x0], $0xffff  }
0x64: {  	v17 =	vor.u32 $0x2, v12;
	v21 =	vld.idx.msk [tilespmem:v15+s5+$0x0], $0xffff  }
0x65: {  	v14 =	vor.u32 $0x2, v14;
	v12 =	vld.idx.msk [tilespmem:v12+s5+$0x0], $0xffff  }
0x66: {  	v16 =	vld.idx.msk [tilespmem:v16+s5+$0x0], $0xffff  }
0x67: {  	v15 =	vor.u32 $0x2, v15;
	v18 =	vld.idx.msk [tilespmem:v18+s5+$0x0], $0xffff  }
0x68: {  	v20 =	vld.idx.msk [tilespmem:v20+s5+$0x0], $0xffff;
	v5 =	vsub.f32 v5, v7;
	v6 =	vsub.f32 v6, v9  }
0x69: {  	v4 =	vsub.f32 v4, v7;
	v7 =	vsub.f32 v13, v9;
	v9 =	vld.idx.msk [tilespmem:v17+s5+$0x0], $0xffff  }
0x6a: {  	v10 =	vsub.f32 v10, v8;
	v14 =	vld.idx.msk [tilespmem:v14+s5+$0x0], $0xffff  }
0x6b: {  	v8 =	vsub.f32 v11, v8;
	v13 =	vmul.f32 v6, v6;
	v17 =	vmul.f32 v5, v5  }
0x6c: {  	v15 =	vld.idx.msk [tilespmem:v15+s5+$0x0], $0xffff;
	v21 =	vsub.f32 v21, v19;
	v11 =	vmul.f32 v4, v4;
	v22 =	vmul.f32 v7, v7  }
0x6d: {  	v12 =	vsub.f32 v12, v19;
	v16 =	vsub.f32 v16, v20;
	v23 =	vmul.f32 v10, v10  }
0x6e: {  	v13 =	vadd.f32 v13, v17;
	v11 =	vadd.f32 v22, v11;
	v17 =	vmul.f32 v8, v8  }
0x6f: {  	v18 =	vsub.f32 v18, v20;
	v9 =	vsub.f32 v9, v14  }
0x70: {  	v19 =	vmul.f32 v16, v16;
	v13 =	vadd.f32 v23, v13;
	v11 =	vadd.f32 v17, v11  }
0x71: {  	v14 =	vsub.f32 v15, v14;
	v15 =	vmul.f32 v18, v18;
	v17 =	vmul.f32 v21, v21  }
0x72: {  	v11 =	vmul.f32 v11, v13;
	v13 =	vmul.f32 v12, v12  }
0x73: {  	v20 =	vmul.f32 v9, v9;
	v17 =	vadd.f32 v19, v17  }
0x74: {  	v11 =	vmax.f32 v11, $1.000000000e-30;
	v13 =	vadd.f32 v15, v13;
	v15 =	vmul.f32 v14, v14  }
0x75: {  	v19 =	vshra.s32 v11, $0x1;
	v11 =	vmul.f32 $5.000000000e-01, v11  }
0x76: {  	v13 =	vadd.f32 v20, v13;
	v15 =	vadd.f32 v15, v17;
	v17 =	vsub.s32 $0x5F3759DF, v19  }
0x77: {  	s20 =	simm.s32 $0x20;
	v19 =	vmul.f32 v17, v11  }
0x78: {  	v13 =	vmul.f32 v15, v13;
	v15 =	vmov s20  }
0x79: {  	v4 =	vmul.f32 v4, v5;
	v15 =	vshll.u32 v15, $0x3;
	v19 =	vmul.f32 v17, v19  }
0x7a: {  	v6 =	vmul.f32 v7, v6;
	v8 =	vmul.f32 v8, v10;
	v20 =	vor.u32 v0, v15  }
0x7b: {  	v13 =	vmax.f32 v13, $1.000000000e-30;
	v24 =	vadd.s32 v2, v15;
	v19 =	vsub.f32 $1.500000000e+00, v19  }
0x7c: {  	v4 =	vadd.f32 v6, v4;
	v10 =	vadd.s32 v1, v15;
	v22 =	vshra.s32 v13, $0x1  }
0x7d: {  	v13 =	vmul.f32 $5.000000000e-01, v13;
	v23 =	vor.u32 $0x1, v20;
	v17 =	vmul.f32 v17, v19  }
0x7e: {  	v26 =	vor.u32 $0x1, v24;
	v7 =	vor.u32 $0x1, v10;
	v22 =	vsub.s32 $0x5F3759DF, v22  }
0x7f: {  	v25 =	vmul.f32 v22, v13;
	v5 =	vmul.f32 v17, v11;
	v11 =	vor.u32 $0x2, v20;
	v20 =	vld.idx.msk [tilespmem:v20+s5+$0x0], $0xffff  }
0x80: {  	v19 =	vor.u32 $0x2, v24;
	v24 =	vld.idx.msk [tilespmem:v24+s5+$0x0], $0xffff  }
0x81: {  	v4 =	vadd.f32 v8, v4;
	v25 =	vmul.f32 v22, v25;
	v8 =	vld.idx.msk [tilespmem:v10+s5+$0x0], $0xffff  }
0x82: {  	v16 =	vmul.f32 v16, v18;
	v12 =	vmul.f32 v21, v12;
	v23 =	vld.idx.msk [tilespmem:v23+s5+$0x0], $0xffff  }
0x83: {  	v6 =	vld.idx.msk [tilespmem:v26+s5+$0x0], $0xffff;
	v15 =	vsub.f32 $1.500000000e+00, v25  }
0x84: {  	s24 =	simm.s32 $0x30;
	v9 =	vmul.f32 v14, v9;
	v12 =	vadd.f32 v16, v12;
	v7 =	vld.idx.msk [tilespmem:v7+s5+$0x0], $0xffff;
	v5 =	vmul.f32 v5, v17  }
0x85: {  	v50 =	vor.u32 $0x2, v10;
	v15 =	vmul.f32 v22, v15;
	v22 =	vmov s24  }
0x86: {  	v9 =	vadd.f32 v9, v12;
	v5 =	vsub.f32 $1.500000000e+00, v5;
	v22 =	vshll.u32 v22, $0x3  }
0x87: {  	v20 =	vsub.f32 v20, v24;
	v8 =	vsub.f32 v8, v24;
	v18 =	vadd.s32 v2, v22  }
0x88: {  	v19 =	vld.idx.msk [tilespmem:v19+s5+$0x0], $0xffff;
	v13 =	vmul.f32 v15, v13;
	v5 =	vmul.f32 v5, v17;
	v10 =	vadd.s32 v1, v22  }
0x89: {  	v11 =	vld.idx.msk [tilespmem:v11+s5+$0x0], $0xffff;
	v17 =	vor.u32 v0, v22;
	v23 =	vsub.f32 v23, v6;
	v6 =	vsub.f32 v7, v6  }
0x8a: {  	v14 =	vor.u32 $0x2, v17;
	v16 =	vor.u32 $0x1, v17;
	v4 =	vmul.f32 v5, v4;
	v5 =	vld.idx.msk [tilespmem:v50+s5+$0x0], $0xffff  }
0x8b: {  	v22 =	vor.u32 $0x2, v18;
	v24 =	vmul.f32 v8, v8;
	v13 =	vmul.f32 v13, v15  }
0x8c: {  	v52 =	vor.u32 $0x1, v10;
	v8 =	vmul.f32 v8, v20;
	v7 =	vmul.f32 v23, v23;
	v21 =	vld.idx.msk [tilespmem:v18+s5+$0x0], $0xffff  }
0x8d: {  	v27 =	vmul.f32 v6, v6;
	v6 =	vmul.f32 v6, v23;
	v13 =	vsub.f32 $1.500000000e+00, v13;
	v51 =	vld.idx.msk [tilespmem:v10+s5+$0x0], $0xffff  }
0x8e: {  	v4 =	vmax.f32 v4, $-1.000000000e+00;
	v11 =	vsub.f32 v11, v19;
	v18 =	vor.u32 $0x1, v18;
	v17 =	vld.idx.msk [tilespmem:v17+s5+$0x0], $0xffff  }
0x8f: {  	v10 =	vor.u32 $0x2, v10;
	v14 =	vld.idx.msk [tilespmem:v14+s5+$0x0], $0xffff;
	v5 =	vsub.f32 v5, v19;
	v19 =	vmul.f32 v20, v20  }
0x90: {  	v6 =	vadd.f32 v6, v8;
	v29 =	vmin.f32 v4, $1.000000000e+00;
	v16 =	vld.idx.msk [tilespmem:v16+s5+$0x0], $0xffff;
	v28 =	vmul.f32 v11, v11  }
0x91: {  	v12 =	vmul.f32 v13, v15;
	v15 =	vld.idx.msk [tilespmem:v52+s5+$0x0], $0xffff;
	v4 =	vadd.f32 v7, v19;
	v19 =	vand.u32 $0x7FFFFFFF, v29  }
0x92: {  	v7 =	vld.idx.msk [tilespmem:v22+s5+$0x0], $0xffff;
	v22 =	vadd.f32 v27, v24;
	v53 =	vmul.f32 v5, v5;
	v5 =	vmul.f32 v5, v11  }
0x93: {  	v18 =	vld.idx.msk [tilespmem:v18+s5+$0x0], $0xffff;
	v13 =	vmul.f32 $1.872929930e-02, v19;
	v11 =	vsub.f32 v51, v21;
	v4 =	vadd.f32 v28, v4  }
0x94: {  	vm0 =	vlt.f32 v29, $0.0e+00;
	v10 =	vld.idx.msk [tilespmem:v10+s5+$0x0], $0xffff;
	v20 =	vadd.f32 v53, v22;
	v22 =	vsub.f32 $1.000000000e+00, v19  }
0x95: {  	v9 =	vmul.f32 v12, v9;
	v17 =	vsub.f32 v17, v21;
	v13 =	vsub.f32 $7.426100220e-02, v13  }
0x96: {  	v4 =	vmul.f32 v20, v4;
	v20 =	vmul.f32 v11, v11;
	v21 =	vmax.f32 v22, $1.000000000e-30  }
0x97: {  	v11 =	vmul.f32 v11, v17;
	v14 =	vsub.f32 v14, v7;
	v13 =	vmul.f32 v13, v19  }
0x98: {  	v16 =	vsub.f32 v16, v18;
	v4 =	vmax.f32 v4, $1.000000000e-30;
	v15 =	vsub.f32 v15, v18  }
0x99: {  	v18 =	vmul.f32 v17, v17;
	v7 =	vsub.f32 v10, v7;
	v10 =	vmul.f32 $5.000000000e-01, v21  }
0x9a: {  	v55 =	vmul.f32 v14, v14;
	v56 =	vshra.s32 v4, $0x1;
	v58 =	vmul.f32 $5.000000000e-01, v4  }
0x9b: {  	v54 =	vmul.f32 v16, v16;
	v57 =	vmul.f32 v15, v15;
	v59 =	vsub.s32 $0x5F3759DF, v56  }
0x9c: {  	v12 =	vadd.f32 $-2.121143940e-01, v13;
	v15 =	vmul.f32 v15, v16;
	v16 =	vmul.f32 v59, v58  }
0x9d: {  	v4 =	vadd.f32 v54, v18;
	v18 =	vmul.f32 v7, v7;
	v20 =	vadd.f32 v57, v20  }
0x9e: {  	v7 =	vmul.f32 v7, v14;
	v11 =	vadd.f32 v15, v11;
	v16 =	vmul.f32 v59, v16  }
0x9f: {  	s25 =	simm.s32 $0x40;
	v14 =	vshra.s32 v21, $0x1;
	v4 =	vadd.f32 v55, v4;
	v17 =	vadd.f32 v18, v20  }
0xa0: {  	v14 =	vsub.s32 $0x5F3759DF, v14;
	v13 =	vsub.f32 $1.500000000e+00, v16;
	v16 =	vmov s25  }
0xa1: {  	v15 =	vmul.f32 v17, v4;
	v4 =	vadd.f32 v7, v11;
	v7 =	vmax.f32 v9, $-1.000000000e+00  }
0xa2: {  	v9 =	vmul.f32 v14, v10;
	v16 =	vshll.u32 v16, $0x3;
	v7 =	vmin.f32 v7, $1.000000000e+00  }
0xa3: {  	v11 =	vmul.f32 v59, v13;
	v18 =	vor.u32 v0, v16;
	v20 =	vadd.s32 v2, v16  }
0xa4: {  	v13 =	vmax.f32 v15, $1.000000000e-30;
	v9 =	vmul.f32 v14, v9;
	v23 =	vor.u32 $0x1, v18  }
0xa5: {  	s26 =	simm.s32 $0x50;
	v61 =	vor.u32 $0x2, v20;
	v63 =	vand.u32 $0x7FFFFFFF, v7;
	vm1 =	vlt.f32 v7, $0.0e+00  }
0xa6: {  	v7 =	vmov s26;
	v15 =	vshra.s32 v13, $0x1;
	v13 =	vmul.f32 $5.000000000e-01, v13  }
0xa7: {  	v17 =	vmul.f32 v11, v58;
	v7 =	vshll.u32 v7, $0x3;
	v15 =	vsub.s32 $0x5F3759DF, v15  }
0xa8: {  	v9 =	vsub.f32 $1.500000000e+00, v9;
	v37 =	vor.u32 v0, v7;
	v21 =	vmul.f32 v15, v13  }
0xa9: {  	v38 =	vadd.s32 v2, v7;
	v17 =	vmul.f32 v17, v11;
	v39 =	vor.u32 $0x1, v37  }
0xaa: {  	v32 =	vor.u32 $0x1, v38;
	v9 =	vmul.f32 v14, v9;
	v21 =	vmul.f32 v15, v21  }
0xab: {  	v16 =	vadd.s32 v1, v16;
	v14 =	vor.u32 $0x2, v18;
	v18 =	vld.idx.msk [tilespmem:v18+s5+$0x0], $0xffff;
	v17 =	vsub.f32 $1.500000000e+00, v17  }
0xac: {  	v62 =	vor.u32 $0x2, v16;
	v23 =	vld.idx.msk [tilespmem:v23+s5+$0x0], $0xffff;
	v10 =	vmul.f32 v9, v10;
	v21 =	vsub.f32 $1.500000000e+00, v21  }
0xad: {  	v5 =	vadd.f32 v5, v6;
	v60 =	vor.u32 $0x1, v20;
	v11 =	vmul.f32 v17, v11;
	v17 =	vld.idx.msk [tilespmem:v61+s5+$0x0], $0xffff  }
0xae: {  	v10 =	vmul.f32 v10, v9;
	v29 =	vld.idx.msk [tilespmem:v39+s5+$0x0], $0xffff;
	v15 =	vmul.f32 v15, v21;
	v21 =	vsub.f32 $1.000000000e+00, v63  }
0xaf: {  	v12 =	vmul.f32 v12, v19;
	v19 =	vor.u32 $0x1, v16;
	v30 =	vor.u32 $0x2, v37;
	v48 =	vld.idx.msk [tilespmem:v32+s5+$0x0], $0xffff  }
0xb0: {  	v33 =	vor.u32 $0x2, v38;
	v14 =	vld.idx.msk [tilespmem:v14+s5+$0x0], $0xffff;
	v8 =	vsub.f32 $1.500000000e+00, v10;
	v36 =	vmax.f32 v21, $1.000000000e-30  }
0xb1: {  	v26 =	vld.idx.msk [tilespmem:v62+s5+$0x0], $0xffff;
	v10 =	vmul.f32 $1.872929930e-02, v63;
	v13 =	vmul.f32 v15, v13;
	v6 =	vshra.s32 v36, $0x1  }
0xb2: {  	v28 =	vmul.f32 $5.000000000e-01, v36;
	v8 =	vmul.f32 v8, v9;
	v9 =	vadd.f32 $1.570728780e+00, v12;
	v12 =	vld.idx.msk [tilespmem:v20+s5+$0x0], $0xffff  }
0xb3: {  	v10 =	vsub.f32 $7.426100220e-02, v10;
	v20 =	vld.idx.msk [tilespmem:v60+s5+$0x0], $0xffff;
	v13 =	vmul.f32 v13, v15;
	v6 =	vsub.s32 $0x5F3759DF, v6  }
0xb4: {  	v5 =	vmul.f32 v11, v5;
	v51 =	vsub.f32 v29, v48;
	v11 =	vmul.f32 v6, v28  }
0xb5: {  	v10 =	vmul.f32 v10, v63;
	v14 =	vsub.f32 v14, v17;
	v13 =	vsub.f32 $1.500000000e+00, v13  }
0xb6: {  	v8 =	vmul.f32 v8, v22;
	v17 =	vsub.f32 v26, v17;
	v56 =	vmul.f32 v51, v51  }
0xb7: {  	v19 =	vld.idx.msk [tilespmem:v19+s5+$0x0], $0xffff;
	v11 =	vmul.f32 v6, v11;
	v10 =	vadd.f32 $-2.121143940e-01, v10;
	v13 =	vmul.f32 v13, v15  }
0xb8: {  	v15 =	vld.idx.msk [tilespmem:v16+s5+$0x0], $0xffff;
	v16 =	vsub.f32 v18, v12;
	v18 =	vadd.s32 v1, v7;
	v7 =	vsub.f32 v23, v20  }
0xb9: {  	v46 =	vmul.f32 v17, v17;
	v11 =	vsub.f32 $1.500000000e+00, v11;
	v27 =	vmul.f32 v10, v63  }
0xba: {  	v5 =	vmax.f32 v5, $-1.000000000e+00;
	v10 =	vmul.f32 v7, v7;
	v40 =	vmul.f32 v16, v16  }
0xbb: {  	v23 =	vor.u32 $0x1, v18;
	v13 =	vmul.f32 v13, v4;
	v31 =	vmul.f32 v6, v11  }
0xbc: {  	v22 =	vld.idx.msk [tilespmem:v38+s5+$0x0], $0xffff;
	v11 =	vsub.f32 v19, v20;
	v19 =	vmul.f32 v8, v9;
	v25 =	vadd.f32 v10, v40  }
0xbd: {  	v20 =	vld.idx.msk [tilespmem:v37+s5+$0x0], $0xffff;
	v13 =	vmax.f32 v13, $-1.000000000e+00;
	v6 =	vmul.f32 v31, v28;
	v12 =	vsub.f32 v15, v12  }
0xbe: {  	v15 =	vmul.f32 v14, v14;
	v42 =	vld.idx.msk [tilespmem:v18+s5+$0x0], $0xffff;
	v18 =	vor.u32 $0x2, v18;
	v44 =	vmul.f32 v11, v11  }
0xbf: {  	v50 =	vsub.f32 $3.141592740e+00, v19;
	v41 =	vmul.f32 v6, v31;
	v6 =	vmin.f32 v5, $1.000000000e+00  }
0xc0: {  	v5 =	vmul.f32 v12, v12;
	v8 =	vmul.f32 v12, v16;
	v16 =	vadd.f32 $1.570728780e+00, v27  }
0xc1: {  	v43 =	vld.idx.msk [tilespmem:v30+s5+$0x0], $0xffff;
	v19 =	vsel vm0, v50, v19;
	v10 =	vand.u32 $0x7FFFFFFF, v6;
	v9 =	vsub.f32 $1.500000000e+00, v41  }
0xc2: {  	v45 =	vld.idx.msk [tilespmem:v33+s5+$0x0], $0xffff;
	v20 =	vsub.f32 v20, v22;
	v12 =	vmul.f32 $1.872929930e-02, v10;
	v5 =	vadd.f32 v44, v5  }
0xc3: {  	v18 =	vld.idx.msk [tilespmem:v18+s5+$0x0], $0xffff;
	v47 =	vmul.f32 v9, v31;
	v9 =	vmul.f32 v17, v14;
	v14 =	vadd.f32 v15, v25  }
0xc4: {  	v53 =	vmul.f32 v20, v20;
	v17 =	vsub.f32 v42, v22;
	v15 =	vld.idx.msk [tilespmem:v23+s5+$0x0], $0xffff;
	v23 =	vadd.f32 v46, v5  }
0xc5: {  	v12 =	vsub.f32 $7.426100220e-02, v12;
	v5 =	vsub.f32 $1.000000000e+00, v10;
	v21 =	vmul.f32 v47, v21  }
0xc6: {  	s28 =	simm.s32 $0x16C20;
	v27 =	vadd.f32 v56, v53;
	v49 =	vmul.f32 v17, v17;
	v14 =	vmul.f32 v23, v14  }
0xc7: {  	v22 =	vmax.f32 v5, $1.000000000e-30;
	v23 =	vmul.f32 v12, v10;
	v12 =	vld [tilespmem:s28+$0xFFFFFFF0];
	v17 =	vmul.f32 v17, v20  }
0xc8: {  	v55 =	vld [tilespmem:s28+$0x0];
	v16 =	vmul.f32 v21, v16;
	v21 =	vsub.f32 v43, v45;
	v14 =	vmax.f32 v14, $1.000000000e-30  }
0xc9: {  	v18 =	vsub.f32 v18, v45;
	v52 =	vsub.f32 v15, v48;
	v15 =	vmul.f32 $5.000000000e-01, v22  }
0xca: {  	s29 =	simm.s32 $0x16F40;
	v57 =	vshra.s32 v14, $0x1;
	v54 =	vsub.f32 $3.141592740e+00, v16;
	v58 =	vmul.f32 v21, v21  }
0xcb: {  	v61 =	vld [tilespmem:s29+$0xFFFFFFF0];
	v59 =	vmul.f32 v18, v18;
	v18 =	vmul.f32 v18, v21;
	v62 =	vsub.s32 $0x5F3759DF, v57  }
0xcc: {  	v21 =	vld [tilespmem:s29+$0x0];
	v60 =	vsub.f32 v19, v12;
	v24 =	vmul.f32 v52, v51;
	v16 =	vsel vm1, v54, v16  }
0xcd: {  	v26 =	vmul.f32 v52, v52;
	v19 =	vmul.f32 $5.000000000e-01, v14;
	v16 =	vsub.f32 v16, v55  }
0xce: {  	v12 =	vshra.s32 v22, $0x1;
	v22 =	vadd.f32 v58, v27;
	v14 =	vmul.f32 v60, v60  }
0xcf: {  	v20 =	vmul.f32 v62, v19;
	v25 =	vadd.f32 v26, v49;
	v16 =	vmul.f32 v16, v16  }
0xd0: {  	v12 =	vsub.s32 $0x5F3759DF, v12;
	v17 =	vadd.f32 v24, v17;
	v14 =	vmul.f32 v14, v61  }
0xd1: {  	v63 =	vadd.f32 v59, v25;
	v21 =	vmul.f32 v16, v21;
	v16 =	vmul.f32 v62, v20  }
0xd2: {  	v4 =	vadd.f32 v18, v17;
	v20 =	vadd.f32 $-2.121143940e-01, v23;
	v17 =	vmul.f32 $5.000000000e-01, v14  }
0xd3: {  	v22 =	vmul.f32 v63, v22;
	v23 =	vmul.f32 v12, v15;
	v18 =	vsub.f32 $1.500000000e+00, v16  }
0xd4: {  	s12 =	simm.s32 $0x16C40;
	s11 =	simm.s32 $0x16F80;
	v14 =	vmin.f32 v13, $1.000000000e+00;
	v16 =	vadd.f32 v17, v3;
	v17 =	vmul.f32 $5.000000000e-01, v21  }
0xd5: {  	s20 =	simm.s32 $0x16F60;
	s24 =	simm.s32 $0x16C40;
	s25 =	simm.s32 $0x70;
	v21 =	vmax.f32 v22, $1.000000000e-30;
	v13 =	vmul.f32 v12, v23;
	v18 =	vmul.f32 v62, v18  }
.LBB2_3:
0xd6: {  	s29 =	sadd.s32 $0xFFFFFFF0, s25  }
0xd7: {  	v7 =	vmul.f32 v11, v7;
	v11 =	vshra.s32 v21, $0x1;
	s12 =	sadd.s32 $0x20, s12;
	v3 =	vadd.f32 v17, v16;
	s26 =	smov.u32 s25;
	s28 =	sadd.s32 $0x20, s25  }
0xd8: {  	p1 =	sne.s32 s25, $0x310;
	v16 =	vmov s29;
	v17 =	vmul.f32 v18, v19;
	v19 =	vmul.f32 $5.000000000e-01, v21  }
0xd9: {  	v11 =	vsub.s32 $0x5F3759DF, v11;
	v13 =	vsub.f32 $1.500000000e+00, v13;
	v16 =	vshll.u32 v16, $0x3  }
0xda: {  	v21 =	vor.u32 v0, v16;
	v22 =	vadd.s32 v2, v16;
	v23 =	vmul.f32 v11, v19  }
0xdb: {  	v12 =	vmul.f32 v12, v13;
	v24 =	vor.u32 $0x1, v21;
	v25 =	vor.u32 $0x1, v22  }
0xdc: {  	v13 =	vor.u32 $0x2, v21;
	v26 =	vor.u32 $0x2, v22;
	v23 =	vmul.f32 v11, v23  }
0xdd: {  	v10 =	vmul.f32 v20, v10;
	v16 =	vadd.s32 v1, v16;
	v15 =	vmul.f32 v12, v15  }
0xde: {  	v20 =	vor.u32 $0x1, v16;
	v27 =	vor.u32 $0x2, v16;
	v23 =	vsub.f32 $1.500000000e+00, v23  }
0xdf: {  	vm0 =	vlt.f32 v6, $0.0e+00;
	v6 =	vand.u32 $0x7FFFFFFF, v14;
	v15 =	vmul.f32 v15, v12  }
0xe0: {  	v17 =	vmul.f32 v17, v18;
	v24 =	vld.idx.msk [tilespmem:v24+s5+$0x0], $0xffff;
	v11 =	vmul.f32 v11, v23;
	v23 =	vsub.f32 $1.000000000e+00, v6  }
0xe1: {  	v7 =	vadd.f32 v7, v8;
	v8 =	vsub.f32 $1.500000000e+00, v15;
	v15 =	vmul.f32 $1.872929930e-02, v6  }
0xe2: {  	v17 =	vsub.f32 $1.500000000e+00, v17;
	v21 =	vld.idx.msk [tilespmem:v21+s5+$0x0], $0xffff;
	v19 =	vmul.f32 v11, v19;
	v28 =	vmax.f32 v23, $1.000000000e-30  }
0xe3: {  	v7 =	vadd.f32 v9, v7;
	v9 =	vshra.s32 v28, $0x1;
	v28 =	vmul.f32 $5.000000000e-01, v28  }
0xe4: {  	v10 =	vadd.f32 $1.570728780e+00, v10;
	v17 =	vmul.f32 v17, v18;
	v8 =	vmul.f32 v8, v12;
	v22 =	vld.idx.msk [tilespmem:v22+s5+$0x0], $0xffff  }
0xe5: {  	v15 =	vsub.f32 $7.426100220e-02, v15;
	v18 =	vmul.f32 v19, v11;
	v9 =	vsub.s32 $0x5F3759DF, v9;
	v12 =	vld.idx.msk [tilespmem:v26+s5+$0x0], $0xffff  }
0xe6: {  	vm1 =	vlt.f32 v14, $0.0e+00;
	v7 =	vmul.f32 v17, v7;
	v17 =	vmul.f32 v9, v28;
	v19 =	vld.idx.msk [tilespmem:v25+s5+$0x0], $0xffff  }
0xe7: {  	v14 =	vmov s26;
	v15 =	vmul.f32 v15, v6;
	v18 =	vsub.f32 $1.500000000e+00, v18;
	v13 =	vld.idx.msk [tilespmem:v13+s5+$0x0], $0xffff  }
0xe8: {  	v14 =	vshll.u32 v14, $0x3;
	v25 =	vmax.f32 v7, $-1.000000000e+00;
	v7 =	vmul.f32 v9, v17  }
0xe9: {  	v26 =	vadd.s32 v2, v14;
	v17 =	vor.u32 v0, v14;
	v18 =	vmul.f32 v18, v11;
	v16 =	vld.idx.msk [tilespmem:v16+s5+$0x0], $0xffff  }
0xea: {  	v14 =	vadd.s32 v1, v14;
	v21 =	vsub.f32 v21, v22;
	v11 =	vld.idx.msk [tilespmem:v27+s5+$0x0], $0xffff;
	v27 =	vsub.f32 $1.500000000e+00, v7  }
0xeb: {  	v15 =	vadd.f32 $-2.121143940e-01, v15;
	v29 =	vor.u32 $0x1, v17;
	v30 =	vor.u32 $0x2, v17;
	v20 =	vld.idx.msk [tilespmem:v20+s5+$0x0], $0xffff  }
0xec: {  	v7 =	vsub.f32 v24, v19;
	v24 =	vor.u32 $0x1, v14;
	v9 =	vmul.f32 v9, v27  }
0xed: {  	v15 =	vmul.f32 v15, v6;
	v13 =	vsub.f32 v13, v12;
	v27 =	vor.u32 $0x1, v26  }
0xee: {  	v31 =	vmul.f32 v7, v7;
	v32 =	vld.idx.msk [tilespmem:v26+s5+$0x0], $0xffff;
	v26 =	vor.u32 $0x2, v26;
	v6 =	vmul.f32 v9, v28  }
0xef: {  	v5 =	vmul.f32 v8, v5;
	v16 =	vsub.f32 v16, v22;
	v22 =	vmul.f32 v13, v13;
	v28 =	vld.idx.msk [tilespmem:v14+s5+$0x0], $0xffff  }
0xf0: {  	v8 =	vmul.f32 v21, v21;
	v12 =	vsub.f32 v11, v12;
	v17 =	vld.idx.msk [tilespmem:v17+s5+$0x0], $0xffff;
	v33 =	vmul.f32 v6, v9  }
0xf1: {  	v11 =	vsub.f32 v20, v19;
	v6 =	vmin.f32 v25, $1.000000000e+00;
	v20 =	vmul.f32 v5, v10;
	v19 =	vld.idx.msk [tilespmem:v24+s5+$0x0], $0xffff  }
0xf2: {  	v14 =	vor.u32 $0x2, v14;
	v5 =	vmul.f32 v16, v16;
	v24 =	vld.idx.msk [tilespmem:v30+s5+$0x0], $0xffff;
	v25 =	vsub.f32 $1.500000000e+00, v33  }
0xf3: {  	v10 =	vand.u32 $0x7FFFFFFF, v6;
	v30 =	vadd.f32 v31, v8;
	v31 =	vmul.f32 v11, v11;
	v29 =	vld.idx.msk [tilespmem:v29+s5+$0x0], $0xffff  }
0xf4: {  	v15 =	vadd.f32 $1.570728780e+00, v15;
	v8 =	vmul.f32 v16, v21;
	v21 =	vmul.f32 $1.872929930e-02, v10;
	v16 =	vld.idx.msk [tilespmem:v26+s5+$0x0], $0xffff  }
0xf5: {  	v5 =	vadd.f32 v31, v5;
	v26 =	vmul.f32 v12, v12;
	v25 =	vmul.f32 v25, v9;
	v27 =	vld.idx.msk [tilespmem:v27+s5+$0x0], $0xffff  }
0xf6: {  	v9 =	vmul.f32 v12, v13;
	v12 =	vadd.f32 v22, v30;
	v13 =	vsub.f32 v28, v32  }
0xf7: {  	v21 =	vsub.f32 $7.426100220e-02, v21;
	v22 =	vadd.f32 v26, v5;
	v23 =	vmul.f32 v25, v23;
	v14 =	vld.idx.msk [tilespmem:v14+s5+$0x0], $0xffff  }
0xf8: {  	v25 =	vmul.f32 v13, v13;
	v5 =	vsub.f32 $1.000000000e+00, v10;
	v26 =	vsub.f32 $3.141592740e+00, v20  }
0xf9: {  	v17 =	vsub.f32 v17, v32;
	v12 =	vmul.f32 v22, v12;
	v22 =	vmul.f32 v23, v15  }
0xfa: {  	v21 =	vmul.f32 v21, v10;
	v23 =	vsub.f32 v24, v16;
	v24 =	vmax.f32 v5, $1.000000000e-30;
	v28 =	vld [tilespmem:s24+$0xFFFFFFF0]  }
0xfb: {  	v20 =	vsel vm0, v26, v20;
	v12 =	vmax.f32 v12, $1.000000000e-30;
	v29 =	vsub.f32 v29, v27  }
0xfc: {  	v26 =	vmul.f32 v17, v17;
	v19 =	vsub.f32 v19, v27;
	v27 =	vsub.f32 $3.141592740e+00, v22;
	v30 =	vld [tilespmem:s24+$0x0];
	s24 =	smov.u32 s12  }
0xfd: {  	v15 =	vmul.f32 $5.000000000e-01, v24;
	v14 =	vsub.f32 v14, v16;
	v16 =	vmul.f32 v29, v29  }
0xfe: {  	v31 =	vshra.s32 v12, $0x1;
	v32 =	vmul.f32 v23, v23;
	v22 =	vsel vm1, v27, v22  }
0xff: {  	v16 =	vadd.f32 v16, v26;
	v26 =	vmul.f32 v14, v14;
	v20 =	vsub.f32 v20, v28;
	v27 =	vld [tilespmem:s20+$0xFFFFFFF0]  }
0x100: {  	v14 =	vmul.f32 v14, v23;
	v23 =	vshra.s32 v24, $0x1;
	v28 =	vmul.f32 v19, v29;
	v24 =	vld [tilespmem:s20+$0x0];
	s20 =	smov.u32 s11  }
0x101: {  	v29 =	vmul.f32 v19, v19;
	v16 =	vadd.f32 v32, v16;
	v22 =	vsub.f32 v22, v30  }
0x102: {  	v19 =	vmul.f32 $5.000000000e-01, v12;
	v12 =	vsub.s32 $0x5F3759DF, v23;
	v20 =	vmul.f32 v20, v20  }
0x103: {  	v13 =	vmul.f32 v13, v17;
	v23 =	vsub.s32 $0x5F3759DF, v31;
	v17 =	vmul.f32 v22, v22  }
0x104: {  	v25 =	vadd.f32 v29, v25;
	v22 =	vmul.f32 v23, v19;
	v27 =	vmul.f32 v20, v27  }
0x105: {  	v18 =	vmul.f32 v18, v4;
	v13 =	vadd.f32 v28, v13;
	v17 =	vmul.f32 v17, v24  }
.Ltmp0:
0x106: {  	v20 =	vadd.f32 $-2.121143940e-01, v21;
	v22 =	vmul.f32 v23, v22;
	v24 =	vadd.f32 v26, v25;
	(pc) =	sbr.rel @p1 .LBB2_3-.Ltmp0, $4  }
0x107: {  	v4 =	vadd.f32 v14, v13;
	v13 =	vmax.f32 v18, $-1.000000000e+00;
	v18 =	vmul.f32 $5.000000000e-01, v27  }
0x108: {  	v21 =	vsub.f32 $1.500000000e+00, v22;
	v22 =	vmul.f32 v24, v16;
	v24 =	vmul.f32 v12, v15  }
0x109: {  	v14 =	vmin.f32 v13, $1.000000000e+00;
	v17 =	vmul.f32 $5.000000000e-01, v17;
	v16 =	vadd.f32 v18, v3  }
0x10a: {  	s25 =	smov.u32 s28;
	s11 =	sadd.s32 $0x20, s11;
	v18 =	vmul.f32 v23, v21;
	v21 =	vmax.f32 v22, $1.000000000e-30;
	v13 =	vmul.f32 v12, v24  }
0x10b: {  	v22 =	vand.u32 $0x7FFFFFFF, v14  }
0x10c: {  	v23 =	vsub.f32 $1.000000000e+00, v22;
	_ =	sdelay $0x1  }
0x10d: {  	v3 =	vmax.f32 v23, $1.000000000e-30  }
0x10e: {  	v26 =	vld [tilespmem:s24+$0xFFFFFFF0];
	v29 =	vshra.s32 v21, $0x1;
	v24 =	vshra.s32 v3, $0x1;
	v25 =	vmul.f32 $5.000000000e-01, v3  }
0x10f: {  	v27 =	vld [tilespmem:s24+$0x0];
	v21 =	vmul.f32 $5.000000000e-01, v21;
	v11 =	vmul.f32 v11, v7;
	v24 =	vsub.s32 $0x5F3759DF, v24  }
0x110: {  	v28 =	vld [tilespmem:s20+$0xFFFFFFF0];
	v10 =	vmul.f32 v20, v10;
	v3 =	vmul.f32 v24, v25  }
0x111: {  	v31 =	vld [tilespmem:s20+$0x0];
	v30 =	vsub.f32 $1.500000000e+00, v13;
	v29 =	vsub.s32 $0x5F3759DF, v29;
	v19 =	vmul.f32 v18, v19  }
0x112: {  	s12 =	sadd.s32 $0x20, s12;
	v7 =	vld [tilespmem:s11+$0xFFFFFFF0];
	v32 =	vmul.f32 v29, v21;
	v3 =	vmul.f32 v24, v3  }
0x113: {  	vm0 =	vlt.f32 v6, $0.0e+00;
	v13 =	vld [tilespmem:s12+$0xFFFFFFF0];
	v30 =	vmul.f32 v12, v30;
	v19 =	vmul.f32 v19, v18  }
0x114: {  	v62 =	vmul.f32 $1.872929930e-02, v22;
	v12 =	vld [tilespmem:s12+$0x0];
	v32 =	vmul.f32 v29, v32;
	v33 =	vsub.f32 $1.500000000e+00, v3  }
0x115: {  	v8 =	vadd.f32 v11, v8;
	v15 =	vmul.f32 v30, v15;
	v11 =	vsub.f32 $1.500000000e+00, v19;
	v3 =	vld [tilespmem:s11+$0x0];
	_ =	swait.ge [sflag:s30], $0x320  }
0x116: {  	v63 =	vsub.f32 $7.426100220e-02, v62;
	v20 =	vsub.f32 $1.500000000e+00, v32;
	[sflag:s30] =	ssyncset.done $0x0;
	v24 =	vmul.f32 v24, v33  }
0x117: {  	v8 =	vadd.f32 v9, v8;
	v15 =	vmul.f32 v15, v30;
	v9 =	vmul.f32 v11, v18;
	[sflag:s30] =	ssyncadd.s32 $0xFFFFFCE0  }
0x118: {  	vm1 =	vlt.f32 v14, $0.0e+00;
	v20 =	vmul.f32 v29, v20;
	_ =	swait.ge [sflag:s30], $0x320;
	v25 =	vmul.f32 v24, v25  }
0x119: {  	v19 =	vmul.f32 v63, v22;
	v15 =	vsub.f32 $1.500000000e+00, v15;
	v8 =	vmul.f32 v9, v8;
	[sflag:s30] =	ssyncset.done $0x0  }
0x11a: {  	v16 =	vadd.f32 v17, v16;
	v21 =	vmul.f32 v20, v21;
	[sflag:s30] =	ssyncadd.s32 $0xFFFFFCE0;
	v25 =	vmul.f32 v25, v24  }
0x11b: {  	s25 =	sadd.s32 s3, s17;
	v9 =	vadd.f32 $1.570728780e+00, v10;
	v11 =	vmul.f32 v15, v30;
	v15 =	vadd.f32 $-2.121143940e-01, v19;
	_ =	swait.ge [sflag:s30], $0x320  }
0x11c: {  	s28 =	sadd.s32 s4, s17;
	s17 =	simm.s32 $0x0;
	v8 =	vmax.f32 v8, $-1.000000000e+00;
	v19 =	vmul.f32 v21, v20;
	[sflag:s30] =	ssyncset.done $0x0;
	v18 =	vsub.f32 $1.500000000e+00, v25  }
0x11d: {  	v8 =	vmin.f32 v8, $1.000000000e+00;
	v21 =	vmov s17;
	v10 =	vmul.f32 v15, v22;
	[sflag:s30] =	ssyncadd.s32 $0xFFFFFCE0  }
0x11e: {  	v5 =	vmul.f32 v11, v5;
	v21 =	vshll.u32 v21, $0x3;
	[tilespmem:s5], [sflag:$0x3] =	stream.indirect.gather [spmem:s6], $0x8, s23, s31, $0xb8;
	v15 =	vmul.f32 v18, v24;
	[tilespmem:$0x178A0] =	vst v63  }
0x11f: {  	s26 =	simm.s32 $0x16C10;
	vm12 =	vlt.f32 v8, $0.0e+00;
	v10 =	vadd.f32 $1.570728780e+00, v10;
	v18 =	vsub.f32 $1.500000000e+00, v19  }
0x120: {  	v5 =	vmul.f32 v5, v9;
	v9 =	vand.u32 $0x7FFFFFFF, v8;
	[tilespmem:s26], [sflag:$0x5] =	stream.linear.gather [hbm4b:s25+s7], $0x320, $0x38;
	v11 =	vmul.f32 v15, v23;
	[tilespmem:$0x178A0] =	vst v63  }
0x121: {  	s29 =	simm.s32 $0x16F30;
	v6 =	vsub.f32 $1.000000000e+00, v9;
	v15 =	vmul.f32 v18, v20;
	v18 =	vmul.f32 $1.872929930e-02, v9  }
0x122: {  	v23 =	vor.u32 v0, v21;
	[tilespmem:s29], [sflag:$0x5] =	stream.linear.gather [hbm4b:s28+s7], $0x320, $0x38;
	v10 =	vmul.f32 v11, v10;
	v11 =	vsub.f32 $3.141592740e+00, v5;
	[tilespmem:$0x178A0] =	vst v63  }
0x123: {  	v4 =	vmul.f32 v15, v4;
	v15 =	vsub.f32 $7.426100220e-02, v18;
	v18 =	vmax.f32 v6, $1.000000000e-30  }
0x124: {  	_ =	swait.ge [sflag:s15], $0x4B00;
	v14 =	vsub.f32 $3.141592740e+00, v10;
	v5 =	vsel vm0, v11, v5;
	v11 =	vmul.f32 $5.000000000e-01, v18  }
0x125: {  	[sflag:s15] =	ssyncset.done $0x0;
	v4 =	vmax.f32 v4, $-1.000000000e+00;
	v15 =	vmul.f32 v15, v9;
	v5 =	vsub.f32 v5, v26  }
0x126: {  	[sflag:s15] =	ssyncadd.s32 $0xFFFFB500;
	v4 =	vmin.f32 v4, $1.000000000e+00;
	v10 =	vsel vm1, v14, v10;
	v14 =	vshra.s32 v18, $0x1  }
0x127: {  	_ =	swait.ge [sflag:s16], $0x320;
	v18 =	vand.u32 $0x7FFFFFFF, v4;
	v10 =	vsub.f32 v10, v27;
	v14 =	vsub.s32 $0x5F3759DF, v14  }
0x128: {  	[sflag:s16] =	ssyncset.done $0x0;
	v20 =	vsub.f32 $1.000000000e+00, v18;
	v5 =	vmul.f32 v5, v5;
	v19 =	vmul.f32 v14, v11  }
0x129: {  	p1 =	seq.s32 s21, $0x3D;
	v30 =	vor.u32 $0x1, v23;
	v15 =	vadd.f32 $-2.121143940e-01, v15;
	[sflag:s16] =	ssyncadd.s32 $0xFFFFFCE0;
	v10 =	vmul.f32 v10, v10  }
0x12a: {  	s12 =	sadd.s32 @!p1 s22, s19;
	_ =	swait.ge [sflag:s16], $0x320;
	v5 =	vmul.f32 v5, v28;
	v17 =	vmul.f32 v14, v19;
	v19 =	vmax.f32 v20, $1.000000000e-30  }
0x12b: {  	s20 =	simm.s32 @!p1 $0xCCB0;
	s11 =	sshrl.u32 @!p1 s12, $0x3;
	v9 =	vmul.f32 v15, v9;
	[sflag:s16] =	ssyncset.done $0x0;
	v22 =	vshra.s32 v19, $0x1;
	v19 =	vmul.f32 $5.000000000e-01, v19  }
0x12c: {  	s12 =	sadd.s32 @!p1 s0, s11;
	s17 =	simm.s32 @!p1 $0x0;
	[sflag:s16] =	ssyncadd.s32 $0xFFFFFCE0;
	v10 =	vmul.f32 v10, v31;
	v5 =	vmul.f32 $5.000000000e-01, v5;
	v22 =	vsub.s32 $0x5F3759DF, v22  }
0x12d: {  	[tilespmem:s20], [sflag:$0x2] =	stream.linear.gather @!p1 [hbm4b:s12+s17], $0x320, $0x38;
	v31 =	vadd.s32 v2, v21;
	v17 =	vsub.f32 $1.500000000e+00, v17;
	v29 =	vmul.f32 v22, v19;
	[tilespmem:$0x178A0] =	vst v63  }
0x12e: {  	s12 =	sadd.s32 @!p1 s1, s11;
	s20 =	simm.s32 @!p1 $0xCFD0;
	v32 =	vor.u32 $0x1, v31;
	v5 =	vadd.f32 v5, v16;
	v10 =	vmul.f32 $5.000000000e-01, v10  }
0x12f: {  	v33 =	vor.u32 $0x2, v23;
	[tilespmem:s20], [sflag:$0x2] =	stream.linear.gather @!p1 [hbm4b:s12+s17], $0x320, $0x38;
	v14 =	vmul.f32 v14, v17;
	v17 =	vmul.f32 v22, v29;
	[tilespmem:$0x178A0] =	vst v63  }
0x130: {  	v9 =	vadd.f32 $1.570728780e+00, v9;
	s11 =	sadd.s32 @!p1 s2, s11;
	s12 =	simm.s32 @!p1 $0xD2F0;
	v5 =	vadd.f32 v10, v5;
	v10 =	vmul.f32 $1.872929930e-02, v18  }
0x131: {  	vm13 =	vlt.f32 v4, $0.0e+00;
	[tilespmem:s12], [sflag:$0x2] =	stream.linear.gather @!p1 [hbm4b:s11+s17], $0x320, $0x38;
	v11 =	vmul.f32 v14, v11;
	v17 =	vsub.f32 $1.500000000e+00, v17;
	[tilespmem:$0x178A0] =	vst v63  }
0x132: {  	v21 =	vadd.s32 v1, v21;
	v16 =	vor.u32 $0x2, v31;
	s20 =	simm.s32 $0x10;
	v25 =	vld.idx.msk [tilespmem:v30+s10+$0x0], $0xffff;
	v10 =	vsub.f32 $7.426100220e-02, v10  }
0x133: {  	v34 =	vmov s20;
	v15 =	vld.idx.msk [tilespmem:v32+s10+$0x0], $0xffff;
	v11 =	vmul.f32 v11, v14;
	v17 =	vmul.f32 v22, v17  }
0x134: {  	v35 =	vor.u32 $0x1, v21;
	v28 =	vshll.u32 v34, $0x3;
	v24 =	vld.idx.msk [tilespmem:v31+s10+$0x0], $0xffff;
	v10 =	vmul.f32 v10, v18  }
0x135: {  	v22 =	vld.idx.msk [tilespmem:v23+s10+$0x0], $0xffff;
	v23 =	vor.u32 $0x2, v21;
	v11 =	vsub.f32 $1.500000000e+00, v11;
	v19 =	vmul.f32 v17, v19  }
0x136: {  	v36 =	vadd.s32 v2, v28;
	v27 =	vld.idx.msk [tilespmem:v33+s10+$0x0], $0xffff;
	v37 =	vadd.s32 v1, v28;
	v10 =	vadd.f32 $-2.121143940e-01, v10  }
0x137: {  	v38 =	vor.u32 $0x2, v37;
	v16 =	vld.idx.msk [tilespmem:v16+s10+$0x0], $0xffff;
	v8 =	vmul.f32 v11, v14;
	v19 =	vmul.f32 v19, v17  }
0x138: {  	v11 =	vld.idx.msk [tilespmem:v21+s10+$0x0], $0xffff;
	v14 =	vor.u32 v0, v28;
	v25 =	vsub.f32 v25, v15;
	v10 =	vmul.f32 v10, v18  }
0x139: {  	v18 =	vor.u32 $0x1, v14;
	v6 =	vmul.f32 v8, v6;
	v8 =	vld.idx.msk [tilespmem:v35+s10+$0x0], $0xffff;
	v19 =	vsub.f32 $1.500000000e+00, v19  }
0x13a: {  	v28 =	vor.u32 $0x2, v14;
	v21 =	vld.idx.msk [tilespmem:v23+s10+$0x0], $0xffff;
	v23 =	vor.u32 $0x1, v37;
	v22 =	vsub.f32 v22, v24  }
0x13b: {  	v4 =	vmul.f32 v6, v9;
	v6 =	vor.u32 $0x1, v36;
	v9 =	vld.idx.msk [tilespmem:v37+s10+$0x0], $0xffff;
	v17 =	vmul.f32 v19, v17  }
0x13c: {  	v39 =	vmul.f32 v25, v25;
	v10 =	vadd.f32 $1.570728780e+00, v10;
	v40 =	vmul.f32 v22, v22;
	v19 =	vld.idx.msk [tilespmem:v36+s10+$0x0], $0xffff  }
0x13d: {  	v14 =	vld.idx.msk [tilespmem:v14+s10+$0x0], $0xffff;
	v11 =	vsub.f32 v11, v24;
	v42 =	vsub.f32 $3.141592740e+00, v4;
	v17 =	vmul.f32 v17, v20  }
0x13e: {  	v18 =	vld.idx.msk [tilespmem:v18+s10+$0x0], $0xffff;
	v24 =	vadd.f32 v39, v40;
	v20 =	vor.u32 $0x2, v36;
	v8 =	vsub.f32 v8, v15  }
0x13f: {  	v23 =	vld.idx.msk [tilespmem:v23+s10+$0x0], $0xffff;
	v4 =	vsel vm12, v42, v4;
	v10 =	vmul.f32 v17, v10;
	v17 =	vsub.f32 v27, v16  }
0x140: {  	v16 =	vsub.f32 v21, v16;
	v21 =	vmul.f32 v11, v11;
	v41 =	vmul.f32 v8, v8;
	v6 =	vld.idx.msk [tilespmem:v6+s10+$0x0], $0xffff  }
0x141: {  	v26 =	vld.idx.msk [tilespmem:v38+s10+$0x0], $0xffff;
	v4 =	vsub.f32 v4, v13;
	v11 =	vmul.f32 v11, v22;
	v9 =	vsub.f32 v9, v19  }
0x142: {  	v15 =	vld.idx.msk [tilespmem:v28+s10+$0x0], $0xffff;
	v43 =	vmul.f32 v17, v17;
	v21 =	vadd.f32 v41, v21;
	v45 =	vmul.f32 v16, v16  }
0x143: {  	v8 =	vmul.f32 v8, v25;
	v14 =	vsub.f32 v14, v19;
	v44 =	vsub.f32 $3.141592740e+00, v10;
	v20 =	vld.idx.msk [tilespmem:v20+s10+$0x0], $0xffff  }
0x144: {  	v4 =	vmul.f32 v4, v4;
	v24 =	vadd.f32 v43, v24;
	v21 =	vadd.f32 v45, v21  }
0x145: {  	v19 =	vmul.f32 v9, v9;
	v18 =	vsub.f32 v18, v6;
	v6 =	vsub.f32 v23, v6  }
0x146: {  	v10 =	vsel vm13, v44, v10;
	v23 =	vmul.f32 v14, v14;
	v21 =	vmul.f32 v21, v24  }
0x147: {  	v10 =	vsub.f32 v10, v12;
	v46 =	vmul.f32 v18, v18;
	v47 =	vmul.f32 v6, v6  }
0x148: {  	v15 =	vsub.f32 v15, v20;
	v20 =	vsub.f32 v26, v20;
	v13 =	vmax.f32 v21, $1.000000000e-30  }
0x149: {  	v23 =	vadd.f32 v46, v23;
	v12 =	vshra.s32 v13, $0x1;
	v13 =	vmul.f32 $5.000000000e-01, v13  }
0x14a: {  	v19 =	vadd.f32 v47, v19;
	v21 =	vmul.f32 v15, v15;
	v48 =	vmul.f32 v20, v20  }
0x14b: {  	v16 =	vmul.f32 v16, v17;
	v4 =	vmul.f32 v4, v7;
	v7 =	vsub.s32 $0x5F3759DF, v12  }
0x14c: {  	v12 =	vmul.f32 v7, v13;
	v21 =	vadd.f32 v21, v23;
	v19 =	vadd.f32 v48, v19  }
0x14d: {  	s24 =	simm.s32 $0x30;
	v4 =	vmul.f32 $5.000000000e-01, v4;
	v10 =	vmul.f32 v10, v10  }
0x14e: {  	v53 =	vmov s24;
	s22 =	simm.s32 $0x20;
	v12 =	vmul.f32 v7, v12;
	v19 =	vmul.f32 v19, v21  }
0x14f: {  	v4 =	vadd.f32 v4, v5;
	v3 =	vmul.f32 v10, v3;
	v21 =	vmov s22  }
0x150: {  	v10 =	vshll.u32 v21, $0x3;
	v5 =	vsub.f32 $1.500000000e+00, v12;
	v19 =	vmax.f32 v19, $1.000000000e-30  }
0x151: {  	v21 =	vor.u32 v0, v10;
	v23 =	vshra.s32 v19, $0x1;
	v19 =	vmul.f32 $5.000000000e-01, v19  }
0x152: {  	v7 =	vmul.f32 v7, v5;
	v12 =	vsub.s32 $0x5F3759DF, v23;
	v23 =	vadd.s32 v2, v10  }
0x153: {  	v8 =	vadd.f32 v8, v11;
	v3 =	vmul.f32 $5.000000000e-01, v3;
	v10 =	vadd.s32 v1, v10  }
0x154: {  	v49 =	vor.u32 $0x1, v21;
	v50 =	vmul.f32 v12, v19;
	v13 =	vmul.f32 v7, v13  }
0x155: {  	v5 =	vadd.f32 v3, v4;
	v22 =	vor.u32 $0x2, v21;
	v3 =	vor.u32 $0x1, v23  }
0x156: {  	v4 =	vmul.f32 v12, v50;
	v17 =	vld.idx.msk [tilespmem:v21+s10+$0x0], $0xffff;
	v21 =	vor.u32 $0x1, v10;
	v13 =	vmul.f32 v13, v7  }
0x157: {  	v9 =	vmul.f32 v9, v14;
	v6 =	vmul.f32 v6, v18;
	v51 =	vor.u32 $0x2, v23;
	v23 =	vld.idx.msk [tilespmem:v23+s10+$0x0], $0xffff  }
0x158: {  	v52 =	vor.u32 $0x2, v10;
	v4 =	vsub.f32 $1.500000000e+00, v4;
	v11 =	vsub.f32 $1.500000000e+00, v13;
	v10 =	vld.idx.msk [tilespmem:v10+s10+$0x0], $0xffff  }
0x159: {  	v6 =	vadd.f32 v6, v9;
	v15 =	vmul.f32 v20, v15;
	v24 =	vld.idx.msk [tilespmem:v49+s10+$0x0], $0xffff;
	v13 =	vshll.u32 v53, $0x3  }
0x15a: {  	v3 =	vld.idx.msk [tilespmem:v3+s10+$0x0], $0xffff;
	v4 =	vmul.f32 v12, v4;
	v7 =	vmul.f32 v11, v7;
	v11 =	vadd.s32 v1, v13  }
0x15b: {  	v8 =	vadd.f32 v16, v8;
	v6 =	vadd.f32 v15, v6;
	v16 =	vld.idx.msk [tilespmem:v21+s10+$0x0], $0xffff;
	v55 =	vor.u32 $0x1, v11  }
0x15c: {  	v18 =	vmul.f32 v4, v19;
	v19 =	vld.idx.msk [tilespmem:v22+s10+$0x0], $0xffff;
	v22 =	vadd.s32 v2, v13;
	v13 =	vor.u32 v0, v13  }
0x15d: {  	v12 =	vld.idx.msk [tilespmem:v51+s10+$0x0], $0xffff;
	v7 =	vmul.f32 v7, v8;
	v17 =	vsub.f32 v17, v23;
	v10 =	vsub.f32 v10, v23  }
0x15e: {  	v8 =	vld.idx.msk [tilespmem:v52+s10+$0x0], $0xffff;
	v21 =	vor.u32 $0x2, v22;
	v14 =	vmul.f32 v18, v4;
	v18 =	vor.u32 $0x2, v13  }
0x15f: {  	v7 =	vmax.f32 v7, $-1.000000000e+00;
	v24 =	vsub.f32 v24, v3;
	v23 =	vmul.f32 v10, v10  }
0x160: {  	v54 =	vld.idx.msk [tilespmem:v11+s10+$0x0], $0xffff;
	v11 =	vor.u32 $0x2, v11;
	v58 =	vmin.f32 v7, $1.000000000e+00;
	v10 =	vmul.f32 v10, v17  }
0x161: {  	v9 =	vsub.f32 $1.500000000e+00, v14;
	v14 =	vor.u32 $0x1, v13;
	v3 =	vsub.f32 v16, v3;
	v15 =	vld.idx.msk [tilespmem:v55+s10+$0x0], $0xffff  }
0x162: {  	v16 =	vmul.f32 v24, v24;
	v20 =	vld.idx.msk [tilespmem:v22+s10+$0x0], $0xffff;
	v19 =	vsub.f32 v19, v12;
	v22 =	vor.u32 $0x1, v22  }
0x163: {  	v13 =	vld.idx.msk [tilespmem:v13+s10+$0x0], $0xffff;
	v8 =	vsub.f32 v8, v12;
	v12 =	vmul.f32 v17, v17;
	v56 =	vmul.f32 v3, v3  }
0x164: {  	vm14 =	vlt.f32 v58, $0.0e+00;
	v4 =	vmul.f32 v9, v4;
	v3 =	vmul.f32 v3, v24;
	v18 =	vld.idx.msk [tilespmem:v18+s10+$0x0], $0xffff  }
0x165: {  	v57 =	vmul.f32 v19, v19;
	v7 =	vadd.f32 v16, v12;
	v12 =	vld.idx.msk [tilespmem:v21+s10+$0x0], $0xffff;
	v16 =	vand.u32 $0x7FFFFFFF, v58  }
0x166: {  	v21 =	vadd.f32 v56, v23;
	v23 =	vmul.f32 v8, v8;
	v9 =	vmul.f32 $1.872929930e-02, v16;
	v11 =	vld.idx.msk [tilespmem:v11+s10+$0x0], $0xffff  }
0x167: {  	v4 =	vmul.f32 v4, v6;
	v3 =	vadd.f32 v3, v10;
	v14 =	vld.idx.msk [tilespmem:v14+s10+$0x0], $0xffff;
	v7 =	vadd.f32 v57, v7  }
0x168: {  	v8 =	vmul.f32 v8, v19;
	v22 =	vld.idx.msk [tilespmem:v22+s10+$0x0], $0xffff;
	v17 =	vadd.f32 v23, v21;
	v19 =	vsub.f32 v54, v20  }
0x169: {  	v9 =	vsub.f32 $7.426100220e-02, v9;
	v21 =	vsub.f32 $1.000000000e+00, v16;
	v4 =	vmax.f32 v4, $-1.000000000e+00  }
0x16a: {  	v13 =	vsub.f32 v13, v20;
	v3 =	vadd.f32 v8, v3;
	v4 =	vmin.f32 v4, $1.000000000e+00  }
0x16b: {  	v7 =	vmul.f32 v17, v7;
	v17 =	vmul.f32 v19, v19;
	v18 =	vsub.f32 v18, v12  }
0x16c: {  	v20 =	vmax.f32 v21, $1.000000000e-30;
	v9 =	vmul.f32 v9, v16;
	v11 =	vsub.f32 v11, v12  }
0x16d: {  	v12 =	vmul.f32 $5.000000000e-01, v20;
	v14 =	vsub.f32 v14, v22;
	v15 =	vsub.f32 v15, v22  }
0x16e: {  	v34 =	vand.u32 $0x7FFFFFFF, v4;
	v59 =	vmul.f32 v18, v18;
	v22 =	vmul.f32 v13, v13  }
0x16f: {  	v7 =	vmax.f32 v7, $1.000000000e-30;
	v23 =	vmul.f32 v14, v14;
	v61 =	vmul.f32 v15, v15  }
0x170: {  	v6 =	vadd.f32 $-2.121143940e-01, v9;
	v60 =	vshra.s32 v7, $0x1;
	v62 =	vmul.f32 $5.000000000e-01, v7  }
0x171: {  	v7 =	vadd.f32 v23, v22;
	v22 =	vmul.f32 v11, v11;
	v17 =	vadd.f32 v61, v17  }
0x172: {  	v13 =	vmul.f32 v19, v13;
	v14 =	vmul.f32 v15, v14;
	v23 =	vsub.s32 $0x5F3759DF, v60  }
0x173: {  	v15 =	vmul.f32 v23, v62;
	v7 =	vadd.f32 v59, v7;
	v17 =	vadd.f32 v22, v17  }
0x174: {  	v11 =	vmul.f32 v11, v18;
	v18 =	vshra.s32 v20, $0x1;
	v13 =	vadd.f32 v14, v13  }
0x175: {  	v18 =	vsub.s32 $0x5F3759DF, v18;
	v15 =	vmul.f32 v23, v15;
	v14 =	vmul.f32 v17, v7  }
0x176: {  	vm15 =	vlt.f32 v4, $0.0e+00;
	v7 =	vadd.f32 v11, v13;
	v11 =	vmul.f32 v18, v12  }
0x177: {  	v6 =	vmul.f32 v6, v16;
	v9 =	vsub.f32 $1.500000000e+00, v15;
	v13 =	vmax.f32 v14, $1.000000000e-30  }
0x178: {  	s25 =	simm.s32 $0x40;
	v11 =	vmul.f32 v18, v11;
	v14 =	vshra.s32 v13, $0x1;
	v13 =	vmul.f32 $5.000000000e-01, v13  }
0x179: {  	v15 =	vmov s25;
	v9 =	vmul.f32 v23, v9;
	v14 =	vsub.s32 $0x5F3759DF, v14  }
0x17a: {  	v15 =	vshll.u32 v15, $0x3;
	v11 =	vsub.f32 $1.500000000e+00, v11;
	v22 =	vmul.f32 v14, v13  }
0x17b: {  	v6 =	vadd.f32 $1.570728780e+00, v6;
	v19 =	vor.u32 v0, v15;
	v17 =	vmul.f32 v9, v62  }
0x17c: {  	v20 =	vadd.s32 v2, v15;
	v11 =	vmul.f32 v18, v11;
	v22 =	vmul.f32 v14, v22  }
0x17d: {  	v15 =	vadd.s32 v1, v15;
	v23 =	vor.u32 $0x1, v19;
	v17 =	vmul.f32 v17, v9  }
0x17e: {  	v63 =	vor.u32 $0x1, v20;
	v12 =	vmul.f32 v11, v12;
	v22 =	vsub.f32 $1.500000000e+00, v22  }
0x17f: {  	v32 =	vor.u32 $0x2, v20;
	v16 =	vor.u32 $0x1, v15;
	v17 =	vsub.f32 $1.500000000e+00, v17  }
0x180: {  	v12 =	vmul.f32 v12, v11;
	v14 =	vmul.f32 v14, v22;
	v22 =	vsub.f32 $1.000000000e+00, v34  }
0x181: {  	v33 =	vor.u32 $0x2, v15;
	v18 =	vor.u32 $0x2, v19;
	v9 =	vmul.f32 v17, v9  }
0x182: {  	v19 =	vld.idx.msk [tilespmem:v19+s10+$0x0], $0xffff;
	v10 =	vsub.f32 $1.500000000e+00, v12;
	v12 =	vmul.f32 $1.872929930e-02, v34;
	v35 =	vmax.f32 v22, $1.000000000e-30  }
0x183: {  	s26 =	simm.s32 $0x50;
	v23 =	vld.idx.msk [tilespmem:v23+s10+$0x0], $0xffff;
	v13 =	vmul.f32 v14, v13;
	v3 =	vmul.f32 v9, v3;
	v8 =	vshra.s32 v35, $0x1  }
0x184: {  	v28 =	vmul.f32 $5.000000000e-01, v35;
	v10 =	vmul.f32 v10, v11;
	v11 =	vld.idx.msk [tilespmem:v20+s10+$0x0], $0xffff;
	v20 =	vmov s26  }
0x185: {  	v4 =	vld.idx.msk [tilespmem:v63+s10+$0x0], $0xffff;
	v13 =	vmul.f32 v13, v14;
	v17 =	vsub.s32 $0x5F3759DF, v8;
	v8 =	vsub.f32 $7.426100220e-02, v12  }
0x186: {  	v18 =	vld.idx.msk [tilespmem:v18+s10+$0x0], $0xffff;
	v20 =	vshll.u32 v20, $0x3;
	v3 =	vmax.f32 v3, $-1.000000000e+00;
	v9 =	vmul.f32 v17, v28  }
0x187: {  	v12 =	vld.idx.msk [tilespmem:v32+s10+$0x0], $0xffff;
	v36 =	vor.u32 v0, v20;
	v37 =	vadd.s32 v2, v20;
	v10 =	vmul.f32 v10, v21  }
0x188: {  	v3 =	vmin.f32 v3, $1.000000000e+00;
	v13 =	vsub.f32 $1.500000000e+00, v13;
	v8 =	vmul.f32 v8, v34  }
0x189: {  	v16 =	vld.idx.msk [tilespmem:v16+s10+$0x0], $0xffff;
	v38 =	vor.u32 $0x1, v36;
	v39 =	vor.u32 $0x2, v36;
	v9 =	vmul.f32 v17, v9  }
0x18a: {  	v41 =	vor.u32 $0x1, v37;
	v14 =	vmul.f32 v13, v14;
	v13 =	vld.idx.msk [tilespmem:v15+s10+$0x0], $0xffff;
	v40 =	vadd.f32 $-2.121143940e-01, v8  }
0x18b: {  	v15 =	vsub.f32 v19, v11;
	v19 =	vadd.s32 v1, v20;
	v20 =	vld.idx.msk [tilespmem:v33+s10+$0x0], $0xffff;
	v9 =	vsub.f32 $1.500000000e+00, v9  }
0x18c: {  	v8 =	vsub.f32 v23, v4;
	v18 =	vsub.f32 v18, v12;
	v27 =	vmul.f32 v40, v34  }
0x18d: {  	v42 =	vor.u32 $0x2, v37;
	v14 =	vmul.f32 v14, v7;
	v17 =	vmul.f32 v17, v9  }
0x18e: {  	v23 =	vor.u32 $0x1, v19;
	v9 =	vmul.f32 v8, v8;
	v43 =	vmul.f32 v18, v18  }
0x18f: {  	v26 =	vld.idx.msk [tilespmem:v38+s10+$0x0], $0xffff;
	v14 =	vmax.f32 v14, $-1.000000000e+00;
	v28 =	vmul.f32 v17, v28;
	v13 =	vsub.f32 v13, v11  }
0x190: {  	v50 =	vld.idx.msk [tilespmem:v41+s10+$0x0], $0xffff;
	v12 =	vsub.f32 v20, v12;
	v20 =	vmul.f32 v15, v15;
	v11 =	vsub.f32 v16, v4  }
0x191: {  	v45 =	vld.idx.msk [tilespmem:v19+s10+$0x0], $0xffff;
	v16 =	vmul.f32 v10, v6;
	v19 =	vor.u32 $0x2, v19;
	v6 =	vand.u32 $0x7FFFFFFF, v3  }
0x192: {  	s28 =	simm.s32 $0x17260;
	v21 =	vld.idx.msk [tilespmem:v37+s10+$0x0], $0xffff;
	v44 =	vmul.f32 v28, v17;
	v4 =	vmul.f32 v13, v13;
	v20 =	vadd.f32 v9, v20  }
0x193: {  	v53 =	vld [tilespmem:s28+$0xFFFFFFF0];
	v47 =	vmul.f32 v11, v11;
	v9 =	vmul.f32 v13, v15;
	v15 =	vadd.f32 $1.570728780e+00, v27  }
0x194: {  	v24 =	vld.idx.msk [tilespmem:v36+s10+$0x0], $0xffff;
	v13 =	vmul.f32 $1.872929930e-02, v6;
	v51 =	vsub.f32 $3.141592740e+00, v16;
	v10 =	vsub.f32 $1.500000000e+00, v44  }
0x195: {  	v46 =	vld.idx.msk [tilespmem:v39+s10+$0x0], $0xffff;
	v49 =	vmul.f32 v12, v12;
	v26 =	vsub.f32 v26, v50;
	v4 =	vadd.f32 v47, v4  }
0x196: {  	v48 =	vld.idx.msk [tilespmem:v42+s10+$0x0], $0xffff;
	v13 =	vsub.f32 $7.426100220e-02, v13;
	v16 =	vsel vm14, v51, v16;
	v17 =	vmul.f32 v10, v17  }
0x197: {  	v19 =	vld.idx.msk [tilespmem:v19+s10+$0x0], $0xffff;
	v10 =	vmul.f32 v12, v18;
	v12 =	vadd.f32 v43, v20;
	v20 =	vsub.f32 v45, v21  }
0x198: {  	v57 =	vmul.f32 v26, v26;
	v18 =	vld.idx.msk [tilespmem:v23+s10+$0x0], $0xffff;
	v23 =	vadd.f32 v49, v4;
	v4 =	vsub.f32 $1.000000000e+00, v6  }
0x199: {  	v21 =	vsub.f32 v24, v21;
	v52 =	vmul.f32 v13, v6;
	v17 =	vmul.f32 v17, v22  }
0x19a: {  	v25 =	vsub.f32 v16, v53;
	v22 =	vmul.f32 v20, v20;
	v12 =	vmul.f32 v23, v12  }
0x19b: {  	v23 =	vmax.f32 v4, $1.000000000e-30;
	v54 =	vmul.f32 v21, v21;
	v20 =	vmul.f32 v20, v21  }
0x19c: {  	v13 =	vmul.f32 $5.000000000e-01, v23;
	v16 =	vshra.s32 v23, $0x1;
	v15 =	vmul.f32 v17, v15  }
0x19d: {  	v56 =	vld [tilespmem:s28+$0x0];
	v17 =	vsub.f32 v46, v48;
	v12 =	vmax.f32 v12, $1.000000000e-30;
	v19 =	vsub.f32 v19, v48  }
0x19e: {  	s29 =	simm.s32 $0x17580;
	v27 =	vadd.f32 v57, v54;
	v16 =	vsub.s32 $0x5F3759DF, v16;
	v18 =	vsub.f32 v18, v50  }
0x19f: {  	v61 =	vld [tilespmem:s29+$0xFFFFFFF0];
	v55 =	vsub.f32 $3.141592740e+00, v15;
	v59 =	vmul.f32 v17, v17;
	v60 =	vmul.f32 v19, v19  }
0x1a0: {  	v58 =	vshra.s32 v12, $0x1;
	v17 =	vmul.f32 v19, v17;
	v26 =	vmul.f32 v18, v26  }
0x1a1: {  	v19 =	vld [tilespmem:s29+$0x0];
	v62 =	vmul.f32 v18, v18;
	v18 =	vmul.f32 $5.000000000e-01, v12;
	v15 =	vsel vm15, v55, v15  }
0x1a2: {  	v63 =	vsub.s32 $0x5F3759DF, v58;
	v12 =	vmul.f32 v25, v25;
	v15 =	vsub.f32 v15, v56  }
0x1a3: {  	v21 =	vmul.f32 v63, v18;
	v22 =	vadd.f32 v62, v22;
	v20 =	vadd.f32 v26, v20  }
0x1a4: {  	v23 =	vadd.f32 v59, v27;
	v12 =	vmul.f32 v12, v61;
	v15 =	vmul.f32 v15, v15  }
0x1a5: {  	v21 =	vmul.f32 v63, v21;
	v22 =	vadd.f32 v60, v22;
	v7 =	vadd.f32 v17, v20  }
0x1a6: {  	v17 =	vmul.f32 $5.000000000e-01, v12;
	v12 =	vmin.f32 v14, $1.000000000e+00;
	v19 =	vmul.f32 v15, v19  }
0x1a7: {  	v20 =	vsub.f32 $1.500000000e+00, v21;
	v21 =	vmul.f32 v22, v23;
	v22 =	vmul.f32 v16, v13  }
0x1a8: {  	s20 =	simm.s32 $0x17280;
	s17 =	simm.s32 $0x175C0;
	v15 =	vadd.f32 $-2.121143940e-01, v52;
	v5 =	vadd.f32 v17, v5;
	v14 =	vmul.f32 $5.000000000e-01, v19  }
0x1a9: {  	s11 =	simm.s32 $0x17280;
	s22 =	simm.s32 $0x175A0;
	s25 =	simm.s32 $0x70;
	v17 =	vmul.f32 v63, v20;
	v20 =	vmax.f32 v21, $1.000000000e-30;
	v19 =	vmul.f32 v16, v22  }
.LBB2_5:
0x1aa: {  	s26 =	sadd.s32 $0xFFFFFFF0, s25  }
0x1ab: {  	v8 =	vmul.f32 v11, v8;
	v11 =	vshra.s32 v20, $0x1;
	s20 =	sadd.s32 $0x20, s20;
	v5 =	vadd.f32 v14, v5;
	s24 =	smov.u32 s25;
	s12 =	sadd.s32 $0x20, s25  }
0x1ac: {  	p1 =	sne.s32 s25, $0x310;
	v20 =	vmul.f32 $5.000000000e-01, v20;
	v14 =	vmov s26;
	v18 =	vmul.f32 v17, v18  }
0x1ad: {  	v11 =	vsub.s32 $0x5F3759DF, v11;
	v19 =	vsub.f32 $1.500000000e+00, v19;
	v14 =	vshll.u32 v14, $0x3  }
0x1ae: {  	v23 =	vmul.f32 v11, v20;
	v21 =	vor.u32 v0, v14;
	v22 =	vadd.s32 v2, v14  }
0x1af: {  	v16 =	vmul.f32 v16, v19;
	v24 =	vor.u32 $0x1, v21;
	v25 =	vor.u32 $0x1, v22  }
0x1b0: {  	v19 =	vor.u32 $0x2, v21;
	v26 =	vor.u32 $0x2, v22;
	v23 =	vmul.f32 v11, v23  }
0x1b1: {  	v6 =	vmul.f32 v15, v6;
	v14 =	vadd.s32 v1, v14;
	v13 =	vmul.f32 v16, v13  }
0x1b2: {  	v15 =	vor.u32 $0x1, v14;
	v27 =	vor.u32 $0x2, v14;
	v23 =	vsub.f32 $1.500000000e+00, v23  }
0x1b3: {  	vm0 =	vlt.f32 v3, $0.0e+00;
	v3 =	vand.u32 $0x7FFFFFFF, v12;
	v13 =	vmul.f32 v13, v16  }
0x1b4: {  	v18 =	vmul.f32 v18, v17;
	v11 =	vmul.f32 v11, v23;
	v23 =	vsub.f32 $1.000000000e+00, v3;
	v24 =	vld.idx.msk [tilespmem:v24+s10+$0x0], $0xffff  }
0x1b5: {  	v8 =	vadd.f32 v8, v9;
	v9 =	vsub.f32 $1.500000000e+00, v13;
	v13 =	vmul.f32 $1.872929930e-02, v3  }
0x1b6: {  	v18 =	vsub.f32 $1.500000000e+00, v18;
	v20 =	vmul.f32 v11, v20;
	v28 =	vmax.f32 v23, $1.000000000e-30;
	v21 =	vld.idx.msk [tilespmem:v21+s10+$0x0], $0xffff  }
0x1b7: {  	v8 =	vadd.f32 v10, v8;
	v10 =	vshra.s32 v28, $0x1;
	v28 =	vmul.f32 $5.000000000e-01, v28  }
0x1b8: {  	v6 =	vadd.f32 $1.570728780e+00, v6;
	v17 =	vmul.f32 v18, v17;
	v9 =	vmul.f32 v9, v16;
	v22 =	vld.idx.msk [tilespmem:v22+s10+$0x0], $0xffff  }
0x1b9: {  	v13 =	vsub.f32 $7.426100220e-02, v13;
	v18 =	vmul.f32 v20, v11;
	v10 =	vsub.s32 $0x5F3759DF, v10;
	v16 =	vld.idx.msk [tilespmem:v26+s10+$0x0], $0xffff  }
0x1ba: {  	vm1 =	vlt.f32 v12, $0.0e+00;
	v8 =	vmul.f32 v17, v8;
	v17 =	vmul.f32 v10, v28;
	v20 =	vld.idx.msk [tilespmem:v25+s10+$0x0], $0xffff  }
0x1bb: {  	v13 =	vmul.f32 v13, v3;
	v18 =	vsub.f32 $1.500000000e+00, v18;
	v12 =	vld.idx.msk [tilespmem:v19+s10+$0x0], $0xffff;
	v19 =	vmov s24  }
0x1bc: {  	v25 =	vmax.f32 v8, $-1.000000000e+00;
	v8 =	vmul.f32 v10, v17;
	v19 =	vshll.u32 v19, $0x3  }
0x1bd: {  	v29 =	vmul.f32 v18, v11;
	v14 =	vld.idx.msk [tilespmem:v14+s10+$0x0], $0xffff;
	v17 =	vor.u32 v0, v19;
	v26 =	vadd.s32 v2, v19  }
0x1be: {  	v18 =	vsub.f32 v21, v22;
	v19 =	vadd.s32 v1, v19;
	v21 =	vsub.f32 $1.500000000e+00, v8;
	v11 =	vld.idx.msk [tilespmem:v27+s10+$0x0], $0xffff  }
0x1bf: {  	v13 =	vadd.f32 $-2.121143940e-01, v13;
	v27 =	vor.u32 $0x1, v17;
	v30 =	vor.u32 $0x2, v17;
	v15 =	vld.idx.msk [tilespmem:v15+s10+$0x0], $0xffff  }
0x1c0: {  	v8 =	vsub.f32 v24, v20;
	v24 =	vor.u32 $0x1, v19;
	v10 =	vmul.f32 v10, v21  }
0x1c1: {  	v13 =	vmul.f32 v13, v3;
	v21 =	vor.u32 $0x1, v26;
	v12 =	vsub.f32 v12, v16  }
0x1c2: {  	v31 =	vmul.f32 v8, v8;
	v3 =	vmul.f32 v10, v28;
	v32 =	vld.idx.msk [tilespmem:v26+s10+$0x0], $0xffff;
	v26 =	vor.u32 $0x2, v26  }
0x1c3: {  	v4 =	vmul.f32 v9, v4;
	v14 =	vsub.f32 v14, v22;
	v22 =	vmul.f32 v12, v12;
	v28 =	vld.idx.msk [tilespmem:v19+s10+$0x0], $0xffff  }
0x1c4: {  	v9 =	vmul.f32 v18, v18;
	v16 =	vsub.f32 v11, v16;
	v33 =	vmul.f32 v3, v10;
	v17 =	vld.idx.msk [tilespmem:v17+s10+$0x0], $0xffff  }
0x1c5: {  	v3 =	vmin.f32 v25, $1.000000000e+00;
	v11 =	vsub.f32 v15, v20;
	v20 =	vmul.f32 v4, v6;
	v15 =	vld.idx.msk [tilespmem:v24+s10+$0x0], $0xffff  }
0x1c6: {  	v19 =	vor.u32 $0x2, v19;
	v4 =	vmul.f32 v14, v14;
	v25 =	vsub.f32 $1.500000000e+00, v33;
	v24 =	vld.idx.msk [tilespmem:v30+s10+$0x0], $0xffff  }
0x1c7: {  	v6 =	vand.u32 $0x7FFFFFFF, v3;
	v30 =	vadd.f32 v31, v9;
	v31 =	vmul.f32 v11, v11;
	v27 =	vld.idx.msk [tilespmem:v27+s10+$0x0], $0xffff  }
0x1c8: {  	v13 =	vadd.f32 $1.570728780e+00, v13;
	v9 =	vmul.f32 v14, v18;
	v18 =	vmul.f32 $1.872929930e-02, v6;
	v14 =	vld.idx.msk [tilespmem:v26+s10+$0x0], $0xffff  }
0x1c9: {  	v25 =	vmul.f32 v25, v10;
	v4 =	vadd.f32 v31, v4;
	v26 =	vmul.f32 v16, v16;
	v21 =	vld.idx.msk [tilespmem:v21+s10+$0x0], $0xffff  }
0x1ca: {  	v10 =	vmul.f32 v16, v12;
	v12 =	vadd.f32 v22, v30;
	v22 =	vsub.f32 v28, v32  }
0x1cb: {  	v18 =	vsub.f32 $7.426100220e-02, v18;
	v23 =	vmul.f32 v25, v23;
	v16 =	vadd.f32 v26, v4;
	v19 =	vld.idx.msk [tilespmem:v19+s10+$0x0], $0xffff  }
0x1cc: {  	v25 =	vmul.f32 v22, v22;
	v4 =	vsub.f32 $1.000000000e+00, v6;
	v26 =	vsub.f32 $3.141592740e+00, v20  }
0x1cd: {  	v17 =	vsub.f32 v17, v32;
	v12 =	vmul.f32 v16, v12;
	v16 =	vmul.f32 v23, v13  }
0x1ce: {  	v28 =	vmul.f32 v18, v6;
	v23 =	vsub.f32 v24, v14;
	v24 =	vmax.f32 v4, $1.000000000e-30;
	v18 =	vld [tilespmem:s11+$0xFFFFFFF0]  }
0x1cf: {  	v20 =	vsel vm0, v26, v20;
	v12 =	vmax.f32 v12, $1.000000000e-30;
	v27 =	vsub.f32 v27, v21  }
0x1d0: {  	v15 =	vsub.f32 v15, v21;
	v21 =	vmul.f32 v17, v17;
	v26 =	vsub.f32 $3.141592740e+00, v16;
	v30 =	vld [tilespmem:s11+$0x0];
	s11 =	smov.u32 s20  }
0x1d1: {  	v13 =	vmul.f32 $5.000000000e-01, v24;
	v14 =	vsub.f32 v19, v14;
	v19 =	vmul.f32 v27, v27  }
0x1d2: {  	v31 =	vshra.s32 v12, $0x1;
	v32 =	vmul.f32 v23, v23;
	v16 =	vsel vm1, v26, v16  }
0x1d3: {  	v19 =	vadd.f32 v19, v21;
	v21 =	vmul.f32 v14, v14;
	v20 =	vsub.f32 v20, v18;
	v26 =	vld [tilespmem:s22+$0xFFFFFFF0]  }
0x1d4: {  	v27 =	vmul.f32 v15, v27;
	v14 =	vmul.f32 v14, v23;
	v23 =	vshra.s32 v24, $0x1;
	v24 =	vld [tilespmem:s22+$0x0];
	s22 =	smov.u32 s17  }
0x1d5: {  	v15 =	vmul.f32 v15, v15;
	v19 =	vadd.f32 v32, v19;
	v30 =	vsub.f32 v16, v30  }
0x1d6: {  	v18 =	vmul.f32 $5.000000000e-01, v12;
	v16 =	vsub.s32 $0x5F3759DF, v23;
	v12 =	vmul.f32 v20, v20  }
0x1d7: {  	v17 =	vmul.f32 v22, v17;
	v20 =	vsub.s32 $0x5F3759DF, v31;
	v22 =	vmul.f32 v30, v30  }
0x1d8: {  	v15 =	vadd.f32 v15, v25;
	v23 =	vmul.f32 v20, v18;
	v12 =	vmul.f32 v12, v26  }
0x1d9: {  	v17 =	vadd.f32 v27, v17;
	v25 =	vmul.f32 v29, v7;
	v22 =	vmul.f32 v22, v24  }
.Ltmp1:
0x1da: {  	v21 =	vadd.f32 v21, v15;
	v15 =	vadd.f32 $-2.121143940e-01, v28;
	v23 =	vmul.f32 v20, v23;
	(pc) =	sbr.rel @p1 .LBB2_5-.Ltmp1, $4  }
0x1db: {  	v7 =	vadd.f32 v14, v17;
	v14 =	vmax.f32 v25, $-1.000000000e+00;
	v17 =	vmul.f32 $5.000000000e-01, v12  }
0x1dc: {  	v19 =	vmul.f32 v21, v19;
	v21 =	vmul.f32 v16, v13;
	v23 =	vsub.f32 $1.500000000e+00, v23  }
0x1dd: {  	v12 =	vmin.f32 v14, $1.000000000e+00;
	v14 =	vmul.f32 $5.000000000e-01, v22;
	v5 =	vadd.f32 v17, v5  }
0x1de: {  	s25 =	smov.u32 s12;
	s17 =	sadd.s32 $0x20, s17;
	v17 =	vmul.f32 v20, v23;
	v20 =	vmax.f32 v19, $1.000000000e-30;
	v19 =	vmul.f32 v16, v21  }
0x1df: {  	v21 =	vshra.s32 v20, $0x1;
	v45 =	vmul.f32 $5.000000000e-01, v20  }
0x1e0: {  	v21 =	vsub.s32 $0x5F3759DF, v21  }
0x1e1: {  	v22 =	vmul.f32 v21, v45;
	_ =	sdelay $0x1  }
0x1e2: {  	v22 =	vmul.f32 v21, v22;
	_ =	sdelay $0x1  }
0x1e3: {  	v22 =	vsub.f32 $1.500000000e+00, v22;
	_ =	sdelay $0x1  }
0x1e4: {  	v18 =	vmul.f32 v17, v18;
	v21 =	vmul.f32 v21, v22  }
0x1e5: {  	v8 =	vmul.f32 v11, v8  }
0x1e6: {  	v46 =	vmul.f32 v18, v17;
	v47 =	vmul.f32 v21, v45  }
0x1e7: {  	v48 =	vand.u32 $0x7FFFFFFF, v12  }
0x1e8: {  	v8 =	vadd.f32 v8, v9;
	v49 =	vsub.f32 $1.500000000e+00, v46;
	v50 =	vmul.f32 v47, v21  }
0x1e9: {  	v51 =	vsub.f32 $1.000000000e+00, v48  }
0x1ea: {  	v8 =	vadd.f32 v10, v8;
	v9 =	vmul.f32 v49, v17;
	v52 =	vsub.f32 $1.500000000e+00, v50  }
0x1eb: {  	v53 =	vsub.f32 $1.500000000e+00, v19  }
0x1ec: {  	v54 =	vmax.f32 v51, $1.000000000e-30;
	v8 =	vmul.f32 v9, v8;
	v55 =	vmul.f32 v52, v21  }
0x1ed: {  	v6 =	vmul.f32 v15, v6;
	v56 =	vmul.f32 v16, v53;
	v57 =	vshra.s32 v54, $0x1  }
0x1ee: {  	v58 =	vmul.f32 $5.000000000e-01, v54;
	v8 =	vmax.f32 v8, $-1.000000000e+00;
	v7 =	vmul.f32 v55, v7  }
0x1ef: {  	v11 =	vsub.s32 $0x5F3759DF, v57;
	v13 =	vmul.f32 v56, v13;
	v8 =	vmin.f32 v8, $1.000000000e+00  }
0x1f0: {  	v59 =	vmul.f32 v11, v58;
	v60 =	vand.u32 $0x7FFFFFFF, v8;
	v7 =	vmax.f32 v7, $-1.000000000e+00  }
0x1f1: {  	v13 =	vmul.f32 v13, v56;
	v61 =	vsub.f32 $1.000000000e+00, v60;
	v7 =	vmin.f32 v7, $1.000000000e+00  }
0x1f2: {  	v62 =	vmul.f32 $1.872929930e-02, v48;
	v9 =	vmul.f32 v11, v59;
	v63 =	vand.u32 $0x7FFFFFFF, v7  }
0x1f3: {  	v13 =	vsub.f32 $1.500000000e+00, v13;
	v23 =	vmax.f32 v61, $1.000000000e-30;
	v24 =	vsub.f32 $1.000000000e+00, v63  }
0x1f4: {  	v9 =	vsub.f32 $1.500000000e+00, v9;
	v25 =	vmul.f32 $5.000000000e-01, v23;
	v23 =	vshra.s32 v23, $0x1  }
0x1f5: {  	v10 =	vmul.f32 v13, v56;
	v32 =	vsub.s32 $0x5F3759DF, v23;
	v33 =	vmax.f32 v24, $1.000000000e-30  }
0x1f6: {  	v26 =	vmul.f32 v32, v25;
	v27 =	vshra.s32 v33, $0x1;
	v23 =	vmul.f32 $5.000000000e-01, v33  }
0x1f7: {  	v9 =	vmul.f32 v11, v9;
	v4 =	vmul.f32 v10, v4;
	v27 =	vsub.s32 $0x5F3759DF, v27  }
0x1f8: {  	v26 =	vmul.f32 v32, v26;
	v28 =	vmul.f32 v27, v23  }
0x1f9: {  	v6 =	vadd.f32 $1.570728780e+00, v6;
	v37 =	vmul.f32 $1.872929930e-02, v60;
	v16 =	vmul.f32 v9, v58  }
0x1fa: {  	v21 =	vsub.f32 $7.426100220e-02, v62;
	v35 =	vsub.f32 $1.500000000e+00, v26;
	v36 =	vmul.f32 v27, v28  }
0x1fb: {  	v4 =	vmul.f32 v4, v6;
	v40 =	vsub.f32 $7.426100220e-02, v37;
	v16 =	vmul.f32 v16, v9  }
0x1fc: {  	v21 =	vmul.f32 v21, v48;
	v38 =	vmul.f32 v32, v35;
	v39 =	vsub.f32 $1.500000000e+00, v36  }
0x1fd: {  	v13 =	vmul.f32 v40, v60;
	v16 =	vsub.f32 $1.500000000e+00, v16;
	v41 =	vmul.f32 $1.872929930e-02, v63  }
0x1fe: {  	v42 =	vmul.f32 v38, v25;
	v11 =	vmul.f32 v27, v39  }
0x1ff: {  	v34 =	vadd.f32 $-2.121143940e-01, v21;
	v9 =	vmul.f32 v16, v9;
	v16 =	vsub.f32 $7.426100220e-02, v41  }
0x200: {  	v20 =	vmul.f32 v42, v38;
	v43 =	vmul.f32 v11, v23  }
0x201: {  	vm0 =	vlt.f32 v3, $0.0e+00;
	v15 =	vmul.f32 v34, v48;
	v45 =	vmul.f32 v16, v63  }
0x202: {  	v44 =	vadd.f32 $-2.121143940e-01, v13;
	v46 =	vsub.f32 $1.500000000e+00, v20;
	v47 =	vmul.f32 v43, v11  }
0x203: {  	v9 =	vmul.f32 v9, v51;
	v15 =	vadd.f32 $1.570728780e+00, v15;
	v13 =	vadd.f32 $-2.121143940e-01, v45  }
0x204: {  	v6 =	vmul.f32 v44, v60;
	v48 =	vld [tilespmem:s11+$0xFFFFFFF0];
	v3 =	vmul.f32 v46, v38;
	v49 =	vsub.f32 $1.500000000e+00, v47  }
0x205: {  	v50 =	vsub.f32 $3.141592740e+00, v4;
	v51 =	vld [tilespmem:s11+$0x0];
	v9 =	vmul.f32 v9, v15;
	v13 =	vmul.f32 v13, v63  }
0x206: {  	v6 =	vadd.f32 $1.570728780e+00, v6;
	v3 =	vmul.f32 v3, v61;
	v11 =	vmul.f32 v49, v11  }
0x207: {  	s29 =	sadd.s32 $0x20, s20;
	vm1 =	vlt.f32 v12, $0.0e+00;
	v53 =	vld [tilespmem:s22+$0xFFFFFFF0];
	v4 =	vsel vm0, v50, v4;
	v52 =	vsub.f32 $3.141592740e+00, v9  }
0x208: {  	v55 =	vld [tilespmem:s29+$0xFFFFFFF0];
	v54 =	vadd.f32 $1.570728780e+00, v13;
	v3 =	vmul.f32 v3, v6;
	v11 =	vmul.f32 v11, v24  }
0x209: {  	v56 =	vld [tilespmem:s22+$0x0];
	v4 =	vsub.f32 v4, v48;
	v9 =	vsel vm1, v52, v9  }
0x20a: {  	v58 =	vld [tilespmem:s29+$0x0];
	v9 =	vsub.f32 v9, v51;
	v57 =	vsub.f32 $3.141592740e+00, v3;
	v6 =	vmul.f32 v11, v54  }
0x20b: {  	vm14 =	vlt.f32 v8, $0.0e+00;
	v4 =	vmul.f32 v4, v4  }
0x20c: {  	v59 =	vmul.f32 v9, v9;
	v61 =	vld [tilespmem:s17+$0xFFFFFFF0];
	v3 =	vsel vm14, v57, v3;
	v60 =	vsub.f32 $3.141592740e+00, v6  }
0x20d: {  	vm15 =	vlt.f32 v7, $0.0e+00;
	v4 =	vmul.f32 v4, v53;
	v3 =	vsub.f32 v3, v55  }
0x20e: {  	v5 =	vadd.f32 v14, v5;
	v63 =	vld [tilespmem:s17+$0x0];
	v62 =	vmul.f32 v59, v56;
	v6 =	vsel vm15, v60, v6  }
0x20f: {  	v4 =	vmul.f32 $5.000000000e-01, v4;
	v3 =	vmul.f32 v3, v3;
	v6 =	vsub.f32 v6, v58  }
0x210: {  	v7 =	vmul.f32 $5.000000000e-01, v62  }
0x211: {  	s21 =	sadd.s32 $0x1, s21;
	v4 =	vadd.f32 v4, v5;
	v3 =	vmul.f32 v3, v61;
	v5 =	vmul.f32 v6, v6  }
0x212: {  	p1 =	sne.s32 s21, $0x3E  }
.Ltmp2:
0x213: {  	v4 =	vadd.f32 v7, v4;
	v3 =	vmul.f32 $5.000000000e-01, v3;
	v5 =	vmul.f32 v5, v63;
	(pc) =	sbr.rel @p1 .LBB2_2-.Ltmp2, $3  }
0x214: {  	_ = 	snop  }
0x215: {  	v3 =	vadd.f32 v3, v4;
	v4 =	vmul.f32 $5.000000000e-01, v5;
	_ =	sdelay $0x1  }
0x216: {  	v3 =	vadd.f32 v4, v3  }
0x217: {  	_ =	swait.ge [sflag:s13], $0x4B00;
	s11 =	simm.s32 $0x0  }
0x218: {  	[sflag:s13] =	ssyncset.done $0x0;
	v4 =	vmov s11  }
0x219: {  	[sflag:s13] =	ssyncadd.s32 $0xFFFFB500;
	v4 =	vshll.u32 v4, $0x3  }
0x21a: {  	_ =	swait.ge [sflag:s14], $0x320;
	v5 =	vor.u32 v0, v4  }
0x21b: {  	[sflag:s14] =	ssyncset.done $0x0;
	v6 =	vor.u32 $0x1, v5  }
0x21c: {  	[sflag:s14] =	ssyncadd.s32 $0xFFFFFCE0  }
0x21d: {  	v7 =	vadd.s32 v2, v4;
	_ =	swait.ge [sflag:s14], $0x320  }
0x21e: {  	v8 =	vor.u32 $0x2, v7;
	[sflag:s14] =	ssyncset.done $0x0  }
0x21f: {  	v9 =	vor.u32 $0x1, v7;
	[sflag:s14] =	ssyncadd.s32 $0xFFFFFCE0  }
0x220: {  	v10 =	vor.u32 $0x2, v5;
	v6 =	vld.idx.msk [tilespmem:v6+s5+$0x0], $0xffff  }
0x221: {  	s21 =	simm.s32 $0x10;
	v4 =	vadd.s32 v1, v4;
	v5 =	vld.idx.msk [tilespmem:v5+s5+$0x0], $0xffff  }
0x222: {  	v12 =	vmov s21;
	v11 =	vor.u32 $0x2, v4;
	v7 =	vld.idx.msk [tilespmem:v7+s5+$0x0], $0xffff  }
0x223: {  	v12 =	vshll.u32 v12, $0x3;
	v13 =	vor.u32 $0x1, v4;
	v8 =	vld.idx.msk [tilespmem:v8+s5+$0x0], $0xffff  }
0x224: {  	v14 =	vadd.s32 v2, v12;
	v9 =	vld.idx.msk [tilespmem:v9+s5+$0x0], $0xffff  }
0x225: {  	v15 =	vadd.s32 v1, v12;
	v10 =	vld.idx.msk [tilespmem:v10+s5+$0x0], $0xffff  }
0x226: {  	v12 =	vor.u32 v0, v12;
	v4 =	vld.idx.msk [tilespmem:v4+s5+$0x0], $0xffff  }
0x227: {  	v16 =	vor.u32 $0x1, v15;
	v11 =	vld.idx.msk [tilespmem:v11+s5+$0x0], $0xffff  }
0x228: {  	v18 =	vor.u32 $0x1, v12;
	v13 =	vld.idx.msk [tilespmem:v13+s5+$0x0], $0xffff  }
0x229: {  	v20 =	vor.u32 $0x1, v14;
	v19 =	vld.idx.msk [tilespmem:v14+s5+$0x0], $0xffff  }
0x22a: {  	v17 =	vor.u32 $0x2, v12;
	v21 =	vld.idx.msk [tilespmem:v15+s5+$0x0], $0xffff  }
0x22b: {  	v14 =	vor.u32 $0x2, v14;
	v12 =	vld.idx.msk [tilespmem:v12+s5+$0x0], $0xffff  }
0x22c: {  	v16 =	vld.idx.msk [tilespmem:v16+s5+$0x0], $0xffff  }
0x22d: {  	v15 =	vor.u32 $0x2, v15;
	v18 =	vld.idx.msk [tilespmem:v18+s5+$0x0], $0xffff  }
0x22e: {  	v20 =	vld.idx.msk [tilespmem:v20+s5+$0x0], $0xffff;
	v5 =	vsub.f32 v5, v7;
	v6 =	vsub.f32 v6, v9  }
0x22f: {  	v4 =	vsub.f32 v4, v7;
	v7 =	vsub.f32 v13, v9;
	v9 =	vld.idx.msk [tilespmem:v17+s5+$0x0], $0xffff  }
0x230: {  	v10 =	vsub.f32 v10, v8;
	v14 =	vld.idx.msk [tilespmem:v14+s5+$0x0], $0xffff  }
0x231: {  	v8 =	vsub.f32 v11, v8;
	v13 =	vmul.f32 v6, v6;
	v17 =	vmul.f32 v5, v5  }
0x232: {  	v15 =	vld.idx.msk [tilespmem:v15+s5+$0x0], $0xffff;
	v21 =	vsub.f32 v21, v19;
	v11 =	vmul.f32 v4, v4;
	v22 =	vmul.f32 v7, v7  }
0x233: {  	v12 =	vsub.f32 v12, v19;
	v16 =	vsub.f32 v16, v20;
	v23 =	vmul.f32 v10, v10  }
0x234: {  	v13 =	vadd.f32 v13, v17;
	v11 =	vadd.f32 v22, v11;
	v17 =	vmul.f32 v8, v8  }
0x235: {  	v18 =	vsub.f32 v18, v20;
	v9 =	vsub.f32 v9, v14  }
0x236: {  	v19 =	vmul.f32 v16, v16;
	v13 =	vadd.f32 v23, v13;
	v11 =	vadd.f32 v17, v11  }
0x237: {  	v14 =	vsub.f32 v15, v14;
	v15 =	vmul.f32 v18, v18;
	v17 =	vmul.f32 v21, v21  }
0x238: {  	v11 =	vmul.f32 v11, v13;
	v13 =	vmul.f32 v12, v12  }
0x239: {  	v20 =	vmul.f32 v9, v9;
	v17 =	vadd.f32 v19, v17  }
0x23a: {  	v11 =	vmax.f32 v11, $1.000000000e-30;
	v13 =	vadd.f32 v15, v13;
	v15 =	vmul.f32 v14, v14  }
0x23b: {  	v19 =	vshra.s32 v11, $0x1;
	v11 =	vmul.f32 $5.000000000e-01, v11  }
0x23c: {  	v13 =	vadd.f32 v20, v13;
	v15 =	vadd.f32 v15, v17;
	v17 =	vsub.s32 $0x5F3759DF, v19  }
0x23d: {  	s22 =	simm.s32 $0x20;
	v19 =	vmul.f32 v17, v11  }
0x23e: {  	v13 =	vmul.f32 v15, v13;
	v15 =	vmov s22  }
0x23f: {  	v4 =	vmul.f32 v4, v5;
	v15 =	vshll.u32 v15, $0x3;
	v19 =	vmul.f32 v17, v19  }
0x240: {  	v6 =	vmul.f32 v7, v6;
	v8 =	vmul.f32 v8, v10;
	v20 =	vor.u32 v0, v15  }
0x241: {  	v13 =	vmax.f32 v13, $1.000000000e-30;
	v24 =	vadd.s32 v2, v15;
	v19 =	vsub.f32 $1.500000000e+00, v19  }
0x242: {  	v4 =	vadd.f32 v6, v4;
	v10 =	vadd.s32 v1, v15;
	v22 =	vshra.s32 v13, $0x1  }
0x243: {  	v13 =	vmul.f32 $5.000000000e-01, v13;
	v23 =	vor.u32 $0x1, v20;
	v17 =	vmul.f32 v17, v19  }
0x244: {  	v26 =	vor.u32 $0x1, v24;
	v7 =	vor.u32 $0x1, v10;
	v22 =	vsub.s32 $0x5F3759DF, v22  }
0x245: {  	v25 =	vmul.f32 v22, v13;
	v5 =	vmul.f32 v17, v11;
	v11 =	vor.u32 $0x2, v20;
	v20 =	vld.idx.msk [tilespmem:v20+s5+$0x0], $0xffff  }
0x246: {  	v16 =	vmul.f32 v16, v18;
	v19 =	vor.u32 $0x2, v24;
	v24 =	vld.idx.msk [tilespmem:v24+s5+$0x0], $0xffff  }
0x247: {  	v4 =	vadd.f32 v8, v4;
	v12 =	vmul.f32 v21, v12;
	v25 =	vmul.f32 v22, v25;
	v8 =	vld.idx.msk [tilespmem:v10+s5+$0x0], $0xffff  }
0x248: {  	v23 =	vld.idx.msk [tilespmem:v23+s5+$0x0], $0xffff  }
0x249: {  	v9 =	vmul.f32 v14, v9;
	v12 =	vadd.f32 v16, v12;
	v6 =	vld.idx.msk [tilespmem:v26+s5+$0x0], $0xffff;
	v15 =	vsub.f32 $1.500000000e+00, v25  }
0x24a: {  	s24 =	simm.s32 $0x30;
	v7 =	vld.idx.msk [tilespmem:v7+s5+$0x0], $0xffff;
	v5 =	vmul.f32 v5, v17  }
0x24b: {  	v9 =	vadd.f32 v9, v12;
	v15 =	vmul.f32 v22, v15;
	v22 =	vmov s24  }
0x24c: {  	v56 =	vor.u32 $0x2, v10;
	v5 =	vsub.f32 $1.500000000e+00, v5;
	v22 =	vshll.u32 v22, $0x3  }
0x24d: {  	v20 =	vsub.f32 v20, v24;
	v8 =	vsub.f32 v8, v24;
	v13 =	vmul.f32 v15, v13  }
0x24e: {  	v19 =	vld.idx.msk [tilespmem:v19+s5+$0x0], $0xffff;
	v18 =	vadd.s32 v2, v22;
	v5 =	vmul.f32 v5, v17;
	v10 =	vadd.s32 v1, v22  }
0x24f: {  	v11 =	vld.idx.msk [tilespmem:v11+s5+$0x0], $0xffff;
	v17 =	vor.u32 v0, v22;
	v23 =	vsub.f32 v23, v6;
	v6 =	vsub.f32 v7, v6  }
0x250: {  	v14 =	vor.u32 $0x2, v17;
	v16 =	vor.u32 $0x1, v17;
	v24 =	vmul.f32 v8, v8  }
0x251: {  	v22 =	vor.u32 $0x2, v18;
	v13 =	vmul.f32 v13, v15;
	v4 =	vmul.f32 v5, v4;
	v5 =	vld.idx.msk [tilespmem:v56+s5+$0x0], $0xffff  }
0x252: {  	v58 =	vor.u32 $0x1, v10;
	v8 =	vmul.f32 v8, v20;
	v27 =	vmul.f32 v6, v6  }
0x253: {  	v7 =	vmul.f32 v23, v23;
	v6 =	vmul.f32 v6, v23;
	v13 =	vsub.f32 $1.500000000e+00, v13;
	v21 =	vld.idx.msk [tilespmem:v18+s5+$0x0], $0xffff  }
0x254: {  	v4 =	vmax.f32 v4, $-1.000000000e+00;
	v11 =	vsub.f32 v11, v19;
	v24 =	vadd.f32 v27, v24;
	v57 =	vld.idx.msk [tilespmem:v10+s5+$0x0], $0xffff  }
0x255: {  	v18 =	vor.u32 $0x1, v18;
	v17 =	vld.idx.msk [tilespmem:v17+s5+$0x0], $0xffff;
	v10 =	vor.u32 $0x2, v10;
	v4 =	vmin.f32 v4, $1.000000000e+00  }
0x256: {  	v14 =	vld.idx.msk [tilespmem:v14+s5+$0x0], $0xffff;
	v12 =	vmul.f32 v13, v15;
	v5 =	vsub.f32 v5, v19;
	v19 =	vmul.f32 v20, v20  }
0x257: {  	v6 =	vadd.f32 v6, v8;
	v16 =	vld.idx.msk [tilespmem:v16+s5+$0x0], $0xffff;
	v28 =	vmul.f32 v11, v11;
	vm0 =	vlt.f32 v4, $0.0e+00  }
0x258: {  	v9 =	vmul.f32 v12, v9;
	v7 =	vadd.f32 v7, v19;
	v19 =	vld.idx.msk [tilespmem:v22+s5+$0x0], $0xffff;
	v22 =	vand.u32 $0x7FFFFFFF, v4  }
0x259: {  	v15 =	vld.idx.msk [tilespmem:v58+s5+$0x0], $0xffff;
	v59 =	vmul.f32 v5, v5;
	v5 =	vmul.f32 v5, v11;
	v11 =	vsub.f32 v57, v21  }
0x25a: {  	v18 =	vld.idx.msk [tilespmem:v18+s5+$0x0], $0xffff;
	v13 =	vmul.f32 $1.872929930e-02, v22;
	v60 =	vsub.f32 $1.000000000e+00, v22;
	v17 =	vsub.f32 v17, v21  }
0x25b: {  	v10 =	vld.idx.msk [tilespmem:v10+s5+$0x0], $0xffff;
	v9 =	vmax.f32 v9, $-1.000000000e+00;
	v7 =	vadd.f32 v28, v7;
	v20 =	vadd.f32 v59, v24  }
0x25c: {  	v9 =	vmin.f32 v9, $1.000000000e+00;
	v5 =	vadd.f32 v5, v6;
	v13 =	vsub.f32 $7.426100220e-02, v13  }
0x25d: {  	v21 =	vmax.f32 v60, $1.000000000e-30;
	v4 =	vand.u32 $0x7FFFFFFF, v9;
	v7 =	vmul.f32 v20, v7  }
0x25e: {  	v20 =	vmul.f32 v11, v11;
	v11 =	vmul.f32 v11, v17;
	v14 =	vsub.f32 v14, v19  }
0x25f: {  	v13 =	vmul.f32 v13, v22;
	v16 =	vsub.f32 v16, v18;
	v7 =	vmax.f32 v7, $1.000000000e-30  }
0x260: {  	v15 =	vsub.f32 v15, v18;
	v18 =	vmul.f32 v17, v17;
	v10 =	vsub.f32 v10, v19  }
0x261: {  	v19 =	vmul.f32 $5.000000000e-01, v21;
	v62 =	vmul.f32 v14, v14;
	v63 =	vshra.s32 v7, $0x1  }
0x262: {  	v29 =	vmul.f32 $5.000000000e-01, v7;
	v12 =	vadd.f32 $-2.121143940e-01, v13;
	v61 =	vmul.f32 v16, v16  }
0x263: {  	v32 =	vmul.f32 v15, v15;
	v33 =	vsub.s32 $0x5F3759DF, v63;
	v15 =	vmul.f32 v15, v16  }
0x264: {  	vm1 =	vlt.f32 v9, $0.0e+00;
	v16 =	vmul.f32 v33, v29;
	v12 =	vmul.f32 v12, v22  }
0x265: {  	v7 =	vadd.f32 v61, v18;
	v18 =	vmul.f32 v10, v10;
	v20 =	vadd.f32 v32, v20  }
0x266: {  	v10 =	vmul.f32 v10, v14;
	v11 =	vadd.f32 v15, v11;
	v16 =	vmul.f32 v33, v16  }
0x267: {  	s25 =	simm.s32 $0x40;
	v14 =	vshra.s32 v21, $0x1;
	v7 =	vadd.f32 v62, v7;
	v17 =	vadd.f32 v18, v20  }
0x268: {  	v14 =	vsub.s32 $0x5F3759DF, v14;
	v13 =	vsub.f32 $1.500000000e+00, v16;
	v16 =	vmov s25  }
0x269: {  	v15 =	vmul.f32 v17, v7;
	v7 =	vadd.f32 v10, v11;
	v10 =	vmul.f32 v14, v19  }
0x26a: {  	v12 =	vadd.f32 $1.570728780e+00, v12;
	v16 =	vshll.u32 v16, $0x3;
	v11 =	vmul.f32 v33, v13  }
0x26b: {  	v18 =	vor.u32 v0, v16;
	v13 =	vmax.f32 v15, $1.000000000e-30;
	v10 =	vmul.f32 v14, v10  }
0x26c: {  	v15 =	vshra.s32 v13, $0x1;
	v17 =	vmul.f32 v11, v29;
	v13 =	vmul.f32 $5.000000000e-01, v13  }
0x26d: {  	v20 =	vadd.s32 v2, v16;
	v15 =	vsub.s32 $0x5F3759DF, v15;
	v10 =	vsub.f32 $1.500000000e+00, v10  }
0x26e: {  	v16 =	vadd.s32 v1, v16;
	v21 =	vmul.f32 v15, v13;
	v17 =	vmul.f32 v17, v11  }
0x26f: {  	v23 =	vor.u32 $0x1, v18;
	v34 =	vor.u32 $0x1, v20;
	v10 =	vmul.f32 v14, v10  }
0x270: {  	v35 =	vor.u32 $0x2, v20;
	v21 =	vmul.f32 v15, v21;
	v17 =	vsub.f32 $1.500000000e+00, v17  }
0x271: {  	s26 =	simm.s32 $0x50;
	v22 =	vor.u32 $0x1, v16;
	v36 =	vor.u32 $0x2, v16;
	v19 =	vmul.f32 v10, v19  }
0x272: {  	v21 =	vsub.f32 $1.500000000e+00, v21;
	v11 =	vmul.f32 v17, v11;
	v17 =	vld.idx.msk [tilespmem:v20+s5+$0x0], $0xffff;
	v20 =	vmov s26  }
0x273: {  	v14 =	vor.u32 $0x2, v18;
	v19 =	vmul.f32 v19, v10;
	v20 =	vshll.u32 v20, $0x3  }
0x274: {  	v15 =	vmul.f32 v15, v21;
	v21 =	vsub.f32 $1.000000000e+00, v4;
	v5 =	vmul.f32 v11, v5  }
0x275: {  	v18 =	vld.idx.msk [tilespmem:v18+s5+$0x0], $0xffff;
	v38 =	vor.u32 v0, v20;
	v39 =	vadd.s32 v2, v20;
	v20 =	vadd.s32 v1, v20  }
0x276: {  	v16 =	vld.idx.msk [tilespmem:v16+s5+$0x0], $0xffff;
	v8 =	vsub.f32 $1.500000000e+00, v19;
	v19 =	vmul.f32 $1.872929930e-02, v4;
	v40 =	vor.u32 $0x1, v38  }
0x277: {  	v23 =	vld.idx.msk [tilespmem:v23+s5+$0x0], $0xffff;
	v30 =	vor.u32 $0x2, v38;
	v32 =	vor.u32 $0x1, v39;
	v37 =	vmax.f32 v21, $1.000000000e-30  }
0x278: {  	v9 =	vld.idx.msk [tilespmem:v34+s5+$0x0], $0xffff;
	v13 =	vmul.f32 v15, v13;
	v6 =	vshra.s32 v37, $0x1;
	v28 =	vmul.f32 $5.000000000e-01, v37  }
0x279: {  	v27 =	vld.idx.msk [tilespmem:v36+s5+$0x0], $0xffff;
	v33 =	vor.u32 $0x2, v39;
	v10 =	vmul.f32 v8, v10;
	v6 =	vsub.s32 $0x5F3759DF, v6  }
0x27a: {  	v14 =	vld.idx.msk [tilespmem:v14+s5+$0x0], $0xffff;
	v8 =	vmul.f32 v13, v15;
	v13 =	vsub.f32 $7.426100220e-02, v19;
	v11 =	vmul.f32 v6, v28  }
0x27b: {  	v5 =	vmax.f32 v5, $-1.000000000e+00;
	v18 =	vsub.f32 v18, v17;
	v19 =	vld.idx.msk [tilespmem:v35+s5+$0x0], $0xffff;
	v10 =	vmul.f32 v10, v60  }
0x27c: {  	v22 =	vld.idx.msk [tilespmem:v22+s5+$0x0], $0xffff;
	v8 =	vsub.f32 $1.500000000e+00, v8;
	v13 =	vmul.f32 v13, v4;
	v11 =	vmul.f32 v6, v11  }
0x27d: {  	v16 =	vsub.f32 v16, v17;
	v42 =	vmul.f32 v18, v18;
	v29 =	vld.idx.msk [tilespmem:v40+s5+$0x0], $0xffff;
	v12 =	vmul.f32 v10, v12  }
0x27e: {  	v49 =	vld.idx.msk [tilespmem:v32+s5+$0x0], $0xffff;
	v15 =	vmul.f32 v8, v15;
	v13 =	vadd.f32 $-2.121143940e-01, v13;
	v11 =	vsub.f32 $1.500000000e+00, v11  }
0x27f: {  	v44 =	vld.idx.msk [tilespmem:v20+s5+$0x0], $0xffff;
	v8 =	vsub.f32 v23, v9;
	v23 =	vor.u32 $0x1, v20;
	v20 =	vor.u32 $0x2, v20  }
0x280: {  	v14 =	vsub.f32 v14, v19;
	v19 =	vsub.f32 v27, v19;
	v31 =	vmul.f32 v6, v11  }
0x281: {  	v41 =	vld.idx.msk [tilespmem:v39+s5+$0x0], $0xffff;
	v51 =	vsub.f32 $3.141592740e+00, v12;
	v13 =	vmul.f32 v13, v4;
	v6 =	vmul.f32 v8, v8  }
0x282: {  	v17 =	vmul.f32 v14, v14;
	v11 =	vsub.f32 v22, v9;
	v22 =	vld.idx.msk [tilespmem:v38+s5+$0x0], $0xffff;
	v4 =	vmul.f32 v31, v28  }
0x283: {  	v9 =	vmul.f32 v16, v18;
	v47 =	vmul.f32 v19, v19;
	v54 =	vsub.f32 v29, v49  }
0x284: {  	v12 =	vsel vm0, v51, v12;
	v13 =	vadd.f32 $1.570728780e+00, v13;
	v43 =	vmul.f32 v4, v31  }
0x285: {  	v45 =	vld.idx.msk [tilespmem:v30+s5+$0x0], $0xffff;
	v46 =	vmul.f32 v11, v11;
	v4 =	vmin.f32 v5, $1.000000000e+00;
	v5 =	vmul.f32 v16, v16  }
0x286: {  	v18 =	vld.idx.msk [tilespmem:v33+s5+$0x0], $0xffff;
	v26 =	vadd.f32 v6, v42;
	v6 =	vand.u32 $0x7FFFFFFF, v4;
	v10 =	vsub.f32 $1.500000000e+00, v43  }
0x287: {  	v20 =	vld.idx.msk [tilespmem:v20+s5+$0x0], $0xffff;
	v22 =	vsub.f32 v22, v41;
	v16 =	vmul.f32 $1.872929930e-02, v6;
	v5 =	vadd.f32 v46, v5  }
0x288: {  	v48 =	vmul.f32 v10, v31;
	v10 =	vmul.f32 v19, v14;
	v14 =	vadd.f32 v17, v26  }
0x289: {  	v55 =	vmul.f32 v22, v22;
	v17 =	vsub.f32 v44, v41;
	v19 =	vld.idx.msk [tilespmem:v23+s5+$0x0], $0xffff;
	v23 =	vadd.f32 v47, v5  }
0x28a: {  	v16 =	vsub.f32 $7.426100220e-02, v16;
	v5 =	vsub.f32 $1.000000000e+00, v6;
	v21 =	vmul.f32 v48, v21  }
0x28b: {  	s28 =	simm.s32 $0x16C20;
	v50 =	vmul.f32 v17, v17;
	v14 =	vmul.f32 v23, v14;
	v23 =	vsub.f32 v45, v18  }
0x28c: {  	v53 =	vmul.f32 v16, v6;
	v16 =	vld [tilespmem:s28+$0xFFFFFFF0];
	v18 =	vsub.f32 v20, v18;
	v20 =	vmul.f32 v54, v54  }
0x28d: {  	v52 =	vmax.f32 v5, $1.000000000e-30;
	v21 =	vmul.f32 v21, v13;
	v14 =	vmax.f32 v14, $1.000000000e-30  }
0x28e: {  	v57 =	vld [tilespmem:s28+$0x0];
	v13 =	vmul.f32 $5.000000000e-01, v52;
	v59 =	vmul.f32 v23, v23;
	v20 =	vadd.f32 v20, v55  }
0x28f: {  	v60 =	vmul.f32 v18, v18;
	v23 =	vmul.f32 v18, v23;
	v19 =	vsub.f32 v19, v49  }
0x290: {  	s29 =	simm.s32 $0x16F40;
	v58 =	vshra.s32 v14, $0x1;
	v18 =	vmul.f32 $5.000000000e-01, v14;
	v56 =	vsub.f32 $3.141592740e+00, v21  }
0x291: {  	v61 =	vld [tilespmem:s29+$0xFFFFFFF0];
	v14 =	vmul.f32 v17, v22;
	v22 =	vmul.f32 v15, v7;
	v12 =	vsub.f32 v12, v16  }
0x292: {  	v28 =	vmul.f32 v19, v54;
	v19 =	vmul.f32 v19, v19;
	v21 =	vsel vm1, v56, v21  }
0x293: {  	v62 =	vld [tilespmem:s29+$0x0];
	v15 =	vadd.f32 $-2.121143940e-01, v53;
	v63 =	vsub.s32 $0x5F3759DF, v58;
	v21 =	vsub.f32 v21, v57  }
0x294: {  	v16 =	vshra.s32 v52, $0x1;
	v12 =	vmul.f32 v12, v12;
	v19 =	vadd.f32 v19, v50  }
0x295: {  	v14 =	vadd.f32 v28, v14;
	v17 =	vmul.f32 v21, v21;
	v21 =	vmul.f32 v63, v18  }
0x296: {  	v20 =	vadd.f32 v59, v20;
	v16 =	vsub.s32 $0x5F3759DF, v16;
	v12 =	vmul.f32 v12, v61  }
0x297: {  	v19 =	vadd.f32 v60, v19;
	v7 =	vadd.f32 v23, v14;
	v21 =	vmul.f32 v63, v21  }
0x298: {  	v14 =	vmax.f32 v22, $-1.000000000e+00;
	v17 =	vmul.f32 v17, v62;
	v22 =	vmul.f32 $5.000000000e-01, v12  }
0x299: {  	v23 =	vmul.f32 v16, v13;
	v19 =	vmul.f32 v19, v20;
	v21 =	vsub.f32 $1.500000000e+00, v21  }
0x29a: {  	s20 =	simm.s32 $0x16C40;
	s17 =	simm.s32 $0x16F80;
	v12 =	vmin.f32 v14, $1.000000000e+00;
	v3 =	vadd.f32 v22, v3;
	v14 =	vmul.f32 $5.000000000e-01, v17  }
0x29b: {  	s21 =	simm.s32 $0x16F60;
	s11 =	simm.s32 $0x16C40;
	s24 =	simm.s32 $0x70;
	v20 =	vmax.f32 v19, $1.000000000e-30;
	v19 =	vmul.f32 v16, v23;
	v17 =	vmul.f32 v63, v21  }
.LBB2_8:
0x29c: {  	s25 =	sadd.s32 $0xFFFFFFF0, s24  }
0x29d: {  	v8 =	vmul.f32 v11, v8;
	v11 =	vshra.s32 v20, $0x1;
	s20 =	sadd.s32 $0x20, s20;
	v3 =	vadd.f32 v14, v3;
	s22 =	smov.u32 s24;
	s12 =	sadd.s32 $0x20, s24  }
0x29e: {  	p1 =	sne.s32 s24, $0x310;
	v20 =	vmul.f32 $5.000000000e-01, v20;
	v14 =	vmov s25;
	v18 =	vmul.f32 v17, v18  }
0x29f: {  	v11 =	vsub.s32 $0x5F3759DF, v11;
	v19 =	vsub.f32 $1.500000000e+00, v19;
	v14 =	vshll.u32 v14, $0x3  }
0x2a0: {  	v23 =	vmul.f32 v11, v20;
	v21 =	vor.u32 v0, v14;
	v22 =	vadd.s32 v2, v14  }
0x2a1: {  	v16 =	vmul.f32 v16, v19;
	v24 =	vor.u32 $0x1, v21;
	v25 =	vor.u32 $0x1, v22  }
0x2a2: {  	v19 =	vor.u32 $0x2, v21;
	v26 =	vor.u32 $0x2, v22;
	v23 =	vmul.f32 v11, v23  }
0x2a3: {  	v6 =	vmul.f32 v15, v6;
	v14 =	vadd.s32 v1, v14;
	v13 =	vmul.f32 v16, v13  }
0x2a4: {  	v15 =	vor.u32 $0x1, v14;
	v27 =	vor.u32 $0x2, v14;
	v23 =	vsub.f32 $1.500000000e+00, v23  }
0x2a5: {  	vm0 =	vlt.f32 v4, $0.0e+00;
	v4 =	vand.u32 $0x7FFFFFFF, v12;
	v13 =	vmul.f32 v13, v16  }
0x2a6: {  	v18 =	vmul.f32 v18, v17;
	v11 =	vmul.f32 v11, v23;
	v23 =	vsub.f32 $1.000000000e+00, v4;
	v24 =	vld.idx.msk [tilespmem:v24+s5+$0x0], $0xffff  }
0x2a7: {  	v8 =	vadd.f32 v8, v9;
	v9 =	vsub.f32 $1.500000000e+00, v13;
	v13 =	vmul.f32 $1.872929930e-02, v4  }
0x2a8: {  	v18 =	vsub.f32 $1.500000000e+00, v18;
	v20 =	vmul.f32 v11, v20;
	v28 =	vmax.f32 v23, $1.000000000e-30;
	v21 =	vld.idx.msk [tilespmem:v21+s5+$0x0], $0xffff  }
0x2a9: {  	v8 =	vadd.f32 v10, v8;
	v10 =	vshra.s32 v28, $0x1;
	v28 =	vmul.f32 $5.000000000e-01, v28  }
0x2aa: {  	v6 =	vadd.f32 $1.570728780e+00, v6;
	v17 =	vmul.f32 v18, v17;
	v9 =	vmul.f32 v9, v16;
	v22 =	vld.idx.msk [tilespmem:v22+s5+$0x0], $0xffff  }
0x2ab: {  	v13 =	vsub.f32 $7.426100220e-02, v13;
	v18 =	vmul.f32 v20, v11;
	v10 =	vsub.s32 $0x5F3759DF, v10;
	v16 =	vld.idx.msk [tilespmem:v26+s5+$0x0], $0xffff  }
0x2ac: {  	vm1 =	vlt.f32 v12, $0.0e+00;
	v8 =	vmul.f32 v17, v8;
	v17 =	vmul.f32 v10, v28;
	v20 =	vld.idx.msk [tilespmem:v25+s5+$0x0], $0xffff  }
0x2ad: {  	v13 =	vmul.f32 v13, v4;
	v18 =	vsub.f32 $1.500000000e+00, v18;
	v12 =	vld.idx.msk [tilespmem:v19+s5+$0x0], $0xffff;
	v19 =	vmov s22  }
0x2ae: {  	v25 =	vmax.f32 v8, $-1.000000000e+00;
	v8 =	vmul.f32 v10, v17;
	v19 =	vshll.u32 v19, $0x3  }
0x2af: {  	v29 =	vmul.f32 v18, v11;
	v14 =	vld.idx.msk [tilespmem:v14+s5+$0x0], $0xffff;
	v17 =	vor.u32 v0, v19;
	v26 =	vadd.s32 v2, v19  }
0x2b0: {  	v18 =	vsub.f32 v21, v22;
	v19 =	vadd.s32 v1, v19;
	v21 =	vsub.f32 $1.500000000e+00, v8;
	v11 =	vld.idx.msk [tilespmem:v27+s5+$0x0], $0xffff  }
0x2b1: {  	v13 =	vadd.f32 $-2.121143940e-01, v13;
	v27 =	vor.u32 $0x1, v17;
	v30 =	vor.u32 $0x2, v17;
	v15 =	vld.idx.msk [tilespmem:v15+s5+$0x0], $0xffff  }
0x2b2: {  	v8 =	vsub.f32 v24, v20;
	v24 =	vor.u32 $0x1, v19;
	v10 =	vmul.f32 v10, v21  }
0x2b3: {  	v13 =	vmul.f32 v13, v4;
	v21 =	vor.u32 $0x1, v26;
	v12 =	vsub.f32 v12, v16  }
0x2b4: {  	v31 =	vmul.f32 v8, v8;
	v4 =	vmul.f32 v10, v28;
	v32 =	vld.idx.msk [tilespmem:v26+s5+$0x0], $0xffff;
	v26 =	vor.u32 $0x2, v26  }
0x2b5: {  	v5 =	vmul.f32 v9, v5;
	v14 =	vsub.f32 v14, v22;
	v22 =	vmul.f32 v12, v12;
	v28 =	vld.idx.msk [tilespmem:v19+s5+$0x0], $0xffff  }
0x2b6: {  	v9 =	vmul.f32 v18, v18;
	v16 =	vsub.f32 v11, v16;
	v33 =	vmul.f32 v4, v10;
	v17 =	vld.idx.msk [tilespmem:v17+s5+$0x0], $0xffff  }
0x2b7: {  	v4 =	vmin.f32 v25, $1.000000000e+00;
	v11 =	vsub.f32 v15, v20;
	v20 =	vmul.f32 v5, v6;
	v15 =	vld.idx.msk [tilespmem:v24+s5+$0x0], $0xffff  }
0x2b8: {  	v19 =	vor.u32 $0x2, v19;
	v5 =	vmul.f32 v14, v14;
	v25 =	vsub.f32 $1.500000000e+00, v33;
	v24 =	vld.idx.msk [tilespmem:v30+s5+$0x0], $0xffff  }
0x2b9: {  	v6 =	vand.u32 $0x7FFFFFFF, v4;
	v30 =	vadd.f32 v31, v9;
	v31 =	vmul.f32 v11, v11;
	v27 =	vld.idx.msk [tilespmem:v27+s5+$0x0], $0xffff  }
0x2ba: {  	v13 =	vadd.f32 $1.570728780e+00, v13;
	v9 =	vmul.f32 v14, v18;
	v18 =	vmul.f32 $1.872929930e-02, v6;
	v14 =	vld.idx.msk [tilespmem:v26+s5+$0x0], $0xffff  }
0x2bb: {  	v25 =	vmul.f32 v25, v10;
	v5 =	vadd.f32 v31, v5;
	v26 =	vmul.f32 v16, v16;
	v21 =	vld.idx.msk [tilespmem:v21+s5+$0x0], $0xffff  }
0x2bc: {  	v10 =	vmul.f32 v16, v12;
	v12 =	vadd.f32 v22, v30;
	v22 =	vsub.f32 v28, v32  }
0x2bd: {  	v18 =	vsub.f32 $7.426100220e-02, v18;
	v23 =	vmul.f32 v25, v23;
	v16 =	vadd.f32 v26, v5;
	v19 =	vld.idx.msk [tilespmem:v19+s5+$0x0], $0xffff  }
0x2be: {  	v25 =	vmul.f32 v22, v22;
	v5 =	vsub.f32 $1.000000000e+00, v6;
	v26 =	vsub.f32 $3.141592740e+00, v20  }
0x2bf: {  	v17 =	vsub.f32 v17, v32;
	v12 =	vmul.f32 v16, v12;
	v16 =	vmul.f32 v23, v13  }
0x2c0: {  	v28 =	vmul.f32 v18, v6;
	v23 =	vsub.f32 v24, v14;
	v24 =	vmax.f32 v5, $1.000000000e-30;
	v18 =	vld [tilespmem:s11+$0xFFFFFFF0]  }
0x2c1: {  	v20 =	vsel vm0, v26, v20;
	v12 =	vmax.f32 v12, $1.000000000e-30;
	v27 =	vsub.f32 v27, v21  }
0x2c2: {  	v15 =	vsub.f32 v15, v21;
	v21 =	vmul.f32 v17, v17;
	v26 =	vsub.f32 $3.141592740e+00, v16;
	v30 =	vld [tilespmem:s11+$0x0];
	s11 =	smov.u32 s20  }
0x2c3: {  	v13 =	vmul.f32 $5.000000000e-01, v24;
	v14 =	vsub.f32 v19, v14;
	v19 =	vmul.f32 v27, v27  }
0x2c4: {  	v31 =	vshra.s32 v12, $0x1;
	v32 =	vmul.f32 v23, v23;
	v16 =	vsel vm1, v26, v16  }
0x2c5: {  	v19 =	vadd.f32 v19, v21;
	v21 =	vmul.f32 v14, v14;
	v20 =	vsub.f32 v20, v18;
	v26 =	vld [tilespmem:s21+$0xFFFFFFF0]  }
0x2c6: {  	v27 =	vmul.f32 v15, v27;
	v14 =	vmul.f32 v14, v23;
	v23 =	vshra.s32 v24, $0x1;
	v24 =	vld [tilespmem:s21+$0x0];
	s21 =	smov.u32 s17  }
0x2c7: {  	v15 =	vmul.f32 v15, v15;
	v19 =	vadd.f32 v32, v19;
	v30 =	vsub.f32 v16, v30  }
0x2c8: {  	v18 =	vmul.f32 $5.000000000e-01, v12;
	v16 =	vsub.s32 $0x5F3759DF, v23;
	v12 =	vmul.f32 v20, v20  }
0x2c9: {  	v17 =	vmul.f32 v22, v17;
	v20 =	vsub.s32 $0x5F3759DF, v31;
	v22 =	vmul.f32 v30, v30  }
0x2ca: {  	v15 =	vadd.f32 v15, v25;
	v23 =	vmul.f32 v20, v18;
	v12 =	vmul.f32 v12, v26  }
0x2cb: {  	v17 =	vadd.f32 v27, v17;
	v25 =	vmul.f32 v29, v7;
	v22 =	vmul.f32 v22, v24  }
.Ltmp3:
0x2cc: {  	v21 =	vadd.f32 v21, v15;
	v15 =	vadd.f32 $-2.121143940e-01, v28;
	v23 =	vmul.f32 v20, v23;
	(pc) =	sbr.rel @p1 .LBB2_8-.Ltmp3, $4  }
0x2cd: {  	v7 =	vadd.f32 v14, v17;
	v14 =	vmax.f32 v25, $-1.000000000e+00;
	v17 =	vmul.f32 $5.000000000e-01, v12  }
0x2ce: {  	v19 =	vmul.f32 v21, v19;
	v21 =	vmul.f32 v16, v13;
	v23 =	vsub.f32 $1.500000000e+00, v23  }
0x2cf: {  	v12 =	vmin.f32 v14, $1.000000000e+00;
	v14 =	vmul.f32 $5.000000000e-01, v22;
	v3 =	vadd.f32 v17, v3  }
0x2d0: {  	s24 =	smov.u32 s12;
	s17 =	sadd.s32 $0x20, s17;
	v17 =	vmul.f32 v20, v23;
	v20 =	vmax.f32 v19, $1.000000000e-30;
	v19 =	vmul.f32 v16, v21  }
0x2d1: {  	v21 =	vshra.s32 v20, $0x1;
	v44 =	vmul.f32 $5.000000000e-01, v20  }
0x2d2: {  	v21 =	vsub.s32 $0x5F3759DF, v21  }
0x2d3: {  	v22 =	vmul.f32 v21, v44;
	_ =	sdelay $0x1  }
0x2d4: {  	v22 =	vmul.f32 v21, v22;
	_ =	sdelay $0x1  }
0x2d5: {  	v22 =	vsub.f32 $1.500000000e+00, v22;
	_ =	sdelay $0x1  }
0x2d6: {  	v18 =	vmul.f32 v17, v18;
	v21 =	vmul.f32 v21, v22  }
0x2d7: {  	v8 =	vmul.f32 v11, v8  }
0x2d8: {  	v45 =	vmul.f32 v18, v17;
	v46 =	vmul.f32 v21, v44  }
0x2d9: {  	v47 =	vand.u32 $0x7FFFFFFF, v12  }
0x2da: {  	v8 =	vadd.f32 v8, v9;
	v48 =	vsub.f32 $1.500000000e+00, v45;
	v49 =	vmul.f32 v46, v21  }
0x2db: {  	v50 =	vsub.f32 $1.000000000e+00, v47  }
0x2dc: {  	v8 =	vadd.f32 v10, v8;
	v9 =	vmul.f32 v48, v17;
	v51 =	vsub.f32 $1.500000000e+00, v49  }
0x2dd: {  	v52 =	vsub.f32 $1.500000000e+00, v19  }
0x2de: {  	v53 =	vmax.f32 v50, $1.000000000e-30;
	v8 =	vmul.f32 v9, v8;
	v54 =	vmul.f32 v51, v21  }
0x2df: {  	v6 =	vmul.f32 v15, v6;
	v55 =	vmul.f32 v16, v52;
	v56 =	vshra.s32 v53, $0x1  }
0x2e0: {  	v57 =	vmul.f32 $5.000000000e-01, v53;
	v8 =	vmax.f32 v8, $-1.000000000e+00;
	v7 =	vmul.f32 v54, v7  }
0x2e1: {  	v11 =	vsub.s32 $0x5F3759DF, v56;
	v13 =	vmul.f32 v55, v13;
	v8 =	vmin.f32 v8, $1.000000000e+00  }
0x2e2: {  	v58 =	vmul.f32 v11, v57;
	v59 =	vand.u32 $0x7FFFFFFF, v8;
	v7 =	vmax.f32 v7, $-1.000000000e+00  }
0x2e3: {  	v13 =	vmul.f32 v13, v55;
	v60 =	vsub.f32 $1.000000000e+00, v59;
	v7 =	vmin.f32 v7, $1.000000000e+00  }
0x2e4: {  	v61 =	vmul.f32 $1.872929930e-02, v47;
	v9 =	vmul.f32 v11, v58;
	v62 =	vand.u32 $0x7FFFFFFF, v7  }
0x2e5: {  	v13 =	vsub.f32 $1.500000000e+00, v13;
	v23 =	vmax.f32 v60, $1.000000000e-30;
	v24 =	vsub.f32 $1.000000000e+00, v62  }
0x2e6: {  	v9 =	vsub.f32 $1.500000000e+00, v9;
	v25 =	vmul.f32 $5.000000000e-01, v23;
	v23 =	vshra.s32 v23, $0x1  }
0x2e7: {  	v10 =	vmul.f32 v13, v55;
	v63 =	vsub.s32 $0x5F3759DF, v23;
	v30 =	vmax.f32 v24, $1.000000000e-30  }
0x2e8: {  	v26 =	vmul.f32 v63, v25;
	v27 =	vshra.s32 v30, $0x1;
	v23 =	vmul.f32 $5.000000000e-01, v30  }
0x2e9: {  	v9 =	vmul.f32 v11, v9;
	v5 =	vmul.f32 v10, v5;
	v27 =	vsub.s32 $0x5F3759DF, v27  }
0x2ea: {  	v26 =	vmul.f32 v63, v26;
	v28 =	vmul.f32 v27, v23  }
0x2eb: {  	v6 =	vadd.f32 $1.570728780e+00, v6;
	v34 =	vmul.f32 $1.872929930e-02, v59;
	v16 =	vmul.f32 v9, v57  }
0x2ec: {  	v21 =	vsub.f32 $7.426100220e-02, v61;
	v32 =	vsub.f32 $1.500000000e+00, v26;
	v33 =	vmul.f32 v27, v28  }
0x2ed: {  	v5 =	vmul.f32 v5, v6;
	v37 =	vsub.f32 $7.426100220e-02, v34;
	v16 =	vmul.f32 v16, v9  }
0x2ee: {  	v21 =	vmul.f32 v21, v47;
	v35 =	vmul.f32 v63, v32;
	v36 =	vsub.f32 $1.500000000e+00, v33  }
0x2ef: {  	v13 =	vmul.f32 v37, v59;
	v16 =	vsub.f32 $1.500000000e+00, v16;
	v38 =	vmul.f32 $1.872929930e-02, v62  }
0x2f0: {  	v39 =	vmul.f32 v35, v25;
	v11 =	vmul.f32 v27, v36  }
0x2f1: {  	v31 =	vadd.f32 $-2.121143940e-01, v21;
	v9 =	vmul.f32 v16, v9;
	v16 =	vsub.f32 $7.426100220e-02, v38  }
0x2f2: {  	v20 =	vmul.f32 v39, v35;
	v40 =	vmul.f32 v11, v23  }
0x2f3: {  	vm0 =	vlt.f32 v4, $0.0e+00;
	v15 =	vmul.f32 v31, v47;
	v42 =	vmul.f32 v16, v62  }
0x2f4: {  	v41 =	vadd.f32 $-2.121143940e-01, v13;
	v43 =	vsub.f32 $1.500000000e+00, v20;
	v44 =	vmul.f32 v40, v11  }
0x2f5: {  	v9 =	vmul.f32 v9, v50;
	v15 =	vadd.f32 $1.570728780e+00, v15;
	v13 =	vadd.f32 $-2.121143940e-01, v42  }
0x2f6: {  	v46 =	vld [tilespmem:s11+$0xFFFFFFF0];
	v6 =	vmul.f32 v41, v59;
	v45 =	vmul.f32 v43, v35;
	v47 =	vsub.f32 $1.500000000e+00, v44  }
0x2f7: {  	v49 =	vld [tilespmem:s11+$0x0];
	v48 =	vsub.f32 $3.141592740e+00, v5;
	v9 =	vmul.f32 v9, v15;
	v13 =	vmul.f32 v13, v62  }
0x2f8: {  	s24 =	sadd.s32 $0x20, s20;
	v6 =	vadd.f32 $1.570728780e+00, v6;
	v4 =	vmul.f32 v45, v60;
	v11 =	vmul.f32 v47, v11  }
0x2f9: {  	vm1 =	vlt.f32 v12, $0.0e+00;
	v53 =	vld [tilespmem:s24+$0xFFFFFFF0];
	v5 =	vsel vm0, v48, v5;
	v50 =	vsub.f32 $3.141592740e+00, v9  }
0x2fa: {  	v51 =	vld [tilespmem:s21+$0xFFFFFFF0];
	v52 =	vadd.f32 $1.570728780e+00, v13;
	v4 =	vmul.f32 v4, v6;
	v11 =	vmul.f32 v11, v24  }
0x2fb: {  	v54 =	vld [tilespmem:s21+$0x0];
	v5 =	vsub.f32 v5, v46;
	v9 =	vsel vm1, v50, v9  }
0x2fc: {  	v56 =	vld [tilespmem:s24+$0x0];
	v9 =	vsub.f32 v9, v49;
	v55 =	vsub.f32 $3.141592740e+00, v4;
	v6 =	vmul.f32 v11, v52  }
0x2fd: {  	vm14 =	vlt.f32 v8, $0.0e+00;
	v5 =	vmul.f32 v5, v5  }
0x2fe: {  	v59 =	vld [tilespmem:s17+$0xFFFFFFF0];
	v57 =	vmul.f32 v9, v9;
	v4 =	vsel vm14, v55, v4;
	v58 =	vsub.f32 $3.141592740e+00, v6  }
0x2ff: {  	vm15 =	vlt.f32 v7, $0.0e+00;
	v5 =	vmul.f32 v5, v51;
	v4 =	vsub.f32 v4, v53  }
0x300: {  	v3 =	vadd.f32 v14, v3;
	v61 =	vld [tilespmem:s17+$0x0];
	v60 =	vmul.f32 v57, v54;
	v6 =	vsel vm15, v58, v6  }
0x301: {  	v5 =	vmul.f32 $5.000000000e-01, v5;
	v4 =	vmul.f32 v4, v4;
	v6 =	vsub.f32 v6, v56  }
0x302: {  	v7 =	vmul.f32 $5.000000000e-01, v60  }
0x303: {  	v3 =	vadd.f32 v5, v3;
	v4 =	vmul.f32 v4, v59;
	v62 =	vmul.f32 v6, v6;
	_ =	sdelay $0x1  }
0x304: {  	v3 =	vadd.f32 v7, v3;
	v4 =	vmul.f32 $5.000000000e-01, v4;
	v5 =	vmul.f32 v62, v61;
	_ =	sdelay $0x1  }
0x305: {  	v3 =	vadd.f32 v4, v3;
	v63 =	vmul.f32 $5.000000000e-01, v5;
	_ =	sdelay $0x1  }
0x306: {  	v3 =	vadd.f32 v63, v3;
	_ =	sdelay $0x1  }
0x307: {  	s25 =	rddreg [dreg:$0x12];
	s12 =	simm.s32 $0x17890;
	s26 =	simm.s32 $0x7;
	[tilespmem:$0x17890] =	vst v3  }
0x308: {  	[hbm4b:s25+s7] =	stream.linear.scatter [tilespmem:s12], [sflag:$0x7], $0x10, $0x38;
	[tilespmem:$0x178A0] =	vst v63  }
0x309: {  	_ =	swait.ge [sflag:s26], $0x10  }
0x30a: {  	s28 =	rddreg [dreg:$0x15]  }
0x30b: {  	s29 =	rddreg [dreg:$0x13];
	s17 =	sadd.s32 $0x1, s28  }
0x30c: {  	p1 =	sne.s32 s17, s29  }
.Ltmp4:
0x30d: {  	_ = 	snop;
	(pc) =	sbr.rel @p1 .LBB2_1-.Ltmp4, $3  }
0x30e: {  	_ =	sdelay $0x1  }
0x30f: {  	[sflag:s26] =	ssyncset.done $0x0  }
0x310: {  	[sflag:s26] =	ssyncadd.s32 $0xFFFFFFF0  }
0x311: {  	_ =	sfence.sel $0x180000  }
0x312: {  	[bflag:$0x0] =	sbarrier.arrive $0xFFFF  }
0x313: {  	_ =	strace $0x90000047  }
0x314: {  	[bflag:$0x2] =	sbarrier.arrive $0xFFFF  }
0x315: {  	s0 =	rddreg [dreg:$0x8]  }
0x316: {  	s0 =	sadd.s32 @!p0 $0x100000, s0  }
0x317: {  	[sflag:s0] =	ssyncadd.tile.s32 @!p0 $0x1;
	_ =	shalt  }
.Lfunc_end2:
_tile_overlayer_lowered:
.L_overlay_start_2:
0x318: {  	(tag) =	ssettag $0x2  }
0x319: {  	s0 =	rddreg [dreg:$0x0];
	s2 =	stileid.u32  }
0x31a: {  	s1 =	rddreg [dreg:$0x1];
	p0 =	sne.s32 s2, $0x0  }
0x31b: {  	s3 =	rddreg [dreg:$0x2];
	[bflag:$0x3] =	sbarrier.arrive $0xFFFF;
	s2 =	simm.s32 @!p0 $0x1C07  }
0x31c: {  	[timem:s3], [sflag:s2] =	dma.local @!p0 [hbm:s0], s1  }
0x31d: {  	s0 =	simm.s32 @!p0 $0x7  }
0x31e: {  	_ =	swait.ge @!p0 [sflag:s0], s1  }
0x31f: {  	s1 =	ssub.s32 @!p0 $0x0, s1;
	[sflag:s0] =	ssyncset.done @!p0 $0x0  }
0x320: {  	[sflag:s0] =	ssyncadd.s32 @!p0 s1  }
0x321: {  	[bflag:$0x3] =	sbarrier.arrive $0xFFFF  }
0x322: {  	_ =	shalt  }

</sc_bundles>
